<compile_context>
chip_gen: v7x
topology: tpu7x:2x2x1
jax: 0.10.2.dev20260603
libtpu: 0.0.44.dev20260713+nightly
codegen_flags: <defaults>
</compile_context>

<pallas_src>
import jax
import jax.numpy as jnp
from jax import lax
from jax.experimental import pallas as pl
from jax.experimental.pallas import tpu as pltpu
from jax.experimental.pallas import tpu_sc as plsc

N = 10000
E = 320000
D = 128

NC = 2
NS = 16
NW = NC * NS
EPW = E // NW
K = 125
NCHUNK = EPW // K
RSTRIPE = 624
RTAIL = N - NS * RSTRIPE


def _stripe_copy(src_at, dst_at, sid):
    pltpu.sync_copy(src_at(sid * RSTRIPE, RSTRIPE), dst_at(sid * RSTRIPE, RSTRIPE))

    @pl.when(sid == NS - 1)
    def _():
        pltpu.sync_copy(src_at(NS * RSTRIPE, RTAIL), dst_at(NS * RSTRIPE, RTAIL))


NB = 5
NROUND = NCHUNK // NB


def _sc_scatter_body(g_hbm, src4d_hbm, dst4d_hbm, zeros_hbm, out_hbm,
                     src_slab, dst_slab, acc_sh):
    cid = lax.axis_index("c")
    sid = lax.axis_index("s")
    wid = sid * NC + cid

    pltpu.sync_copy(src4d_hbm.at[wid], src_slab)
    pltpu.sync_copy(dst4d_hbm.at[wid], dst_slab)

    _stripe_copy(lambda o, n: zeros_hbm.at[pl.ds(o, n)],
                 lambda o, n: acc_sh.at[pl.ds(o, n)], sid)

    plsc.subcore_barrier()

    @plsc.parallel_loop(0, NCHUNK, unroll=5)
    def chunk(c):
        def inner(rows_v):
            pltpu.sync_copy(g_hbm.at[src_slab.at[c, 0]], rows_v)
            pltpu.sync_copy(rows_v, acc_sh.at[dst_slab.at[c, 0]], add=True)

        pl.run_scoped(inner, pltpu.VMEM((K, D), jnp.float32))

    plsc.subcore_barrier()

    _stripe_copy(lambda o, n: acc_sh.at[pl.ds(o, n)],
                 lambda o, n: out_hbm.at[cid, pl.ds(o, n)], sid)


_sc_scatter = pl.kernel(
    _sc_scatter_body,
    out_type=jax.ShapeDtypeStruct((NC, N, D), jnp.float32),
    mesh=plsc.VectorSubcoreMesh(core_axis_name="c", subcore_axis_name="s"),
    name="sc_edge_scatter",
    scratch_types=[
        pltpu.VMEM((NCHUNK, 1, K), jnp.int32),
        pltpu.VMEM((NCHUNK, 1, K), jnp.int32),
        pltpu.VMEM_SHARED((N, D), jnp.float32),
    ],
)


def _dinv(degp_ref):
    deg = degp_ref[0, :, 0:1] + degp_ref[1, :, 0:1] + 1.0
    return lax.rsqrt(deg)


def _tc_first_body(degp_ref, x_ref, w_ref, out_ref):
    dinv = _dinv(degp_ref)
    out_ref[...] = jnp.dot(dinv * x_ref[...], w_ref[...],
                           preferred_element_type=jnp.float32)


def _tc_mid_body(degp_ref, g_ref, sp_ref, b_ref, w_ref, out_ref):
    dinv = _dinv(degp_ref)
    h = dinv * (g_ref[...] + sp_ref[0] + sp_ref[1]) + b_ref[...]
    xn = jnp.where(h > 0, h, 0.1 * h)
    out_ref[...] = jnp.dot(dinv * xn, w_ref[...],
                           preferred_element_type=jnp.float32)


def _tc_final_body(degp_ref, g_ref, sp_ref, b_ref, out_ref):
    dinv = _dinv(degp_ref)
    h = dinv * (g_ref[...] + sp_ref[0] + sp_ref[1]) + b_ref[...]
    out_ref[...] = jnp.sum(h, axis=1, keepdims=True) * (1.0 / D)


_tc_first = pl.pallas_call(
    _tc_first_body, out_shape=jax.ShapeDtypeStruct((N, D), jnp.float32))
_tc_mid = pl.pallas_call(
    _tc_mid_body, out_shape=jax.ShapeDtypeStruct((N, D), jnp.float32))
_tc_final = pl.pallas_call(
    _tc_final_body, out_shape=jax.ShapeDtypeStruct((N, 1), jnp.float32))


def kernel(x, edge_index, W1, b1, W2, b2, W3, b3, W4, b4):
    src4d = edge_index[0].reshape(NW, NCHUNK, 1, K)
    dst4d = edge_index[1].reshape(NW, NCHUNK, 1, K)
    zeros = x * 0.0
    ones_nd = zeros + 1.0

    degp = _sc_scatter(ones_nd, src4d, dst4d, zeros)

    g = _tc_first(degp, x, W1)
    for b, w in ((b1, W2), (b2, W3), (b3, W4)):
        sp = _sc_scatter(g, src4d, dst4d, zeros)
        g = _tc_mid(degp, g, sp, b.reshape(1, D), w)
    sp = _sc_scatter(g, src4d, dst4d, zeros)
    out = _tc_final(degp, g, sp, b4.reshape(1, D))
    return out.reshape(N)

# --- scband reference (transcript-rebuilt; emitter-appended) ---
"""Pipeline reference for scband-gcn-48009144435000 (READ-ONLY COPY).

The authoritative reference and input builder live on the scoring server;
editing this copy changes nothing except your own understanding.
"""

import jax, jax.numpy as jnp
import numpy as np

N = 10000
E = 320000
D_IN = 128
D_HID = 128
D_OUT = 128


def _glorot(key, fan_in, fan_out):
    limit = np.sqrt(6.0 / (fan_in + fan_out))
    return jax.random.uniform(key, (fan_in, fan_out), dtype=jnp.float32, minval=-limit, maxval=limit)


def setup_inputs(seed: int = 0) -> dict:
    key = jax.random.key(seed)
    ks = jax.random.split(key, 10)
    x = jax.random.normal(ks[0], (N, D_IN), dtype=jnp.float32)
    edge_index = jax.random.randint(ks[1], (2, E), 0, N, dtype=jnp.int32)
    W1 = _glorot(ks[2], D_IN, D_HID)
    b1 = jnp.zeros((D_HID,), dtype=jnp.float32)
    W2 = _glorot(ks[3], D_HID, D_HID)
    b2 = jnp.zeros((D_HID,), dtype=jnp.float32)
    W3 = _glorot(ks[4], D_HID, D_HID)
    b3 = jnp.zeros((D_HID,), dtype=jnp.float32)
    W4 = _glorot(ks[5], D_HID, D_OUT)
    b4 = jnp.zeros((D_OUT,), dtype=jnp.float32)
    return {"x": x, "edge_index": edge_index, "W1": W1, "b1": b1, "W2": W2, "b2": b2, "W3": W3, "b3": b3, "W4": W4, "b4": b4}


def gcn_conv(x, edge_index, W, b):
    # PyG GCNConv: x' = D^{-1/2} (A + I) D^{-1/2} (x W) + b
    n = x.shape[0]
    src = edge_index[0]
    dst = edge_index[1]
    loop = jnp.arange(n, dtype=src.dtype)
    src = jnp.concatenate([src, loop])
    dst = jnp.concatenate([dst, loop])
    deg = jnp.zeros((n,), dtype=x.dtype).at[dst].add(1.0)
    dinv = jnp.where(deg > 0, jax.lax.rsqrt(deg), 0.0)
    norm = dinv[src] * dinv[dst]
    h = x @ W
    msg = h[src] * norm[:, None]
    out = jnp.zeros((n, W.shape[1]), dtype=x.dtype).at[dst].add(msg)
    return out + b


def reference(x, edge_index, W1, b1, W2, b2, W3, b3, W4, b4):
    h = gcn_conv(x, edge_index, W1, b1)
    h = jax.nn.leaky_relu(h, negative_slope=0.1)
    h = gcn_conv(h, edge_index, W2, b2)
    h = jax.nn.leaky_relu(h, negative_slope=0.1)
    h = gcn_conv(h, edge_index, W3, b3)
    h = jax.nn.leaky_relu(h, negative_slope=0.1)
    h = gcn_conv(h, edge_index, W4, b4)
    return h.mean(axis=1)

if __name__ == "__main__":
    import jax
    _d = setup_inputs()
    print(jax.jit(kernel)(*tuple(_d.values())))

</pallas_src>

<mosaic_0001>
#map = affine_map<(d0, d1) -> (0, 0)>
#map1 = affine_map<(d0, d1) -> (0, 0, 0, 0)>
#map2 = affine_map<(d0, d1) -> (0, 0, 0)>
module attributes {stable_mosaic.version = 14 : i64} {
  func.func @sc_edge_scatter(%arg0: i32, %arg1: i32, %arg2: memref<10000x128xf32, #tpu.memory_space<hbm>>, %arg3: memref<32x80x1x125xi32, #tpu.memory_space<hbm>>, %arg4: memref<32x80x1x125xi32, #tpu.memory_space<hbm>>, %arg5: memref<10000x128xf32, #tpu.memory_space<hbm>>, %arg6: memref<2x10000x128xf32, #tpu.memory_space<hbm>>, %arg7: memref<80x1x125xi32, #tpu.memory_space<vmem>>, %arg8: memref<80x1x125xi32, #tpu.memory_space<vmem>>, %arg9: memref<10000x128xf32, #tpu.memory_space<vmem_shared>>) attributes {dimension_semantics = [#tpu.dimension_semantics<core_parallel>, #tpu.dimension_semantics<subcore_parallel>], iteration_bounds = array<i64: 2, 16>, scalar_prefetch = 0 : i64, scratch_operands = 3 : i64, tpu.core_type = #tpu.core_type<sc_vector_subcore>, window_params = [{transform_indices = #map}, {transform_indices = #map1}, {transform_indices = #map1}, {transform_indices = #map}, {transform_indices = #map2}]} {
    %mul3A = arith.constant 2 : i32
    %mul3A_0 = arith.muli %arg1, %mul3A : i32
    %add3A = arith.addi %mul3A_0, %arg0 : i32
    "tpu.region"() ({
      %run_scoped3A = tpu.sem_alloc : memref<!tpu.dma_semaphore, #tpu.memory_space<semaphore_mem>>
      %dma_start3A = arith.constant 0 : i32
      %dma_start3A_19 = arith.constant 0 : i32
      %dma_start3A_20 = arith.constant 0 : i32
      %dma_start3A_21 = tpu.memref_slice %arg3[%add3A, %dma_start3A, %dma_start3A_19, %dma_start3A_20] : memref<32x80x1x125xi32, #tpu.memory_space<hbm>> -> memref<1x80x1x125xi32, #tpu.memory_space<hbm>>
      %dma_start3A_22 = tpu.memref_squeeze %dma_start3A_21 : memref<1x80x1x125xi32, #tpu.memory_space<hbm>> -> memref<80x1x125xi32, #tpu.memory_space<hbm>>
      %dma_start3A_23 = arith.constant 0 : i32
      %dma_start3A_24 = arith.constant 0 : i32
      %dma_start3A_25 = arith.constant 0 : i32
      %dma_start3A_26 = tpu.memref_slice %arg3[%add3A, %dma_start3A_23, %dma_start3A_24, %dma_start3A_25] : memref<32x80x1x125xi32, #tpu.memory_space<hbm>> -> memref<1x80x1x125xi32, #tpu.memory_space<hbm>>
      %dma_start3A_27 = tpu.memref_squeeze %dma_start3A_26 : memref<1x80x1x125xi32, #tpu.memory_space<hbm>> -> memref<80x1x125xi32, #tpu.memory_space<hbm>>
      tpu.enqueue_dma source(%dma_start3A_27 : memref<80x1x125xi32, #tpu.memory_space<hbm>>) target(%arg7 : memref<80x1x125xi32, #tpu.memory_space<vmem>>) target_semaphore(%run_scoped3A : memref<!tpu.dma_semaphore, #tpu.memory_space<semaphore_mem>>)
      %dma_wait3A = arith.constant 0 : i32
      %dma_wait3A_28 = arith.constant 0 : i32
      %dma_wait3A_29 = arith.constant 0 : i32
      %dma_wait3A_30 = tpu.memref_slice %arg3[%add3A, %dma_wait3A, %dma_wait3A_28, %dma_wait3A_29] : memref<32x80x1x125xi32, #tpu.memory_space<hbm>> -> memref<1x80x1x125xi32, #tpu.memory_space<hbm>>
      %dma_wait3A_31 = tpu.memref_squeeze %dma_wait3A_30 : memref<1x80x1x125xi32, #tpu.memory_space<hbm>> -> memref<80x1x125xi32, #tpu.memory_space<hbm>>
      %dma_wait3A_32 = arith.constant 0 : i32
      %dma_wait3A_33 = arith.constant 0 : i32
      %dma_wait3A_34 = arith.constant 0 : i32
      %dma_wait3A_35 = tpu.memref_slice %arg3[%add3A, %dma_wait3A_32, %dma_wait3A_33, %dma_wait3A_34] : memref<32x80x1x125xi32, #tpu.memory_space<hbm>> -> memref<1x80x1x125xi32, #tpu.memory_space<hbm>>
      %dma_wait3A_36 = tpu.memref_squeeze %dma_wait3A_35 : memref<1x80x1x125xi32, #tpu.memory_space<hbm>> -> memref<80x1x125xi32, #tpu.memory_space<hbm>>
      tpu.wait_dma2 semaphore(%run_scoped3A : memref<!tpu.dma_semaphore, #tpu.memory_space<semaphore_mem>>) src(%dma_wait3A_36 : memref<80x1x125xi32, #tpu.memory_space<hbm>>) dst(%arg7 : memref<80x1x125xi32, #tpu.memory_space<vmem>>)
      tpu.yield
    }) : () -> ()
    "tpu.region"() ({
      %run_scoped3A = tpu.sem_alloc : memref<!tpu.dma_semaphore, #tpu.memory_space<semaphore_mem>>
      %dma_start3A = arith.constant 0 : i32
      %dma_start3A_19 = arith.constant 0 : i32
      %dma_start3A_20 = arith.constant 0 : i32
      %dma_start3A_21 = tpu.memref_slice %arg4[%add3A, %dma_start3A, %dma_start3A_19, %dma_start3A_20] : memref<32x80x1x125xi32, #tpu.memory_space<hbm>> -> memref<1x80x1x125xi32, #tpu.memory_space<hbm>>
      %dma_start3A_22 = tpu.memref_squeeze %dma_start3A_21 : memref<1x80x1x125xi32, #tpu.memory_space<hbm>> -> memref<80x1x125xi32, #tpu.memory_space<hbm>>
      %dma_start3A_23 = arith.constant 0 : i32
      %dma_start3A_24 = arith.constant 0 : i32
      %dma_start3A_25 = arith.constant 0 : i32
      %dma_start3A_26 = tpu.memref_slice %arg4[%add3A, %dma_start3A_23, %dma_start3A_24, %dma_start3A_25] : memref<32x80x1x125xi32, #tpu.memory_space<hbm>> -> memref<1x80x1x125xi32, #tpu.memory_space<hbm>>
      %dma_start3A_27 = tpu.memref_squeeze %dma_start3A_26 : memref<1x80x1x125xi32, #tpu.memory_space<hbm>> -> memref<80x1x125xi32, #tpu.memory_space<hbm>>
      tpu.enqueue_dma source(%dma_start3A_27 : memref<80x1x125xi32, #tpu.memory_space<hbm>>) target(%arg8 : memref<80x1x125xi32, #tpu.memory_space<vmem>>) target_semaphore(%run_scoped3A : memref<!tpu.dma_semaphore, #tpu.memory_space<semaphore_mem>>)
      %dma_wait3A = arith.constant 0 : i32
      %dma_wait3A_28 = arith.constant 0 : i32
      %dma_wait3A_29 = arith.constant 0 : i32
      %dma_wait3A_30 = tpu.memref_slice %arg4[%add3A, %dma_wait3A, %dma_wait3A_28, %dma_wait3A_29] : memref<32x80x1x125xi32, #tpu.memory_space<hbm>> -> memref<1x80x1x125xi32, #tpu.memory_space<hbm>>
      %dma_wait3A_31 = tpu.memref_squeeze %dma_wait3A_30 : memref<1x80x1x125xi32, #tpu.memory_space<hbm>> -> memref<80x1x125xi32, #tpu.memory_space<hbm>>
      %dma_wait3A_32 = arith.constant 0 : i32
      %dma_wait3A_33 = arith.constant 0 : i32
      %dma_wait3A_34 = arith.constant 0 : i32
      %dma_wait3A_35 = tpu.memref_slice %arg4[%add3A, %dma_wait3A_32, %dma_wait3A_33, %dma_wait3A_34] : memref<32x80x1x125xi32, #tpu.memory_space<hbm>> -> memref<1x80x1x125xi32, #tpu.memory_space<hbm>>
      %dma_wait3A_36 = tpu.memref_squeeze %dma_wait3A_35 : memref<1x80x1x125xi32, #tpu.memory_space<hbm>> -> memref<80x1x125xi32, #tpu.memory_space<hbm>>
      tpu.wait_dma2 semaphore(%run_scoped3A : memref<!tpu.dma_semaphore, #tpu.memory_space<semaphore_mem>>) src(%dma_wait3A_36 : memref<80x1x125xi32, #tpu.memory_space<hbm>>) dst(%arg8 : memref<80x1x125xi32, #tpu.memory_space<vmem>>)
      tpu.yield
    }) : () -> ()
    %mul3A_1 = arith.constant 624 : i32
    %mul3A_2 = arith.muli %arg1, %mul3A_1 : i32
    %mul3A_3 = arith.constant 624 : i32
    %mul3A_4 = arith.muli %arg1, %mul3A_3 : i32
    "tpu.region"() ({
      %run_scoped3A = tpu.sem_alloc : memref<!tpu.dma_semaphore, #tpu.memory_space<semaphore_mem>>
      %dma_start3A = arith.constant 0 : i32
      %dma_start3A_19 = tpu.memref_slice %arg9[%mul3A_4, %dma_start3A] : memref<10000x128xf32, #tpu.memory_space<vmem_shared>> -> memref<624x128xf32, #tpu.memory_space<vmem_shared>>
      %dma_start3A_20 = arith.constant 0 : i32
      %dma_start3A_21 = tpu.memref_slice %arg5[%mul3A_2, %dma_start3A_20] : memref<10000x128xf32, #tpu.memory_space<hbm>> -> memref<624x128xf32, #tpu.memory_space<hbm>>
      tpu.enqueue_dma source(%dma_start3A_21 : memref<624x128xf32, #tpu.memory_space<hbm>>) target(%dma_start3A_19 : memref<624x128xf32, #tpu.memory_space<vmem_shared>>) target_semaphore(%run_scoped3A : memref<!tpu.dma_semaphore, #tpu.memory_space<semaphore_mem>>)
      %dma_wait3A = arith.constant 0 : i32
      %dma_wait3A_22 = tpu.memref_slice %arg9[%mul3A_4, %dma_wait3A] : memref<10000x128xf32, #tpu.memory_space<vmem_shared>> -> memref<624x128xf32, #tpu.memory_space<vmem_shared>>
      %dma_wait3A_23 = arith.constant 0 : i32
      %dma_wait3A_24 = tpu.memref_slice %arg5[%mul3A_2, %dma_wait3A_23] : memref<10000x128xf32, #tpu.memory_space<hbm>> -> memref<624x128xf32, #tpu.memory_space<hbm>>
      tpu.wait_dma2 semaphore(%run_scoped3A : memref<!tpu.dma_semaphore, #tpu.memory_space<semaphore_mem>>) src(%dma_wait3A_24 : memref<624x128xf32, #tpu.memory_space<hbm>>) dst(%dma_wait3A_22 : memref<624x128xf32, #tpu.memory_space<vmem_shared>>)
      tpu.yield
    }) : () -> ()
    %eq3A = arith.constant 15 : i32
    %eq3A_5 = arith.cmpi eq, %arg1, %eq3A : i32
    %convert_element_type3A = arith.extui %eq3A_5 : i1 to i32
    %cond3A = arith.constant 0 : i32
    %cond3A_6 = arith.cmpi ne, %convert_element_type3A, %cond3A : i32
    scf.if %cond3A_6 {
      "tpu.region"() ({
        %run_scoped3A = tpu.sem_alloc : memref<!tpu.dma_semaphore, #tpu.memory_space<semaphore_mem>>
        %dma_start3A = arith.constant 9984 : i32
        %dma_start3A_19 = arith.constant 0 : i32
        %dma_start3A_20 = tpu.memref_slice %arg9[%dma_start3A, %dma_start3A_19] : memref<10000x128xf32, #tpu.memory_space<vmem_shared>> -> memref<16x128xf32, #tpu.memory_space<vmem_shared>>
        %dma_start3A_21 = arith.constant 9984 : i32
        %dma_start3A_22 = arith.constant 0 : i32
        %dma_start3A_23 = tpu.memref_slice %arg5[%dma_start3A_21, %dma_start3A_22] : memref<10000x128xf32, #tpu.memory_space<hbm>> -> memref<16x128xf32, #tpu.memory_space<hbm>>
        tpu.enqueue_dma source(%dma_start3A_23 : memref<16x128xf32, #tpu.memory_space<hbm>>) target(%dma_start3A_20 : memref<16x128xf32, #tpu.memory_space<vmem_shared>>) target_semaphore(%run_scoped3A : memref<!tpu.dma_semaphore, #tpu.memory_space<semaphore_mem>>)
        %dma_wait3A = arith.constant 9984 : i32
        %dma_wait3A_24 = arith.constant 0 : i32
        %dma_wait3A_25 = tpu.memref_slice %arg9[%dma_wait3A, %dma_wait3A_24] : memref<10000x128xf32, #tpu.memory_space<vmem_shared>> -> memref<16x128xf32, #tpu.memory_space<vmem_shared>>
        %dma_wait3A_26 = arith.constant 9984 : i32
        %dma_wait3A_27 = arith.constant 0 : i32
        %dma_wait3A_28 = tpu.memref_slice %arg5[%dma_wait3A_26, %dma_wait3A_27] : memref<10000x128xf32, #tpu.memory_space<hbm>> -> memref<16x128xf32, #tpu.memory_space<hbm>>
        tpu.wait_dma2 semaphore(%run_scoped3A : memref<!tpu.dma_semaphore, #tpu.memory_space<semaphore_mem>>) src(%dma_wait3A_28 : memref<16x128xf32, #tpu.memory_space<hbm>>) dst(%dma_wait3A_25 : memref<16x128xf32, #tpu.memory_space<vmem_shared>>)
        tpu.yield
      }) : () -> ()
    } else {
    }
    %barrier3A = arith.constant 0 : index
    tpu.barrier barrier_id(%barrier3A)
    %parallel_loop3A = arith.constant 0 : i32
    %parallel_loop3A_7 = arith.constant 80 : i32
    %parallel_loop3A_8 = arith.constant 1 : i32
    scf.for %parallel_loop3A_19 = %parallel_loop3A to %parallel_loop3A_7 step %parallel_loop3A_8  : i32 {
      "tpu.region"() ({
        %parallel_loop3A_20 = memref.alloca() : memref<125x128xf32, #tpu.memory_space<vmem>>
        %parallel_loop3A_21 = arith.constant 0 : i32
        "tpu.region"() ({
          %parallel_loop3A_23 = tpu.sem_alloc : memref<!tpu.dma_semaphore, #tpu.memory_space<semaphore_mem>>
          %parallel_loop3A_24 = arith.constant 0 : i32
          %parallel_loop3A_25 = tpu.memref_slice %arg7[%parallel_loop3A_19, %parallel_loop3A_21, %parallel_loop3A_24] : memref<80x1x125xi32, #tpu.memory_space<vmem>> -> memref<1x1x125xi32, #tpu.memory_space<vmem>>
          %parallel_loop3A_26 = tpu.memref_squeeze %parallel_loop3A_25 : memref<1x1x125xi32, #tpu.memory_space<vmem>> -> memref<125xi32, #tpu.memory_space<vmem>>
          %parallel_loop3A_27 = arith.constant 0 : i32
          %parallel_loop3A_28 = arith.constant 0 : i32
          %parallel_loop3A_29 = tpu.memref_slice %arg2[%parallel_loop3A_27, %parallel_loop3A_28] : memref<10000x128xf32, #tpu.memory_space<hbm>> -> memref<10000x128xf32, #tpu.memory_space<hbm>>
          tpu.enqueue_indirect_dma source(%parallel_loop3A_29 : memref<10000x128xf32, #tpu.memory_space<hbm>>) target(%parallel_loop3A_20 : memref<125x128xf32, #tpu.memory_space<vmem>>) offsets(%parallel_loop3A_26 : memref<125xi32, #tpu.memory_space<vmem>>) semaphore(%parallel_loop3A_23 : memref<!tpu.dma_semaphore, #tpu.memory_space<semaphore_mem>>)
          %parallel_loop3A_30 = arith.constant 0 : i32
          %parallel_loop3A_31 = tpu.memref_slice %arg7[%parallel_loop3A_19, %parallel_loop3A_21, %parallel_loop3A_30] : memref<80x1x125xi32, #tpu.memory_space<vmem>> -> memref<1x1x125xi32, #tpu.memory_space<vmem>>
          %parallel_loop3A_32 = tpu.memref_squeeze %parallel_loop3A_31 : memref<1x1x125xi32, #tpu.memory_space<vmem>> -> memref<125xi32, #tpu.memory_space<vmem>>
          %parallel_loop3A_33 = arith.constant 0 : i32
          %parallel_loop3A_34 = arith.constant 0 : i32
          %parallel_loop3A_35 = tpu.memref_slice %arg2[%parallel_loop3A_33, %parallel_loop3A_34] : memref<10000x128xf32, #tpu.memory_space<hbm>> -> memref<10000x128xf32, #tpu.memory_space<hbm>>
          tpu.wait_indirect_dma semaphore(%parallel_loop3A_23 : memref<!tpu.dma_semaphore, #tpu.memory_space<semaphore_mem>>) src(%parallel_loop3A_35 : memref<10000x128xf32, #tpu.memory_space<hbm>>) dst(%parallel_loop3A_20 : memref<125x128xf32, #tpu.memory_space<vmem>>)
          tpu.yield
        }) : () -> ()
        %parallel_loop3A_22 = arith.constant 0 : i32
        "tpu.region"() ({
          %parallel_loop3A_23 = tpu.sem_alloc : memref<!tpu.dma_semaphore, #tpu.memory_space<semaphore_mem>>
          %parallel_loop3A_24 = arith.constant 0 : i32
          %parallel_loop3A_25 = tpu.memref_slice %arg8[%parallel_loop3A_19, %parallel_loop3A_22, %parallel_loop3A_24] : memref<80x1x125xi32, #tpu.memory_space<vmem>> -> memref<1x1x125xi32, #tpu.memory_space<vmem>>
          %parallel_loop3A_26 = tpu.memref_squeeze %parallel_loop3A_25 : memref<1x1x125xi32, #tpu.memory_space<vmem>> -> memref<125xi32, #tpu.memory_space<vmem>>
          %parallel_loop3A_27 = arith.constant 0 : i32
          %parallel_loop3A_28 = arith.constant 0 : i32
          %parallel_loop3A_29 = tpu.memref_slice %arg9[%parallel_loop3A_27, %parallel_loop3A_28] : memref<10000x128xf32, #tpu.memory_space<vmem_shared>> -> memref<10000x128xf32, #tpu.memory_space<vmem_shared>>
          tpu.enqueue_indirect_dma source(%parallel_loop3A_20 : memref<125x128xf32, #tpu.memory_space<vmem>>) target(%parallel_loop3A_29 : memref<10000x128xf32, #tpu.memory_space<vmem_shared>>) offsets(%parallel_loop3A_26 : memref<125xi32, #tpu.memory_space<vmem>>) semaphore(%parallel_loop3A_23 : memref<!tpu.dma_semaphore, #tpu.memory_space<semaphore_mem>>) {add = true}
          %parallel_loop3A_30 = arith.constant 0 : i32
          %parallel_loop3A_31 = tpu.memref_slice %arg8[%parallel_loop3A_19, %parallel_loop3A_22, %parallel_loop3A_30] : memref<80x1x125xi32, #tpu.memory_space<vmem>> -> memref<1x1x125xi32, #tpu.memory_space<vmem>>
          %parallel_loop3A_32 = tpu.memref_squeeze %parallel_loop3A_31 : memref<1x1x125xi32, #tpu.memory_space<vmem>> -> memref<125xi32, #tpu.memory_space<vmem>>
          %parallel_loop3A_33 = arith.constant 0 : i32
          %parallel_loop3A_34 = arith.constant 0 : i32
          %parallel_loop3A_35 = tpu.memref_slice %arg9[%parallel_loop3A_33, %parallel_loop3A_34] : memref<10000x128xf32, #tpu.memory_space<vmem_shared>> -> memref<10000x128xf32, #tpu.memory_space<vmem_shared>>
          tpu.wait_indirect_dma semaphore(%parallel_loop3A_23 : memref<!tpu.dma_semaphore, #tpu.memory_space<semaphore_mem>>) src(%parallel_loop3A_20 : memref<125x128xf32, #tpu.memory_space<vmem>>) dst(%parallel_loop3A_35 : memref<10000x128xf32, #tpu.memory_space<vmem_shared>>)
          tpu.yield
        }) : () -> ()
        tpu.yield
      }) : () -> ()
    } {sc.loop_unroll_factor = 5 : i64, sc.parallel_access}
    %barrier3A_9 = arith.constant 0 : index
    tpu.barrier barrier_id(%barrier3A_9)
    %mul3A_10 = arith.constant 624 : i32
    %mul3A_11 = arith.muli %arg1, %mul3A_10 : i32
    %mul3A_12 = arith.constant 624 : i32
    %mul3A_13 = arith.muli %arg1, %mul3A_12 : i32
    "tpu.region"() ({
      %run_scoped3A = tpu.sem_alloc : memref<!tpu.dma_semaphore, #tpu.memory_space<semaphore_mem>>
      %dma_start3A = arith.constant 0 : i32
      %dma_start3A_19 = tpu.memref_slice %arg6[%arg0, %mul3A_13, %dma_start3A] : memref<2x10000x128xf32, #tpu.memory_space<hbm>> -> memref<1x624x128xf32, #tpu.memory_space<hbm>>
      %dma_start3A_20 = tpu.memref_squeeze %dma_start3A_19 : memref<1x624x128xf32, #tpu.memory_space<hbm>> -> memref<624x128xf32, #tpu.memory_space<hbm>>
      %dma_start3A_21 = arith.constant 0 : i32
      %dma_start3A_22 = tpu.memref_slice %arg9[%mul3A_11, %dma_start3A_21] : memref<10000x128xf32, #tpu.memory_space<vmem_shared>> -> memref<624x128xf32, #tpu.memory_space<vmem_shared>>
      tpu.enqueue_dma source(%dma_start3A_22 : memref<624x128xf32, #tpu.memory_space<vmem_shared>>) target(%dma_start3A_20 : memref<624x128xf32, #tpu.memory_space<hbm>>) target_semaphore(%run_scoped3A : memref<!tpu.dma_semaphore, #tpu.memory_space<semaphore_mem>>)
      %dma_wait3A = arith.constant 0 : i32
      %dma_wait3A_23 = tpu.memref_slice %arg6[%arg0, %mul3A_13, %dma_wait3A] : memref<2x10000x128xf32, #tpu.memory_space<hbm>> -> memref<1x624x128xf32, #tpu.memory_space<hbm>>
      %dma_wait3A_24 = tpu.memref_squeeze %dma_wait3A_23 : memref<1x624x128xf32, #tpu.memory_space<hbm>> -> memref<624x128xf32, #tpu.memory_space<hbm>>
      %dma_wait3A_25 = arith.constant 0 : i32
      %dma_wait3A_26 = tpu.memref_slice %arg9[%mul3A_11, %dma_wait3A_25] : memref<10000x128xf32, #tpu.memory_space<vmem_shared>> -> memref<624x128xf32, #tpu.memory_space<vmem_shared>>
      tpu.wait_dma2 semaphore(%run_scoped3A : memref<!tpu.dma_semaphore, #tpu.memory_space<semaphore_mem>>) src(%dma_wait3A_26 : memref<624x128xf32, #tpu.memory_space<vmem_shared>>) dst(%dma_wait3A_24 : memref<624x128xf32, #tpu.memory_space<hbm>>)
      tpu.yield
    }) : () -> ()
    %eq3A_14 = arith.constant 15 : i32
    %eq3A_15 = arith.cmpi eq, %arg1, %eq3A_14 : i32
    %convert_element_type3A_16 = arith.extui %eq3A_15 : i1 to i32
    %cond3A_17 = arith.constant 0 : i32
    %cond3A_18 = arith.cmpi ne, %convert_element_type3A_16, %cond3A_17 : i32
    scf.if %cond3A_18 {
      "tpu.region"() ({
        %run_scoped3A = tpu.sem_alloc : memref<!tpu.dma_semaphore, #tpu.memory_space<semaphore_mem>>
        %dma_start3A = arith.constant 9984 : i32
        %dma_start3A_19 = arith.constant 0 : i32
        %dma_start3A_20 = tpu.memref_slice %arg6[%arg0, %dma_start3A, %dma_start3A_19] : memref<2x10000x128xf32, #tpu.memory_space<hbm>> -> memref<1x16x128xf32, #tpu.memory_space<hbm>>
        %dma_start3A_21 = tpu.memref_squeeze %dma_start3A_20 : memref<1x16x128xf32, #tpu.memory_space<hbm>> -> memref<16x128xf32, #tpu.memory_space<hbm>>
        %dma_start3A_22 = arith.constant 9984 : i32
        %dma_start3A_23 = arith.constant 0 : i32
        %dma_start3A_24 = tpu.memref_slice %arg9[%dma_start3A_22, %dma_start3A_23] : memref<10000x128xf32, #tpu.memory_space<vmem_shared>> -> memref<16x128xf32, #tpu.memory_space<vmem_shared>>
        tpu.enqueue_dma source(%dma_start3A_24 : memref<16x128xf32, #tpu.memory_space<vmem_shared>>) target(%dma_start3A_21 : memref<16x128xf32, #tpu.memory_space<hbm>>) target_semaphore(%run_scoped3A : memref<!tpu.dma_semaphore, #tpu.memory_space<semaphore_mem>>)
        %dma_wait3A = arith.constant 9984 : i32
        %dma_wait3A_25 = arith.constant 0 : i32
        %dma_wait3A_26 = tpu.memref_slice %arg6[%arg0, %dma_wait3A, %dma_wait3A_25] : memref<2x10000x128xf32, #tpu.memory_space<hbm>> -> memref<1x16x128xf32, #tpu.memory_space<hbm>>
        %dma_wait3A_27 = tpu.memref_squeeze %dma_wait3A_26 : memref<1x16x128xf32, #tpu.memory_space<hbm>> -> memref<16x128xf32, #tpu.memory_space<hbm>>
        %dma_wait3A_28 = arith.constant 9984 : i32
        %dma_wait3A_29 = arith.constant 0 : i32
        %dma_wait3A_30 = tpu.memref_slice %arg9[%dma_wait3A_28, %dma_wait3A_29] : memref<10000x128xf32, #tpu.memory_space<vmem_shared>> -> memref<16x128xf32, #tpu.memory_space<vmem_shared>>
        tpu.wait_dma2 semaphore(%run_scoped3A : memref<!tpu.dma_semaphore, #tpu.memory_space<semaphore_mem>>) src(%dma_wait3A_30 : memref<16x128xf32, #tpu.memory_space<vmem_shared>>) dst(%dma_wait3A_27 : memref<16x128xf32, #tpu.memory_space<hbm>>)
        tpu.yield
      }) : () -> ()
    } else {
    }
    return
  }
}

#map = affine_map<(d0, d1) -> (0, 0)>
#map1 = affine_map<(d0, d1) -> (0, 0, 0, 0)>
#map2 = affine_map<(d0, d1) -> (0, 0, 0)>
module attributes {stable_mosaic.version = 14 : i64} {
  func.func @sc_edge_scatter(%arg0: i32, %arg1: i32, %arg2: memref<10000x128xf32, #tpu.memory_space<hbm>>, %arg3: memref<32x80x1x125xi32, #tpu.memory_space<hbm>>, %arg4: memref<32x80x1x125xi32, #tpu.memory_space<hbm>>, %arg5: memref<10000x128xf32, #tpu.memory_space<hbm>>, %arg6: memref<2x10000x128xf32, #tpu.memory_space<hbm>>, %arg7: memref<80x1x125xi32, #tpu.memory_space<vmem>>, %arg8: memref<80x1x125xi32, #tpu.memory_space<vmem>>, %arg9: memref<10000x128xf32, #tpu.memory_space<vmem_shared>>) attributes {dimension_semantics = [#tpu.dimension_semantics<core_parallel>, #tpu.dimension_semantics<subcore_parallel>], iteration_bounds = array<i64: 2, 16>, scalar_prefetch = 0 : i64, scratch_operands = 3 : i64, tpu.core_type = #tpu.core_type<sc_vector_subcore>, window_params = [{transform_indices = #map}, {transform_indices = #map1}, {transform_indices = #map1}, {transform_indices = #map}, {transform_indices = #map2}]} {
    %mul3A = arith.constant 2 : i32
    %mul3A_0 = arith.muli %arg1, %mul3A : i32
    %add3A = arith.addi %mul3A_0, %arg0 : i32
    "tpu.region"() ({
      %run_scoped3A = tpu.sem_alloc : memref<!tpu.dma_semaphore, #tpu.memory_space<semaphore_mem>>
      %dma_start3A = arith.constant 0 : i32
      %dma_start3A_19 = arith.constant 0 : i32
      %dma_start3A_20 = arith.constant 0 : i32
      %dma_start3A_21 = tpu.memref_slice %arg3[%add3A, %dma_start3A, %dma_start3A_19, %dma_start3A_20] : memref<32x80x1x125xi32, #tpu.memory_space<hbm>> -> memref<1x80x1x125xi32, #tpu.memory_space<hbm>>
      %dma_start3A_22 = tpu.memref_squeeze %dma_start3A_21 : memref<1x80x1x125xi32, #tpu.memory_space<hbm>> -> memref<80x1x125xi32, #tpu.memory_space<hbm>>
      %dma_start3A_23 = arith.constant 0 : i32
      %dma_start3A_24 = arith.constant 0 : i32
      %dma_start3A_25 = arith.constant 0 : i32
      %dma_start3A_26 = tpu.memref_slice %arg3[%add3A, %dma_start3A_23, %dma_start3A_24, %dma_start3A_25] : memref<32x80x1x125xi32, #tpu.memory_space<hbm>> -> memref<1x80x1x125xi32, #tpu.memory_space<hbm>>
      %dma_start3A_27 = tpu.memref_squeeze %dma_start3A_26 : memref<1x80x1x125xi32, #tpu.memory_space<hbm>> -> memref<80x1x125xi32, #tpu.memory_space<hbm>>
      tpu.enqueue_dma source(%dma_start3A_27 : memref<80x1x125xi32, #tpu.memory_space<hbm>>) target(%arg7 : memref<80x1x125xi32, #tpu.memory_space<vmem>>) target_semaphore(%run_scoped3A : memref<!tpu.dma_semaphore, #tpu.memory_space<semaphore_mem>>)
      %dma_wait3A = arith.constant 0 : i32
      %dma_wait3A_28 = arith.constant 0 : i32
      %dma_wait3A_29 = arith.constant 0 : i32
      %dma_wait3A_30 = tpu.memref_slice %arg3[%add3A, %dma_wait3A, %dma_wait3A_28, %dma_wait3A_29] : memref<32x80x1x125xi32, #tpu.memory_space<hbm>> -> memref<1x80x1x125xi32, #tpu.memory_space<hbm>>
      %dma_wait3A_31 = tpu.memref_squeeze %dma_wait3A_30 : memref<1x80x1x125xi32, #tpu.memory_space<hbm>> -> memref<80x1x125xi32, #tpu.memory_space<hbm>>
      %dma_wait3A_32 = arith.constant 0 : i32
      %dma_wait3A_33 = arith.constant 0 : i32
      %dma_wait3A_34 = arith.constant 0 : i32
      %dma_wait3A_35 = tpu.memref_slice %arg3[%add3A, %dma_wait3A_32, %dma_wait3A_33, %dma_wait3A_34] : memref<32x80x1x125xi32, #tpu.memory_space<hbm>> -> memref<1x80x1x125xi32, #tpu.memory_space<hbm>>
      %dma_wait3A_36 = tpu.memref_squeeze %dma_wait3A_35 : memref<1x80x1x125xi32, #tpu.memory_space<hbm>> -> memref<80x1x125xi32, #tpu.memory_space<hbm>>
      tpu.wait_dma2 semaphore(%run_scoped3A : memref<!tpu.dma_semaphore, #tpu.memory_space<semaphore_mem>>) src(%dma_wait3A_36 : memref<80x1x125xi32, #tpu.memory_space<hbm>>) dst(%arg7 : memref<80x1x125xi32, #tpu.memory_space<vmem>>)
      tpu.yield
    }) : () -> ()
    "tpu.region"() ({
      %run_scoped3A = tpu.sem_alloc : memref<!tpu.dma_semaphore, #tpu.memory_space<semaphore_mem>>
      %dma_start3A = arith.constant 0 : i32
      %dma_start3A_19 = arith.constant 0 : i32
      %dma_start3A_20 = arith.constant 0 : i32
      %dma_start3A_21 = tpu.memref_slice %arg4[%add3A, %dma_start3A, %dma_start3A_19, %dma_start3A_20] : memref<32x80x1x125xi32, #tpu.memory_space<hbm>> -> memref<1x80x1x125xi32, #tpu.memory_space<hbm>>
      %dma_start3A_22 = tpu.memref_squeeze %dma_start3A_21 : memref<1x80x1x125xi32, #tpu.memory_space<hbm>> -> memref<80x1x125xi32, #tpu.memory_space<hbm>>
      %dma_start3A_23 = arith.constant 0 : i32
      %dma_start3A_24 = arith.constant 0 : i32
      %dma_start3A_25 = arith.constant 0 : i32
      %dma_start3A_26 = tpu.memref_slice %arg4[%add3A, %dma_start3A_23, %dma_start3A_24, %dma_start3A_25] : memref<32x80x1x125xi32, #tpu.memory_space<hbm>> -> memref<1x80x1x125xi32, #tpu.memory_space<hbm>>
      %dma_start3A_27 = tpu.memref_squeeze %dma_start3A_26 : memref<1x80x1x125xi32, #tpu.memory_space<hbm>> -> memref<80x1x125xi32, #tpu.memory_space<hbm>>
      tpu.enqueue_dma source(%dma_start3A_27 : memref<80x1x125xi32, #tpu.memory_space<hbm>>) target(%arg8 : memref<80x1x125xi32, #tpu.memory_space<vmem>>) target_semaphore(%run_scoped3A : memref<!tpu.dma_semaphore, #tpu.memory_space<semaphore_mem>>)
      %dma_wait3A = arith.constant 0 : i32
      %dma_wait3A_28 = arith.constant 0 : i32
      %dma_wait3A_29 = arith.constant 0 : i32
      %dma_wait3A_30 = tpu.memref_slice %arg4[%add3A, %dma_wait3A, %dma_wait3A_28, %dma_wait3A_29] : memref<32x80x1x125xi32, #tpu.memory_space<hbm>> -> memref<1x80x1x125xi32, #tpu.memory_space<hbm>>
      %dma_wait3A_31 = tpu.memref_squeeze %dma_wait3A_30 : memref<1x80x1x125xi32, #tpu.memory_space<hbm>> -> memref<80x1x125xi32, #tpu.memory_space<hbm>>
      %dma_wait3A_32 = arith.constant 0 : i32
      %dma_wait3A_33 = arith.constant 0 : i32
      %dma_wait3A_34 = arith.constant 0 : i32
      %dma_wait3A_35 = tpu.memref_slice %arg4[%add3A, %dma_wait3A_32, %dma_wait3A_33, %dma_wait3A_34] : memref<32x80x1x125xi32, #tpu.memory_space<hbm>> -> memref<1x80x1x125xi32, #tpu.memory_space<hbm>>
      %dma_wait3A_36 = tpu.memref_squeeze %dma_wait3A_35 : memref<1x80x1x125xi32, #tpu.memory_space<hbm>> -> memref<80x1x125xi32, #tpu.memory_space<hbm>>
      tpu.wait_dma2 semaphore(%run_scoped3A : memref<!tpu.dma_semaphore, #tpu.memory_space<semaphore_mem>>) src(%dma_wait3A_36 : memref<80x1x125xi32, #tpu.memory_space<hbm>>) dst(%arg8 : memref<80x1x125xi32, #tpu.memory_space<vmem>>)
      tpu.yield
    }) : () -> ()
    %mul3A_1 = arith.constant 624 : i32
    %mul3A_2 = arith.muli %arg1, %mul3A_1 : i32
    %mul3A_3 = arith.constant 624 : i32
    %mul3A_4 = arith.muli %arg1, %mul3A_3 : i32
    "tpu.region"() ({
      %run_scoped3A = tpu.sem_alloc : memref<!tpu.dma_semaphore, #tpu.memory_space<semaphore_mem>>
      %dma_start3A = arith.constant 0 : i32
      %dma_start3A_19 = tpu.memref_slice %arg9[%mul3A_4, %dma_start3A] : memref<10000x128xf32, #tpu.memory_space<vmem_shared>> -> memref<624x128xf32, #tpu.memory_space<vmem_shared>>
      %dma_start3A_20 = arith.constant 0 : i32
      %dma_start3A_21 = tpu.memref_slice %arg5[%mul3A_2, %dma_start3A_20] : memref<10000x128xf32, #tpu.memory_space<hbm>> -> memref<624x128xf32, #tpu.memory_space<hbm>>
      tpu.enqueue_dma source(%dma_start3A_21 : memref<624x128xf32, #tpu.memory_space<hbm>>) target(%dma_start3A_19 : memref<624x128xf32, #tpu.memory_space<vmem_shared>>) target_semaphore(%run_scoped3A : memref<!tpu.dma_semaphore, #tpu.memory_space<semaphore_mem>>)
      %dma_wait3A = arith.constant 0 : i32
      %dma_wait3A_22 = tpu.memref_slice %arg9[%mul3A_4, %dma_wait3A] : memref<10000x128xf32, #tpu.memory_space<vmem_shared>> -> memref<624x128xf32, #tpu.memory_space<vmem_shared>>
      %dma_wait3A_23 = arith.constant 0 : i32
      %dma_wait3A_24 = tpu.memref_slice %arg5[%mul3A_2, %dma_wait3A_23] : memref<10000x128xf32, #tpu.memory_space<hbm>> -> memref<624x128xf32, #tpu.memory_space<hbm>>
      tpu.wait_dma2 semaphore(%run_scoped3A : memref<!tpu.dma_semaphore, #tpu.memory_space<semaphore_mem>>) src(%dma_wait3A_24 : memref<624x128xf32, #tpu.memory_space<hbm>>) dst(%dma_wait3A_22 : memref<624x128xf32, #tpu.memory_space<vmem_shared>>)
      tpu.yield
    }) : () -> ()
    %eq3A = arith.constant 15 : i32
    %eq3A_5 = arith.cmpi eq, %arg1, %eq3A : i32
    %convert_element_type3A = arith.extui %eq3A_5 : i1 to i32
    %cond3A = arith.constant 0 : i32
    %cond3A_6 = arith.cmpi ne, %convert_element_type3A, %cond3A : i32
    scf.if %cond3A_6 {
      "tpu.region"() ({
        %run_scoped3A = tpu.sem_alloc : memref<!tpu.dma_semaphore, #tpu.memory_space<semaphore_mem>>
        %dma_start3A = arith.constant 9984 : i32
        %dma_start3A_19 = arith.constant 0 : i32
        %dma_start3A_20 = tpu.memref_slice %arg9[%dma_start3A, %dma_start3A_19] : memref<10000x128xf32, #tpu.memory_space<vmem_shared>> -> memref<16x128xf32, #tpu.memory_space<vmem_shared>>
        %dma_start3A_21 = arith.constant 9984 : i32
        %dma_start3A_22 = arith.constant 0 : i32
        %dma_start3A_23 = tpu.memref_slice %arg5[%dma_start3A_21, %dma_start3A_22] : memref<10000x128xf32, #tpu.memory_space<hbm>> -> memref<16x128xf32, #tpu.memory_space<hbm>>
        tpu.enqueue_dma source(%dma_start3A_23 : memref<16x128xf32, #tpu.memory_space<hbm>>) target(%dma_start3A_20 : memref<16x128xf32, #tpu.memory_space<vmem_shared>>) target_semaphore(%run_scoped3A : memref<!tpu.dma_semaphore, #tpu.memory_space<semaphore_mem>>)
        %dma_wait3A = arith.constant 9984 : i32
        %dma_wait3A_24 = arith.constant 0 : i32
        %dma_wait3A_25 = tpu.memref_slice %arg9[%dma_wait3A, %dma_wait3A_24] : memref<10000x128xf32, #tpu.memory_space<vmem_shared>> -> memref<16x128xf32, #tpu.memory_space<vmem_shared>>
        %dma_wait3A_26 = arith.constant 9984 : i32
        %dma_wait3A_27 = arith.constant 0 : i32
        %dma_wait3A_28 = tpu.memref_slice %arg5[%dma_wait3A_26, %dma_wait3A_27] : memref<10000x128xf32, #tpu.memory_space<hbm>> -> memref<16x128xf32, #tpu.memory_space<hbm>>
        tpu.wait_dma2 semaphore(%run_scoped3A : memref<!tpu.dma_semaphore, #tpu.memory_space<semaphore_mem>>) src(%dma_wait3A_28 : memref<16x128xf32, #tpu.memory_space<hbm>>) dst(%dma_wait3A_25 : memref<16x128xf32, #tpu.memory_space<vmem_shared>>)
        tpu.yield
      }) : () -> ()
    } else {
    }
    %barrier3A = arith.constant 0 : index
    tpu.barrier barrier_id(%barrier3A)
    %parallel_loop3A = arith.constant 0 : i32
    %parallel_loop3A_7 = arith.constant 80 : i32
    %parallel_loop3A_8 = arith.constant 1 : i32
    scf.for %parallel_loop3A_19 = %parallel_loop3A to %parallel_loop3A_7 step %parallel_loop3A_8  : i32 {
      "tpu.region"() ({
        %parallel_loop3A_20 = memref.alloca() : memref<125x128xf32, #tpu.memory_space<vmem>>
        %parallel_loop3A_21 = arith.constant 0 : i32
        "tpu.region"() ({
          %parallel_loop3A_23 = tpu.sem_alloc : memref<!tpu.dma_semaphore, #tpu.memory_space<semaphore_mem>>
          %parallel_loop3A_24 = arith.constant 0 : i32
          %parallel_loop3A_25 = tpu.memref_slice %arg7[%parallel_loop3A_19, %parallel_loop3A_21, %parallel_loop3A_24] : memref<80x1x125xi32, #tpu.memory_space<vmem>> -> memref<1x1x125xi32, #tpu.memory_space<vmem>>
          %parallel_loop3A_26 = tpu.memref_squeeze %parallel_loop3A_25 : memref<1x1x125xi32, #tpu.memory_space<vmem>> -> memref<125xi32, #tpu.memory_space<vmem>>
          %parallel_loop3A_27 = arith.constant 0 : i32
          %parallel_loop3A_28 = arith.constant 0 : i32
          %parallel_loop3A_29 = tpu.memref_slice %arg2[%parallel_loop3A_27, %parallel_loop3A_28] : memref<10000x128xf32, #tpu.memory_space<hbm>> -> memref<10000x128xf32, #tpu.memory_space<hbm>>
          tpu.enqueue_indirect_dma source(%parallel_loop3A_29 : memref<10000x128xf32, #tpu.memory_space<hbm>>) target(%parallel_loop3A_20 : memref<125x128xf32, #tpu.memory_space<vmem>>) offsets(%parallel_loop3A_26 : memref<125xi32, #tpu.memory_space<vmem>>) semaphore(%parallel_loop3A_23 : memref<!tpu.dma_semaphore, #tpu.memory_space<semaphore_mem>>)
          %parallel_loop3A_30 = arith.constant 0 : i32
          %parallel_loop3A_31 = tpu.memref_slice %arg7[%parallel_loop3A_19, %parallel_loop3A_21, %parallel_loop3A_30] : memref<80x1x125xi32, #tpu.memory_space<vmem>> -> memref<1x1x125xi32, #tpu.memory_space<vmem>>
          %parallel_loop3A_32 = tpu.memref_squeeze %parallel_loop3A_31 : memref<1x1x125xi32, #tpu.memory_space<vmem>> -> memref<125xi32, #tpu.memory_space<vmem>>
          %parallel_loop3A_33 = arith.constant 0 : i32
          %parallel_loop3A_34 = arith.constant 0 : i32
          %parallel_loop3A_35 = tpu.memref_slice %arg2[%parallel_loop3A_33, %parallel_loop3A_34] : memref<10000x128xf32, #tpu.memory_space<hbm>> -> memref<10000x128xf32, #tpu.memory_space<hbm>>
          tpu.wait_indirect_dma semaphore(%parallel_loop3A_23 : memref<!tpu.dma_semaphore, #tpu.memory_space<semaphore_mem>>) src(%parallel_loop3A_35 : memref<10000x128xf32, #tpu.memory_space<hbm>>) dst(%parallel_loop3A_20 : memref<125x128xf32, #tpu.memory_space<vmem>>)
          tpu.yield
        }) : () -> ()
        %parallel_loop3A_22 = arith.constant 0 : i32
        "tpu.region"() ({
          %parallel_loop3A_23 = tpu.sem_alloc : memref<!tpu.dma_semaphore, #tpu.memory_space<semaphore_mem>>
          %parallel_loop3A_24 = arith.constant 0 : i32
          %parallel_loop3A_25 = tpu.memref_slice %arg8[%parallel_loop3A_19, %parallel_loop3A_22, %parallel_loop3A_24] : memref<80x1x125xi32, #tpu.memory_space<vmem>> -> memref<1x1x125xi32, #tpu.memory_space<vmem>>
          %parallel_loop3A_26 = tpu.memref_squeeze %parallel_loop3A_25 : memref<1x1x125xi32, #tpu.memory_space<vmem>> -> memref<125xi32, #tpu.memory_space<vmem>>
          %parallel_loop3A_27 = arith.constant 0 : i32
          %parallel_loop3A_28 = arith.constant 0 : i32
          %parallel_loop3A_29 = tpu.memref_slice %arg9[%parallel_loop3A_27, %parallel_loop3A_28] : memref<10000x128xf32, #tpu.memory_space<vmem_shared>> -> memref<10000x128xf32, #tpu.memory_space<vmem_shared>>
          tpu.enqueue_indirect_dma source(%parallel_loop3A_20 : memref<125x128xf32, #tpu.memory_space<vmem>>) target(%parallel_loop3A_29 : memref<10000x128xf32, #tpu.memory_space<vmem_shared>>) offsets(%parallel_loop3A_26 : memref<125xi32, #tpu.memory_space<vmem>>) semaphore(%parallel_loop3A_23 : memref<!tpu.dma_semaphore, #tpu.memory_space<semaphore_mem>>) {add = true}
          %parallel_loop3A_30 = arith.constant 0 : i32
          %parallel_loop3A_31 = tpu.memref_slice %arg8[%parallel_loop3A_19, %parallel_loop3A_22, %parallel_loop3A_30] : memref<80x1x125xi32, #tpu.memory_space<vmem>> -> memref<1x1x125xi32, #tpu.memory_space<vmem>>
          %parallel_loop3A_32 = tpu.memref_squeeze %parallel_loop3A_31 : memref<1x1x125xi32, #tpu.memory_space<vmem>> -> memref<125xi32, #tpu.memory_space<vmem>>
          %parallel_loop3A_33 = arith.constant 0 : i32
          %parallel_loop3A_34 = arith.constant 0 : i32
          %parallel_loop3A_35 = tpu.memref_slice %arg9[%parallel_loop3A_33, %parallel_loop3A_34] : memref<10000x128xf32, #tpu.memory_space<vmem_shared>> -> memref<10000x128xf32, #tpu.memory_space<vmem_shared>>
          tpu.wait_indirect_dma semaphore(%parallel_loop3A_23 : memref<!tpu.dma_semaphore, #tpu.memory_space<semaphore_mem>>) src(%parallel_loop3A_20 : memref<125x128xf32, #tpu.memory_space<vmem>>) dst(%parallel_loop3A_35 : memref<10000x128xf32, #tpu.memory_space<vmem_shared>>)
          tpu.yield
        }) : () -> ()
        tpu.yield
      }) : () -> ()
    } {sc.loop_unroll_factor = 5 : i64, sc.parallel_access}
    %barrier3A_9 = arith.constant 0 : index
    tpu.barrier barrier_id(%barrier3A_9)
    %mul3A_10 = arith.constant 624 : i32
    %mul3A_11 = arith.muli %arg1, %mul3A_10 : i32
    %mul3A_12 = arith.constant 624 : i32
    %mul3A_13 = arith.muli %arg1, %mul3A_12 : i32
    "tpu.region"() ({
      %run_scoped3A = tpu.sem_alloc : memref<!tpu.dma_semaphore, #tpu.memory_space<semaphore_mem>>
      %dma_start3A = arith.constant 0 : i32
      %dma_start3A_19 = tpu.memref_slice %arg6[%arg0, %mul3A_13, %dma_start3A] : memref<2x10000x128xf32, #tpu.memory_space<hbm>> -> memref<1x624x128xf32, #tpu.memory_space<hbm>>
      %dma_start3A_20 = tpu.memref_squeeze %dma_start3A_19 : memref<1x624x128xf32, #tpu.memory_space<hbm>> -> memref<624x128xf32, #tpu.memory_space<hbm>>
      %dma_start3A_21 = arith.constant 0 : i32
      %dma_start3A_22 = tpu.memref_slice %arg9[%mul3A_11, %dma_start3A_21] : memref<10000x128xf32, #tpu.memory_space<vmem_shared>> -> memref<624x128xf32, #tpu.memory_space<vmem_shared>>
      tpu.enqueue_dma source(%dma_start3A_22 : memref<624x128xf32, #tpu.memory_space<vmem_shared>>) target(%dma_start3A_20 : memref<624x128xf32, #tpu.memory_space<hbm>>) target_semaphore(%run_scoped3A : memref<!tpu.dma_semaphore, #tpu.memory_space<semaphore_mem>>)
      %dma_wait3A = arith.constant 0 : i32
      %dma_wait3A_23 = tpu.memref_slice %arg6[%arg0, %mul3A_13, %dma_wait3A] : memref<2x10000x128xf32, #tpu.memory_space<hbm>> -> memref<1x624x128xf32, #tpu.memory_space<hbm>>
      %dma_wait3A_24 = tpu.memref_squeeze %dma_wait3A_23 : memref<1x624x128xf32, #tpu.memory_space<hbm>> -> memref<624x128xf32, #tpu.memory_space<hbm>>
      %dma_wait3A_25 = arith.constant 0 : i32
      %dma_wait3A_26 = tpu.memref_slice %arg9[%mul3A_11, %dma_wait3A_25] : memref<10000x128xf32, #tpu.memory_space<vmem_shared>> -> memref<624x128xf32, #tpu.memory_space<vmem_shared>>
      tpu.wait_dma2 semaphore(%run_scoped3A : memref<!tpu.dma_semaphore, #tpu.memory_space<semaphore_mem>>) src(%dma_wait3A_26 : memref<624x128xf32, #tpu.memory_space<vmem_shared>>) dst(%dma_wait3A_24 : memref<624x128xf32, #tpu.memory_space<hbm>>)
      tpu.yield
    }) : () -> ()
    %eq3A_14 = arith.constant 15 : i32
    %eq3A_15 = arith.cmpi eq, %arg1, %eq3A_14 : i32
    %convert_element_type3A_16 = arith.extui %eq3A_15 : i1 to i32
    %cond3A_17 = arith.constant 0 : i32
    %cond3A_18 = arith.cmpi ne, %convert_element_type3A_16, %cond3A_17 : i32
    scf.if %cond3A_18 {
      "tpu.region"() ({
        %run_scoped3A = tpu.sem_alloc : memref<!tpu.dma_semaphore, #tpu.memory_space<semaphore_mem>>
        %dma_start3A = arith.constant 9984 : i32
        %dma_start3A_19 = arith.constant 0 : i32
        %dma_start3A_20 = tpu.memref_slice %arg6[%arg0, %dma_start3A, %dma_start3A_19] : memref<2x10000x128xf32, #tpu.memory_space<hbm>> -> memref<1x16x128xf32, #tpu.memory_space<hbm>>
        %dma_start3A_21 = tpu.memref_squeeze %dma_start3A_20 : memref<1x16x128xf32, #tpu.memory_space<hbm>> -> memref<16x128xf32, #tpu.memory_space<hbm>>
        %dma_start3A_22 = arith.constant 9984 : i32
        %dma_start3A_23 = arith.constant 0 : i32
        %dma_start3A_24 = tpu.memref_slice %arg9[%dma_start3A_22, %dma_start3A_23] : memref<10000x128xf32, #tpu.memory_space<vmem_shared>> -> memref<16x128xf32, #tpu.memory_space<vmem_shared>>
        tpu.enqueue_dma source(%dma_start3A_24 : memref<16x128xf32, #tpu.memory_space<vmem_shared>>) target(%dma_start3A_21 : memref<16x128xf32, #tpu.memory_space<hbm>>) target_semaphore(%run_scoped3A : memref<!tpu.dma_semaphore, #tpu.memory_space<semaphore_mem>>)
        %dma_wait3A = arith.constant 9984 : i32
        %dma_wait3A_25 = arith.constant 0 : i32
        %dma_wait3A_26 = tpu.memref_slice %arg6[%arg0, %dma_wait3A, %dma_wait3A_25] : memref<2x10000x128xf32, #tpu.memory_space<hbm>> -> memref<1x16x128xf32, #tpu.memory_space<hbm>>
        %dma_wait3A_27 = tpu.memref_squeeze %dma_wait3A_26 : memref<1x16x128xf32, #tpu.memory_space<hbm>> -> memref<16x128xf32, #tpu.memory_space<hbm>>
        %dma_wait3A_28 = arith.constant 9984 : i32
        %dma_wait3A_29 = arith.constant 0 : i32
        %dma_wait3A_30 = tpu.memref_slice %arg9[%dma_wait3A_28, %dma_wait3A_29] : memref<10000x128xf32, #tpu.memory_space<vmem_shared>> -> memref<16x128xf32, #tpu.memory_space<vmem_shared>>
        tpu.wait_dma2 semaphore(%run_scoped3A : memref<!tpu.dma_semaphore, #tpu.memory_space<semaphore_mem>>) src(%dma_wait3A_30 : memref<16x128xf32, #tpu.memory_space<vmem_shared>>) dst(%dma_wait3A_27 : memref<16x128xf32, #tpu.memory_space<hbm>>)
        tpu.yield
      }) : () -> ()
    } else {
    }
    return
  }
}

#map = affine_map<(d0, d1) -> (0, 0)>
#map1 = affine_map<(d0, d1) -> (0, 0, 0, 0)>
#map2 = affine_map<(d0, d1) -> (0, 0, 0)>
module attributes {stable_mosaic.version = 14 : i64} {
  func.func @sc_edge_scatter(%arg0: i32, %arg1: i32, %arg2: memref<10000x128xf32, #tpu.memory_space<hbm>>, %arg3: memref<32x80x1x125xi32, #tpu.memory_space<hbm>>, %arg4: memref<32x80x1x125xi32, #tpu.memory_space<hbm>>, %arg5: memref<10000x128xf32, #tpu.memory_space<hbm>>, %arg6: memref<2x10000x128xf32, #tpu.memory_space<hbm>>, %arg7: memref<80x1x125xi32, #tpu.memory_space<vmem>>, %arg8: memref<80x1x125xi32, #tpu.memory_space<vmem>>, %arg9: memref<10000x128xf32, #tpu.memory_space<vmem_shared>>) attributes {dimension_semantics = [#tpu.dimension_semantics<core_parallel>, #tpu.dimension_semantics<subcore_parallel>], iteration_bounds = array<i64: 2, 16>, scalar_prefetch = 0 : i64, scratch_operands = 3 : i64, tpu.core_type = #tpu.core_type<sc_vector_subcore>, window_params = [{transform_indices = #map}, {transform_indices = #map1}, {transform_indices = #map1}, {transform_indices = #map}, {transform_indices = #map2}]} {
    %mul3A = arith.constant 2 : i32
    %mul3A_0 = arith.muli %arg1, %mul3A : i32
    %add3A = arith.addi %mul3A_0, %arg0 : i32
    "tpu.region"() ({
      %run_scoped3A = tpu.sem_alloc : memref<!tpu.dma_semaphore, #tpu.memory_space<semaphore_mem>>
      %dma_start3A = arith.constant 0 : i32
      %dma_start3A_19 = arith.constant 0 : i32
      %dma_start3A_20 = arith.constant 0 : i32
      %dma_start3A_21 = tpu.memref_slice %arg3[%add3A, %dma_start3A, %dma_start3A_19, %dma_start3A_20] : memref<32x80x1x125xi32, #tpu.memory_space<hbm>> -> memref<1x80x1x125xi32, #tpu.memory_space<hbm>>
      %dma_start3A_22 = tpu.memref_squeeze %dma_start3A_21 : memref<1x80x1x125xi32, #tpu.memory_space<hbm>> -> memref<80x1x125xi32, #tpu.memory_space<hbm>>
      %dma_start3A_23 = arith.constant 0 : i32
      %dma_start3A_24 = arith.constant 0 : i32
      %dma_start3A_25 = arith.constant 0 : i32
      %dma_start3A_26 = tpu.memref_slice %arg3[%add3A, %dma_start3A_23, %dma_start3A_24, %dma_start3A_25] : memref<32x80x1x125xi32, #tpu.memory_space<hbm>> -> memref<1x80x1x125xi32, #tpu.memory_space<hbm>>
      %dma_start3A_27 = tpu.memref_squeeze %dma_start3A_26 : memref<1x80x1x125xi32, #tpu.memory_space<hbm>> -> memref<80x1x125xi32, #tpu.memory_space<hbm>>
      tpu.enqueue_dma source(%dma_start3A_27 : memref<80x1x125xi32, #tpu.memory_space<hbm>>) target(%arg7 : memref<80x1x125xi32, #tpu.memory_space<vmem>>) target_semaphore(%run_scoped3A : memref<!tpu.dma_semaphore, #tpu.memory_space<semaphore_mem>>)
      %dma_wait3A = arith.constant 0 : i32
      %dma_wait3A_28 = arith.constant 0 : i32
      %dma_wait3A_29 = arith.constant 0 : i32
      %dma_wait3A_30 = tpu.memref_slice %arg3[%add3A, %dma_wait3A, %dma_wait3A_28, %dma_wait3A_29] : memref<32x80x1x125xi32, #tpu.memory_space<hbm>> -> memref<1x80x1x125xi32, #tpu.memory_space<hbm>>
      %dma_wait3A_31 = tpu.memref_squeeze %dma_wait3A_30 : memref<1x80x1x125xi32, #tpu.memory_space<hbm>> -> memref<80x1x125xi32, #tpu.memory_space<hbm>>
      %dma_wait3A_32 = arith.constant 0 : i32
      %dma_wait3A_33 = arith.constant 0 : i32
      %dma_wait3A_34 = arith.constant 0 : i32
      %dma_wait3A_35 = tpu.memref_slice %arg3[%add3A, %dma_wait3A_32, %dma_wait3A_33, %dma_wait3A_34] : memref<32x80x1x125xi32, #tpu.memory_space<hbm>> -> memref<1x80x1x125xi32, #tpu.memory_space<hbm>>
      %dma_wait3A_36 = tpu.memref_squeeze %dma_wait3A_35 : memref<1x80x1x125xi32, #tpu.memory_space<hbm>> -> memref<80x1x125xi32, #tpu.memory_space<hbm>>
      tpu.wait_dma2 semaphore(%run_scoped3A : memref<!tpu.dma_semaphore, #tpu.memory_space<semaphore_mem>>) src(%dma_wait3A_36 : memref<80x1x125xi32, #tpu.memory_space<hbm>>) dst(%arg7 : memref<80x1x125xi32, #tpu.memory_space<vmem>>)
      tpu.yield
    }) : () -> ()
    "tpu.region"() ({
      %run_scoped3A = tpu.sem_alloc : memref<!tpu.dma_semaphore, #tpu.memory_space<semaphore_mem>>
      %dma_start3A = arith.constant 0 : i32
      %dma_start3A_19 = arith.constant 0 : i32
      %dma_start3A_20 = arith.constant 0 : i32
      %dma_start3A_21 = tpu.memref_slice %arg4[%add3A, %dma_start3A, %dma_start3A_19, %dma_start3A_20] : memref<32x80x1x125xi32, #tpu.memory_space<hbm>> -> memref<1x80x1x125xi32, #tpu.memory_space<hbm>>
      %dma_start3A_22 = tpu.memref_squeeze %dma_start3A_21 : memref<1x80x1x125xi32, #tpu.memory_space<hbm>> -> memref<80x1x125xi32, #tpu.memory_space<hbm>>
      %dma_start3A_23 = arith.constant 0 : i32
      %dma_start3A_24 = arith.constant 0 : i32
      %dma_start3A_25 = arith.constant 0 : i32
      %dma_start3A_26 = tpu.memref_slice %arg4[%add3A, %dma_start3A_23, %dma_start3A_24, %dma_start3A_25] : memref<32x80x1x125xi32, #tpu.memory_space<hbm>> -> memref<1x80x1x125xi32, #tpu.memory_space<hbm>>
      %dma_start3A_27 = tpu.memref_squeeze %dma_start3A_26 : memref<1x80x1x125xi32, #tpu.memory_space<hbm>> -> memref<80x1x125xi32, #tpu.memory_space<hbm>>
      tpu.enqueue_dma source(%dma_start3A_27 : memref<80x1x125xi32, #tpu.memory_space<hbm>>) target(%arg8 : memref<80x1x125xi32, #tpu.memory_space<vmem>>) target_semaphore(%run_scoped3A : memref<!tpu.dma_semaphore, #tpu.memory_space<semaphore_mem>>)
      %dma_wait3A = arith.constant 0 : i32
      %dma_wait3A_28 = arith.constant 0 : i32
      %dma_wait3A_29 = arith.constant 0 : i32
      %dma_wait3A_30 = tpu.memref_slice %arg4[%add3A, %dma_wait3A, %dma_wait3A_28, %dma_wait3A_29] : memref<32x80x1x125xi32, #tpu.memory_space<hbm>> -> memref<1x80x1x125xi32, #tpu.memory_space<hbm>>
      %dma_wait3A_31 = tpu.memref_squeeze %dma_wait3A_30 : memref<1x80x1x125xi32, #tpu.memory_space<hbm>> -> memref<80x1x125xi32, #tpu.memory_space<hbm>>
      %dma_wait3A_32 = arith.constant 0 : i32
      %dma_wait3A_33 = arith.constant 0 : i32
      %dma_wait3A_34 = arith.constant 0 : i32
      %dma_wait3A_35 = tpu.memref_slice %arg4[%add3A, %dma_wait3A_32, %dma_wait3A_33, %dma_wait3A_34] : memref<32x80x1x125xi32, #tpu.memory_space<hbm>> -> memref<1x80x1x125xi32, #tpu.memory_space<hbm>>
      %dma_wait3A_36 = tpu.memref_squeeze %dma_wait3A_35 : memref<1x80x1x125xi32, #tpu.memory_space<hbm>> -> memref<80x1x125xi32, #tpu.memory_space<hbm>>
      tpu.wait_dma2 semaphore(%run_scoped3A : memref<!tpu.dma_semaphore, #tpu.memory_space<semaphore_mem>>) src(%dma_wait3A_36 : memref<80x1x125xi32, #tpu.memory_space<hbm>>) dst(%arg8 : memref<80x1x125xi32, #tpu.memory_space<vmem>>)
      tpu.yield
    }) : () -> ()
    %mul3A_1 = arith.constant 624 : i32
    %mul3A_2 = arith.muli %arg1, %mul3A_1 : i32
    %mul3A_3 = arith.constant 624 : i32
    %mul3A_4 = arith.muli %arg1, %mul3A_3 : i32
    "tpu.region"() ({
      %run_scoped3A = tpu.sem_alloc : memref<!tpu.dma_semaphore, #tpu.memory_space<semaphore_mem>>
      %dma_start3A = arith.constant 0 : i32
      %dma_start3A_19 = tpu.memref_slice %arg9[%mul3A_4, %dma_start3A] : memref<10000x128xf32, #tpu.memory_space<vmem_shared>> -> memref<624x128xf32, #tpu.memory_space<vmem_shared>>
      %dma_start3A_20 = arith.constant 0 : i32
      %dma_start3A_21 = tpu.memref_slice %arg5[%mul3A_2, %dma_start3A_20] : memref<10000x128xf32, #tpu.memory_space<hbm>> -> memref<624x128xf32, #tpu.memory_space<hbm>>
      tpu.enqueue_dma source(%dma_start3A_21 : memref<624x128xf32, #tpu.memory_space<hbm>>) target(%dma_start3A_19 : memref<624x128xf32, #tpu.memory_space<vmem_shared>>) target_semaphore(%run_scoped3A : memref<!tpu.dma_semaphore, #tpu.memory_space<semaphore_mem>>)
      %dma_wait3A = arith.constant 0 : i32
      %dma_wait3A_22 = tpu.memref_slice %arg9[%mul3A_4, %dma_wait3A] : memref<10000x128xf32, #tpu.memory_space<vmem_shared>> -> memref<624x128xf32, #tpu.memory_space<vmem_shared>>
      %dma_wait3A_23 = arith.constant 0 : i32
      %dma_wait3A_24 = tpu.memref_slice %arg5[%mul3A_2, %dma_wait3A_23] : memref<10000x128xf32, #tpu.memory_space<hbm>> -> memref<624x128xf32, #tpu.memory_space<hbm>>
      tpu.wait_dma2 semaphore(%run_scoped3A : memref<!tpu.dma_semaphore, #tpu.memory_space<semaphore_mem>>) src(%dma_wait3A_24 : memref<624x128xf32, #tpu.memory_space<hbm>>) dst(%dma_wait3A_22 : memref<624x128xf32, #tpu.memory_space<vmem_shared>>)
      tpu.yield
    }) : () -> ()
    %eq3A = arith.constant 15 : i32
    %eq3A_5 = arith.cmpi eq, %arg1, %eq3A : i32
    %convert_element_type3A = arith.extui %eq3A_5 : i1 to i32
    %cond3A = arith.constant 0 : i32
    %cond3A_6 = arith.cmpi ne, %convert_element_type3A, %cond3A : i32
    scf.if %cond3A_6 {
      "tpu.region"() ({
        %run_scoped3A = tpu.sem_alloc : memref<!tpu.dma_semaphore, #tpu.memory_space<semaphore_mem>>
        %dma_start3A = arith.constant 9984 : i32
        %dma_start3A_19 = arith.constant 0 : i32
        %dma_start3A_20 = tpu.memref_slice %arg9[%dma_start3A, %dma_start3A_19] : memref<10000x128xf32, #tpu.memory_space<vmem_shared>> -> memref<16x128xf32, #tpu.memory_space<vmem_shared>>
        %dma_start3A_21 = arith.constant 9984 : i32
        %dma_start3A_22 = arith.constant 0 : i32
        %dma_start3A_23 = tpu.memref_slice %arg5[%dma_start3A_21, %dma_start3A_22] : memref<10000x128xf32, #tpu.memory_space<hbm>> -> memref<16x128xf32, #tpu.memory_space<hbm>>
        tpu.enqueue_dma source(%dma_start3A_23 : memref<16x128xf32, #tpu.memory_space<hbm>>) target(%dma_start3A_20 : memref<16x128xf32, #tpu.memory_space<vmem_shared>>) target_semaphore(%run_scoped3A : memref<!tpu.dma_semaphore, #tpu.memory_space<semaphore_mem>>)
        %dma_wait3A = arith.constant 9984 : i32
        %dma_wait3A_24 = arith.constant 0 : i32
        %dma_wait3A_25 = tpu.memref_slice %arg9[%dma_wait3A, %dma_wait3A_24] : memref<10000x128xf32, #tpu.memory_space<vmem_shared>> -> memref<16x128xf32, #tpu.memory_space<vmem_shared>>
        %dma_wait3A_26 = arith.constant 9984 : i32
        %dma_wait3A_27 = arith.constant 0 : i32
        %dma_wait3A_28 = tpu.memref_slice %arg5[%dma_wait3A_26, %dma_wait3A_27] : memref<10000x128xf32, #tpu.memory_space<hbm>> -> memref<16x128xf32, #tpu.memory_space<hbm>>
        tpu.wait_dma2 semaphore(%run_scoped3A : memref<!tpu.dma_semaphore, #tpu.memory_space<semaphore_mem>>) src(%dma_wait3A_28 : memref<16x128xf32, #tpu.memory_space<hbm>>) dst(%dma_wait3A_25 : memref<16x128xf32, #tpu.memory_space<vmem_shared>>)
        tpu.yield
      }) : () -> ()
    } else {
    }
    %barrier3A = arith.constant 0 : index
    tpu.barrier barrier_id(%barrier3A)
    %parallel_loop3A = arith.constant 0 : i32
    %parallel_loop3A_7 = arith.constant 80 : i32
    %parallel_loop3A_8 = arith.constant 1 : i32
    scf.for %parallel_loop3A_19 = %parallel_loop3A to %parallel_loop3A_7 step %parallel_loop3A_8  : i32 {
      "tpu.region"() ({
        %parallel_loop3A_20 = memref.alloca() : memref<125x128xf32, #tpu.memory_space<vmem>>
        %parallel_loop3A_21 = arith.constant 0 : i32
        "tpu.region"() ({
          %parallel_loop3A_23 = tpu.sem_alloc : memref<!tpu.dma_semaphore, #tpu.memory_space<semaphore_mem>>
          %parallel_loop3A_24 = arith.constant 0 : i32
          %parallel_loop3A_25 = tpu.memref_slice %arg7[%parallel_loop3A_19, %parallel_loop3A_21, %parallel_loop3A_24] : memref<80x1x125xi32, #tpu.memory_space<vmem>> -> memref<1x1x125xi32, #tpu.memory_space<vmem>>
          %parallel_loop3A_26 = tpu.memref_squeeze %parallel_loop3A_25 : memref<1x1x125xi32, #tpu.memory_space<vmem>> -> memref<125xi32, #tpu.memory_space<vmem>>
          %parallel_loop3A_27 = arith.constant 0 : i32
          %parallel_loop3A_28 = arith.constant 0 : i32
          %parallel_loop3A_29 = tpu.memref_slice %arg2[%parallel_loop3A_27, %parallel_loop3A_28] : memref<10000x128xf32, #tpu.memory_space<hbm>> -> memref<10000x128xf32, #tpu.memory_space<hbm>>
          tpu.enqueue_indirect_dma source(%parallel_loop3A_29 : memref<10000x128xf32, #tpu.memory_space<hbm>>) target(%parallel_loop3A_20 : memref<125x128xf32, #tpu.memory_space<vmem>>) offsets(%parallel_loop3A_26 : memref<125xi32, #tpu.memory_space<vmem>>) semaphore(%parallel_loop3A_23 : memref<!tpu.dma_semaphore, #tpu.memory_space<semaphore_mem>>)
          %parallel_loop3A_30 = arith.constant 0 : i32
          %parallel_loop3A_31 = tpu.memref_slice %arg7[%parallel_loop3A_19, %parallel_loop3A_21, %parallel_loop3A_30] : memref<80x1x125xi32, #tpu.memory_space<vmem>> -> memref<1x1x125xi32, #tpu.memory_space<vmem>>
          %parallel_loop3A_32 = tpu.memref_squeeze %parallel_loop3A_31 : memref<1x1x125xi32, #tpu.memory_space<vmem>> -> memref<125xi32, #tpu.memory_space<vmem>>
          %parallel_loop3A_33 = arith.constant 0 : i32
          %parallel_loop3A_34 = arith.constant 0 : i32
          %parallel_loop3A_35 = tpu.memref_slice %arg2[%parallel_loop3A_33, %parallel_loop3A_34] : memref<10000x128xf32, #tpu.memory_space<hbm>> -> memref<10000x128xf32, #tpu.memory_space<hbm>>
          tpu.wait_indirect_dma semaphore(%parallel_loop3A_23 : memref<!tpu.dma_semaphore, #tpu.memory_space<semaphore_mem>>) src(%parallel_loop3A_35 : memref<10000x128xf32, #tpu.memory_space<hbm>>) dst(%parallel_loop3A_20 : memref<125x128xf32, #tpu.memory_space<vmem>>)
          tpu.yield
        }) : () -> ()
        %parallel_loop3A_22 = arith.constant 0 : i32
        "tpu.region"() ({
          %parallel_loop3A_23 = tpu.sem_alloc : memref<!tpu.dma_semaphore, #tpu.memory_space<semaphore_mem>>
          %parallel_loop3A_24 = arith.constant 0 : i32
          %parallel_loop3A_25 = tpu.memref_slice %arg8[%parallel_loop3A_19, %parallel_loop3A_22, %parallel_loop3A_24] : memref<80x1x125xi32, #tpu.memory_space<vmem>> -> memref<1x1x125xi32, #tpu.memory_space<vmem>>
          %parallel_loop3A_26 = tpu.memref_squeeze %parallel_loop3A_25 : memref<1x1x125xi32, #tpu.memory_space<vmem>> -> memref<125xi32, #tpu.memory_space<vmem>>
          %parallel_loop3A_27 = arith.constant 0 : i32
          %parallel_loop3A_28 = arith.constant 0 : i32
          %parallel_loop3A_29 = tpu.memref_slice %arg9[%parallel_loop3A_27, %parallel_loop3A_28] : memref<10000x128xf32, #tpu.memory_space<vmem_shared>> -> memref<10000x128xf32, #tpu.memory_space<vmem_shared>>
          tpu.enqueue_indirect_dma source(%parallel_loop3A_20 : memref<125x128xf32, #tpu.memory_space<vmem>>) target(%parallel_loop3A_29 : memref<10000x128xf32, #tpu.memory_space<vmem_shared>>) offsets(%parallel_loop3A_26 : memref<125xi32, #tpu.memory_space<vmem>>) semaphore(%parallel_loop3A_23 : memref<!tpu.dma_semaphore, #tpu.memory_space<semaphore_mem>>) {add = true}
          %parallel_loop3A_30 = arith.constant 0 : i32
          %parallel_loop3A_31 = tpu.memref_slice %arg8[%parallel_loop3A_19, %parallel_loop3A_22, %parallel_loop3A_30] : memref<80x1x125xi32, #tpu.memory_space<vmem>> -> memref<1x1x125xi32, #tpu.memory_space<vmem>>
          %parallel_loop3A_32 = tpu.memref_squeeze %parallel_loop3A_31 : memref<1x1x125xi32, #tpu.memory_space<vmem>> -> memref<125xi32, #tpu.memory_space<vmem>>
          %parallel_loop3A_33 = arith.constant 0 : i32
          %parallel_loop3A_34 = arith.constant 0 : i32
          %parallel_loop3A_35 = tpu.memref_slice %arg9[%parallel_loop3A_33, %parallel_loop3A_34] : memref<10000x128xf32, #tpu.memory_space<vmem_shared>> -> memref<10000x128xf32, #tpu.memory_space<vmem_shared>>
          tpu.wait_indirect_dma semaphore(%parallel_loop3A_23 : memref<!tpu.dma_semaphore, #tpu.memory_space<semaphore_mem>>) src(%parallel_loop3A_20 : memref<125x128xf32, #tpu.memory_space<vmem>>) dst(%parallel_loop3A_35 : memref<10000x128xf32, #tpu.memory_space<vmem_shared>>)
          tpu.yield
        }) : () -> ()
        tpu.yield
      }) : () -> ()
    } {sc.loop_unroll_factor = 5 : i64, sc.parallel_access}
    %barrier3A_9 = arith.constant 0 : index
    tpu.barrier barrier_id(%barrier3A_9)
    %mul3A_10 = arith.constant 624 : i32
    %mul3A_11 = arith.muli %arg1, %mul3A_10 : i32
    %mul3A_12 = arith.constant 624 : i32
    %mul3A_13 = arith.muli %arg1, %mul3A_12 : i32
    "tpu.region"() ({
      %run_scoped3A = tpu.sem_alloc : memref<!tpu.dma_semaphore, #tpu.memory_space<semaphore_mem>>
      %dma_start3A = arith.constant 0 : i32
      %dma_start3A_19 = tpu.memref_slice %arg6[%arg0, %mul3A_13, %dma_start3A] : memref<2x10000x128xf32, #tpu.memory_space<hbm>> -> memref<1x624x128xf32, #tpu.memory_space<hbm>>
      %dma_start3A_20 = tpu.memref_squeeze %dma_start3A_19 : memref<1x624x128xf32, #tpu.memory_space<hbm>> -> memref<624x128xf32, #tpu.memory_space<hbm>>
      %dma_start3A_21 = arith.constant 0 : i32
      %dma_start3A_22 = tpu.memref_slice %arg9[%mul3A_11, %dma_start3A_21] : memref<10000x128xf32, #tpu.memory_space<vmem_shared>> -> memref<624x128xf32, #tpu.memory_space<vmem_shared>>
      tpu.enqueue_dma source(%dma_start3A_22 : memref<624x128xf32, #tpu.memory_space<vmem_shared>>) target(%dma_start3A_20 : memref<624x128xf32, #tpu.memory_space<hbm>>) target_semaphore(%run_scoped3A : memref<!tpu.dma_semaphore, #tpu.memory_space<semaphore_mem>>)
      %dma_wait3A = arith.constant 0 : i32
      %dma_wait3A_23 = tpu.memref_slice %arg6[%arg0, %mul3A_13, %dma_wait3A] : memref<2x10000x128xf32, #tpu.memory_space<hbm>> -> memref<1x624x128xf32, #tpu.memory_space<hbm>>
      %dma_wait3A_24 = tpu.memref_squeeze %dma_wait3A_23 : memref<1x624x128xf32, #tpu.memory_space<hbm>> -> memref<624x128xf32, #tpu.memory_space<hbm>>
      %dma_wait3A_25 = arith.constant 0 : i32
      %dma_wait3A_26 = tpu.memref_slice %arg9[%mul3A_11, %dma_wait3A_25] : memref<10000x128xf32, #tpu.memory_space<vmem_shared>> -> memref<624x128xf32, #tpu.memory_space<vmem_shared>>
      tpu.wait_dma2 semaphore(%run_scoped3A : memref<!tpu.dma_semaphore, #tpu.memory_space<semaphore_mem>>) src(%dma_wait3A_26 : memref<624x128xf32, #tpu.memory_space<vmem_shared>>) dst(%dma_wait3A_24 : memref<624x128xf32, #tpu.memory_space<hbm>>)
      tpu.yield
    }) : () -> ()
    %eq3A_14 = arith.constant 15 : i32
    %eq3A_15 = arith.cmpi eq, %arg1, %eq3A_14 : i32
    %convert_element_type3A_16 = arith.extui %eq3A_15 : i1 to i32
    %cond3A_17 = arith.constant 0 : i32
    %cond3A_18 = arith.cmpi ne, %convert_element_type3A_16, %cond3A_17 : i32
    scf.if %cond3A_18 {
      "tpu.region"() ({
        %run_scoped3A = tpu.sem_alloc : memref<!tpu.dma_semaphore, #tpu.memory_space<semaphore_mem>>
        %dma_start3A = arith.constant 9984 : i32
        %dma_start3A_19 = arith.constant 0 : i32
        %dma_start3A_20 = tpu.memref_slice %arg6[%arg0, %dma_start3A, %dma_start3A_19] : memref<2x10000x128xf32, #tpu.memory_space<hbm>> -> memref<1x16x128xf32, #tpu.memory_space<hbm>>
        %dma_start3A_21 = tpu.memref_squeeze %dma_start3A_20 : memref<1x16x128xf32, #tpu.memory_space<hbm>> -> memref<16x128xf32, #tpu.memory_space<hbm>>
        %dma_start3A_22 = arith.constant 9984 : i32
        %dma_start3A_23 = arith.constant 0 : i32
        %dma_start3A_24 = tpu.memref_slice %arg9[%dma_start3A_22, %dma_start3A_23] : memref<10000x128xf32, #tpu.memory_space<vmem_shared>> -> memref<16x128xf32, #tpu.memory_space<vmem_shared>>
        tpu.enqueue_dma source(%dma_start3A_24 : memref<16x128xf32, #tpu.memory_space<vmem_shared>>) target(%dma_start3A_21 : memref<16x128xf32, #tpu.memory_space<hbm>>) target_semaphore(%run_scoped3A : memref<!tpu.dma_semaphore, #tpu.memory_space<semaphore_mem>>)
        %dma_wait3A = arith.constant 9984 : i32
        %dma_wait3A_25 = arith.constant 0 : i32
        %dma_wait3A_26 = tpu.memref_slice %arg6[%arg0, %dma_wait3A, %dma_wait3A_25] : memref<2x10000x128xf32, #tpu.memory_space<hbm>> -> memref<1x16x128xf32, #tpu.memory_space<hbm>>
        %dma_wait3A_27 = tpu.memref_squeeze %dma_wait3A_26 : memref<1x16x128xf32, #tpu.memory_space<hbm>> -> memref<16x128xf32, #tpu.memory_space<hbm>>
        %dma_wait3A_28 = arith.constant 9984 : i32
        %dma_wait3A_29 = arith.constant 0 : i32
        %dma_wait3A_30 = tpu.memref_slice %arg9[%dma_wait3A_28, %dma_wait3A_29] : memref<10000x128xf32, #tpu.memory_space<vmem_shared>> -> memref<16x128xf32, #tpu.memory_space<vmem_shared>>
        tpu.wait_dma2 semaphore(%run_scoped3A : memref<!tpu.dma_semaphore, #tpu.memory_space<semaphore_mem>>) src(%dma_wait3A_30 : memref<16x128xf32, #tpu.memory_space<vmem_shared>>) dst(%dma_wait3A_27 : memref<16x128xf32, #tpu.memory_space<hbm>>)
        tpu.yield
      }) : () -> ()
    } else {
    }
    return
  }
}

#map = affine_map<(d0, d1) -> (0, 0)>
#map1 = affine_map<(d0, d1) -> (0, 0, 0, 0)>
#map2 = affine_map<(d0, d1) -> (0, 0, 0)>
module attributes {stable_mosaic.version = 14 : i64} {
  func.func @sc_edge_scatter(%arg0: i32, %arg1: i32, %arg2: memref<10000x128xf32, #tpu.memory_space<hbm>>, %arg3: memref<32x80x1x125xi32, #tpu.memory_space<hbm>>, %arg4: memref<32x80x1x125xi32, #tpu.memory_space<hbm>>, %arg5: memref<10000x128xf32, #tpu.memory_space<hbm>>, %arg6: memref<2x10000x128xf32, #tpu.memory_space<hbm>>, %arg7: memref<80x1x125xi32, #tpu.memory_space<vmem>>, %arg8: memref<80x1x125xi32, #tpu.memory_space<vmem>>, %arg9: memref<10000x128xf32, #tpu.memory_space<vmem_shared>>) attributes {dimension_semantics = [#tpu.dimension_semantics<core_parallel>, #tpu.dimension_semantics<subcore_parallel>], iteration_bounds = array<i64: 2, 16>, scalar_prefetch = 0 : i64, scratch_operands = 3 : i64, tpu.core_type = #tpu.core_type<sc_vector_subcore>, window_params = [{transform_indices = #map}, {transform_indices = #map1}, {transform_indices = #map1}, {transform_indices = #map}, {transform_indices = #map2}]} {
    %mul3A = arith.constant 2 : i32
    %mul3A_0 = arith.muli %arg1, %mul3A : i32
    %add3A = arith.addi %mul3A_0, %arg0 : i32
    "tpu.region"() ({
      %run_scoped3A = tpu.sem_alloc : memref<!tpu.dma_semaphore, #tpu.memory_space<semaphore_mem>>
      %dma_start3A = arith.constant 0 : i32
      %dma_start3A_19 = arith.constant 0 : i32
      %dma_start3A_20 = arith.constant 0 : i32
      %dma_start3A_21 = tpu.memref_slice %arg3[%add3A, %dma_start3A, %dma_start3A_19, %dma_start3A_20] : memref<32x80x1x125xi32, #tpu.memory_space<hbm>> -> memref<1x80x1x125xi32, #tpu.memory_space<hbm>>
      %dma_start3A_22 = tpu.memref_squeeze %dma_start3A_21 : memref<1x80x1x125xi32, #tpu.memory_space<hbm>> -> memref<80x1x125xi32, #tpu.memory_space<hbm>>
      %dma_start3A_23 = arith.constant 0 : i32
      %dma_start3A_24 = arith.constant 0 : i32
      %dma_start3A_25 = arith.constant 0 : i32
      %dma_start3A_26 = tpu.memref_slice %arg3[%add3A, %dma_start3A_23, %dma_start3A_24, %dma_start3A_25] : memref<32x80x1x125xi32, #tpu.memory_space<hbm>> -> memref<1x80x1x125xi32, #tpu.memory_space<hbm>>
      %dma_start3A_27 = tpu.memref_squeeze %dma_start3A_26 : memref<1x80x1x125xi32, #tpu.memory_space<hbm>> -> memref<80x1x125xi32, #tpu.memory_space<hbm>>
      tpu.enqueue_dma source(%dma_start3A_27 : memref<80x1x125xi32, #tpu.memory_space<hbm>>) target(%arg7 : memref<80x1x125xi32, #tpu.memory_space<vmem>>) target_semaphore(%run_scoped3A : memref<!tpu.dma_semaphore, #tpu.memory_space<semaphore_mem>>)
      %dma_wait3A = arith.constant 0 : i32
      %dma_wait3A_28 = arith.constant 0 : i32
      %dma_wait3A_29 = arith.constant 0 : i32
      %dma_wait3A_30 = tpu.memref_slice %arg3[%add3A, %dma_wait3A, %dma_wait3A_28, %dma_wait3A_29] : memref<32x80x1x125xi32, #tpu.memory_space<hbm>> -> memref<1x80x1x125xi32, #tpu.memory_space<hbm>>
      %dma_wait3A_31 = tpu.memref_squeeze %dma_wait3A_30 : memref<1x80x1x125xi32, #tpu.memory_space<hbm>> -> memref<80x1x125xi32, #tpu.memory_space<hbm>>
      %dma_wait3A_32 = arith.constant 0 : i32
      %dma_wait3A_33 = arith.constant 0 : i32
      %dma_wait3A_34 = arith.constant 0 : i32
      %dma_wait3A_35 = tpu.memref_slice %arg3[%add3A, %dma_wait3A_32, %dma_wait3A_33, %dma_wait3A_34] : memref<32x80x1x125xi32, #tpu.memory_space<hbm>> -> memref<1x80x1x125xi32, #tpu.memory_space<hbm>>
      %dma_wait3A_36 = tpu.memref_squeeze %dma_wait3A_35 : memref<1x80x1x125xi32, #tpu.memory_space<hbm>> -> memref<80x1x125xi32, #tpu.memory_space<hbm>>
      tpu.wait_dma2 semaphore(%run_scoped3A : memref<!tpu.dma_semaphore, #tpu.memory_space<semaphore_mem>>) src(%dma_wait3A_36 : memref<80x1x125xi32, #tpu.memory_space<hbm>>) dst(%arg7 : memref<80x1x125xi32, #tpu.memory_space<vmem>>)
      tpu.yield
    }) : () -> ()
    "tpu.region"() ({
      %run_scoped3A = tpu.sem_alloc : memref<!tpu.dma_semaphore, #tpu.memory_space<semaphore_mem>>
      %dma_start3A = arith.constant 0 : i32
      %dma_start3A_19 = arith.constant 0 : i32
      %dma_start3A_20 = arith.constant 0 : i32
      %dma_start3A_21 = tpu.memref_slice %arg4[%add3A, %dma_start3A, %dma_start3A_19, %dma_start3A_20] : memref<32x80x1x125xi32, #tpu.memory_space<hbm>> -> memref<1x80x1x125xi32, #tpu.memory_space<hbm>>
      %dma_start3A_22 = tpu.memref_squeeze %dma_start3A_21 : memref<1x80x1x125xi32, #tpu.memory_space<hbm>> -> memref<80x1x125xi32, #tpu.memory_space<hbm>>
      %dma_start3A_23 = arith.constant 0 : i32
      %dma_start3A_24 = arith.constant 0 : i32
      %dma_start3A_25 = arith.constant 0 : i32
      %dma_start3A_26 = tpu.memref_slice %arg4[%add3A, %dma_start3A_23, %dma_start3A_24, %dma_start3A_25] : memref<32x80x1x125xi32, #tpu.memory_space<hbm>> -> memref<1x80x1x125xi32, #tpu.memory_space<hbm>>
      %dma_start3A_27 = tpu.memref_squeeze %dma_start3A_26 : memref<1x80x1x125xi32, #tpu.memory_space<hbm>> -> memref<80x1x125xi32, #tpu.memory_space<hbm>>
      tpu.enqueue_dma source(%dma_start3A_27 : memref<80x1x125xi32, #tpu.memory_space<hbm>>) target(%arg8 : memref<80x1x125xi32, #tpu.memory_space<vmem>>) target_semaphore(%run_scoped3A : memref<!tpu.dma_semaphore, #tpu.memory_space<semaphore_mem>>)
      %dma_wait3A = arith.constant 0 : i32
      %dma_wait3A_28 = arith.constant 0 : i32
      %dma_wait3A_29 = arith.constant 0 : i32
      %dma_wait3A_30 = tpu.memref_slice %arg4[%add3A, %dma_wait3A, %dma_wait3A_28, %dma_wait3A_29] : memref<32x80x1x125xi32, #tpu.memory_space<hbm>> -> memref<1x80x1x125xi32, #tpu.memory_space<hbm>>
      %dma_wait3A_31 = tpu.memref_squeeze %dma_wait3A_30 : memref<1x80x1x125xi32, #tpu.memory_space<hbm>> -> memref<80x1x125xi32, #tpu.memory_space<hbm>>
      %dma_wait3A_32 = arith.constant 0 : i32
      %dma_wait3A_33 = arith.constant 0 : i32
      %dma_wait3A_34 = arith.constant 0 : i32
      %dma_wait3A_35 = tpu.memref_slice %arg4[%add3A, %dma_wait3A_32, %dma_wait3A_33, %dma_wait3A_34] : memref<32x80x1x125xi32, #tpu.memory_space<hbm>> -> memref<1x80x1x125xi32, #tpu.memory_space<hbm>>
      %dma_wait3A_36 = tpu.memref_squeeze %dma_wait3A_35 : memref<1x80x1x125xi32, #tpu.memory_space<hbm>> -> memref<80x1x125xi32, #tpu.memory_space<hbm>>
      tpu.wait_dma2 semaphore(%run_scoped3A : memref<!tpu.dma_semaphore, #tpu.memory_space<semaphore_mem>>) src(%dma_wait3A_36 : memref<80x1x125xi32, #tpu.memory_space<hbm>>) dst(%arg8 : memref<80x1x125xi32, #tpu.memory_space<vmem>>)
      tpu.yield
    }) : () -> ()
    %mul3A_1 = arith.constant 624 : i32
    %mul3A_2 = arith.muli %arg1, %mul3A_1 : i32
    %mul3A_3 = arith.constant 624 : i32
    %mul3A_4 = arith.muli %arg1, %mul3A_3 : i32
    "tpu.region"() ({
      %run_scoped3A = tpu.sem_alloc : memref<!tpu.dma_semaphore, #tpu.memory_space<semaphore_mem>>
      %dma_start3A = arith.constant 0 : i32
      %dma_start3A_19 = tpu.memref_slice %arg9[%mul3A_4, %dma_start3A] : memref<10000x128xf32, #tpu.memory_space<vmem_shared>> -> memref<624x128xf32, #tpu.memory_space<vmem_shared>>
      %dma_start3A_20 = arith.constant 0 : i32
      %dma_start3A_21 = tpu.memref_slice %arg5[%mul3A_2, %dma_start3A_20] : memref<10000x128xf32, #tpu.memory_space<hbm>> -> memref<624x128xf32, #tpu.memory_space<hbm>>
      tpu.enqueue_dma source(%dma_start3A_21 : memref<624x128xf32, #tpu.memory_space<hbm>>) target(%dma_start3A_19 : memref<624x128xf32, #tpu.memory_space<vmem_shared>>) target_semaphore(%run_scoped3A : memref<!tpu.dma_semaphore, #tpu.memory_space<semaphore_mem>>)
      %dma_wait3A = arith.constant 0 : i32
      %dma_wait3A_22 = tpu.memref_slice %arg9[%mul3A_4, %dma_wait3A] : memref<10000x128xf32, #tpu.memory_space<vmem_shared>> -> memref<624x128xf32, #tpu.memory_space<vmem_shared>>
      %dma_wait3A_23 = arith.constant 0 : i32
      %dma_wait3A_24 = tpu.memref_slice %arg5[%mul3A_2, %dma_wait3A_23] : memref<10000x128xf32, #tpu.memory_space<hbm>> -> memref<624x128xf32, #tpu.memory_space<hbm>>
      tpu.wait_dma2 semaphore(%run_scoped3A : memref<!tpu.dma_semaphore, #tpu.memory_space<semaphore_mem>>) src(%dma_wait3A_24 : memref<624x128xf32, #tpu.memory_space<hbm>>) dst(%dma_wait3A_22 : memref<624x128xf32, #tpu.memory_space<vmem_shared>>)
      tpu.yield
    }) : () -> ()
    %eq3A = arith.constant 15 : i32
    %eq3A_5 = arith.cmpi eq, %arg1, %eq3A : i32
    %convert_element_type3A = arith.extui %eq3A_5 : i1 to i32
    %cond3A = arith.constant 0 : i32
    %cond3A_6 = arith.cmpi ne, %convert_element_type3A, %cond3A : i32
    scf.if %cond3A_6 {
      "tpu.region"() ({
        %run_scoped3A = tpu.sem_alloc : memref<!tpu.dma_semaphore, #tpu.memory_space<semaphore_mem>>
        %dma_start3A = arith.constant 9984 : i32
        %dma_start3A_19 = arith.constant 0 : i32
        %dma_start3A_20 = tpu.memref_slice %arg9[%dma_start3A, %dma_start3A_19] : memref<10000x128xf32, #tpu.memory_space<vmem_shared>> -> memref<16x128xf32, #tpu.memory_space<vmem_shared>>
        %dma_start3A_21 = arith.constant 9984 : i32
        %dma_start3A_22 = arith.constant 0 : i32
        %dma_start3A_23 = tpu.memref_slice %arg5[%dma_start3A_21, %dma_start3A_22] : memref<10000x128xf32, #tpu.memory_space<hbm>> -> memref<16x128xf32, #tpu.memory_space<hbm>>
        tpu.enqueue_dma source(%dma_start3A_23 : memref<16x128xf32, #tpu.memory_space<hbm>>) target(%dma_start3A_20 : memref<16x128xf32, #tpu.memory_space<vmem_shared>>) target_semaphore(%run_scoped3A : memref<!tpu.dma_semaphore, #tpu.memory_space<semaphore_mem>>)
        %dma_wait3A = arith.constant 9984 : i32
        %dma_wait3A_24 = arith.constant 0 : i32
        %dma_wait3A_25 = tpu.memref_slice %arg9[%dma_wait3A, %dma_wait3A_24] : memref<10000x128xf32, #tpu.memory_space<vmem_shared>> -> memref<16x128xf32, #tpu.memory_space<vmem_shared>>
        %dma_wait3A_26 = arith.constant 9984 : i32
        %dma_wait3A_27 = arith.constant 0 : i32
        %dma_wait3A_28 = tpu.memref_slice %arg5[%dma_wait3A_26, %dma_wait3A_27] : memref<10000x128xf32, #tpu.memory_space<hbm>> -> memref<16x128xf32, #tpu.memory_space<hbm>>
        tpu.wait_dma2 semaphore(%run_scoped3A : memref<!tpu.dma_semaphore, #tpu.memory_space<semaphore_mem>>) src(%dma_wait3A_28 : memref<16x128xf32, #tpu.memory_space<hbm>>) dst(%dma_wait3A_25 : memref<16x128xf32, #tpu.memory_space<vmem_shared>>)
        tpu.yield
      }) : () -> ()
    } else {
    }
    %barrier3A = arith.constant 0 : index
    tpu.barrier barrier_id(%barrier3A)
    %parallel_loop3A = arith.constant 0 : i32
    %parallel_loop3A_7 = arith.constant 80 : i32
    %parallel_loop3A_8 = arith.constant 1 : i32
    scf.for %parallel_loop3A_19 = %parallel_loop3A to %parallel_loop3A_7 step %parallel_loop3A_8  : i32 {
      "tpu.region"() ({
        %parallel_loop3A_20 = memref.alloca() : memref<125x128xf32, #tpu.memory_space<vmem>>
        %parallel_loop3A_21 = arith.constant 0 : i32
        "tpu.region"() ({
          %parallel_loop3A_23 = tpu.sem_alloc : memref<!tpu.dma_semaphore, #tpu.memory_space<semaphore_mem>>
          %parallel_loop3A_24 = arith.constant 0 : i32
          %parallel_loop3A_25 = tpu.memref_slice %arg7[%parallel_loop3A_19, %parallel_loop3A_21, %parallel_loop3A_24] : memref<80x1x125xi32, #tpu.memory_space<vmem>> -> memref<1x1x125xi32, #tpu.memory_space<vmem>>
          %parallel_loop3A_26 = tpu.memref_squeeze %parallel_loop3A_25 : memref<1x1x125xi32, #tpu.memory_space<vmem>> -> memref<125xi32, #tpu.memory_space<vmem>>
          %parallel_loop3A_27 = arith.constant 0 : i32
          %parallel_loop3A_28 = arith.constant 0 : i32
          %parallel_loop3A_29 = tpu.memref_slice %arg2[%parallel_loop3A_27, %parallel_loop3A_28] : memref<10000x128xf32, #tpu.memory_space<hbm>> -> memref<10000x128xf32, #tpu.memory_space<hbm>>
          tpu.enqueue_indirect_dma source(%parallel_loop3A_29 : memref<10000x128xf32, #tpu.memory_space<hbm>>) target(%parallel_loop3A_20 : memref<125x128xf32, #tpu.memory_space<vmem>>) offsets(%parallel_loop3A_26 : memref<125xi32, #tpu.memory_space<vmem>>) semaphore(%parallel_loop3A_23 : memref<!tpu.dma_semaphore, #tpu.memory_space<semaphore_mem>>)
          %parallel_loop3A_30 = arith.constant 0 : i32
          %parallel_loop3A_31 = tpu.memref_slice %arg7[%parallel_loop3A_19, %parallel_loop3A_21, %parallel_loop3A_30] : memref<80x1x125xi32, #tpu.memory_space<vmem>> -> memref<1x1x125xi32, #tpu.memory_space<vmem>>
          %parallel_loop3A_32 = tpu.memref_squeeze %parallel_loop3A_31 : memref<1x1x125xi32, #tpu.memory_space<vmem>> -> memref<125xi32, #tpu.memory_space<vmem>>
          %parallel_loop3A_33 = arith.constant 0 : i32
          %parallel_loop3A_34 = arith.constant 0 : i32
          %parallel_loop3A_35 = tpu.memref_slice %arg2[%parallel_loop3A_33, %parallel_loop3A_34] : memref<10000x128xf32, #tpu.memory_space<hbm>> -> memref<10000x128xf32, #tpu.memory_space<hbm>>
          tpu.wait_indirect_dma semaphore(%parallel_loop3A_23 : memref<!tpu.dma_semaphore, #tpu.memory_space<semaphore_mem>>) src(%parallel_loop3A_35 : memref<10000x128xf32, #tpu.memory_space<hbm>>) dst(%parallel_loop3A_20 : memref<125x128xf32, #tpu.memory_space<vmem>>)
          tpu.yield
        }) : () -> ()
        %parallel_loop3A_22 = arith.constant 0 : i32
        "tpu.region"() ({
          %parallel_loop3A_23 = tpu.sem_alloc : memref<!tpu.dma_semaphore, #tpu.memory_space<semaphore_mem>>
          %parallel_loop3A_24 = arith.constant 0 : i32
          %parallel_loop3A_25 = tpu.memref_slice %arg8[%parallel_loop3A_19, %parallel_loop3A_22, %parallel_loop3A_24] : memref<80x1x125xi32, #tpu.memory_space<vmem>> -> memref<1x1x125xi32, #tpu.memory_space<vmem>>
          %parallel_loop3A_26 = tpu.memref_squeeze %parallel_loop3A_25 : memref<1x1x125xi32, #tpu.memory_space<vmem>> -> memref<125xi32, #tpu.memory_space<vmem>>
          %parallel_loop3A_27 = arith.constant 0 : i32
          %parallel_loop3A_28 = arith.constant 0 : i32
          %parallel_loop3A_29 = tpu.memref_slice %arg9[%parallel_loop3A_27, %parallel_loop3A_28] : memref<10000x128xf32, #tpu.memory_space<vmem_shared>> -> memref<10000x128xf32, #tpu.memory_space<vmem_shared>>
          tpu.enqueue_indirect_dma source(%parallel_loop3A_20 : memref<125x128xf32, #tpu.memory_space<vmem>>) target(%parallel_loop3A_29 : memref<10000x128xf32, #tpu.memory_space<vmem_shared>>) offsets(%parallel_loop3A_26 : memref<125xi32, #tpu.memory_space<vmem>>) semaphore(%parallel_loop3A_23 : memref<!tpu.dma_semaphore, #tpu.memory_space<semaphore_mem>>) {add = true}
          %parallel_loop3A_30 = arith.constant 0 : i32
          %parallel_loop3A_31 = tpu.memref_slice %arg8[%parallel_loop3A_19, %parallel_loop3A_22, %parallel_loop3A_30] : memref<80x1x125xi32, #tpu.memory_space<vmem>> -> memref<1x1x125xi32, #tpu.memory_space<vmem>>
          %parallel_loop3A_32 = tpu.memref_squeeze %parallel_loop3A_31 : memref<1x1x125xi32, #tpu.memory_space<vmem>> -> memref<125xi32, #tpu.memory_space<vmem>>
          %parallel_loop3A_33 = arith.constant 0 : i32
          %parallel_loop3A_34 = arith.constant 0 : i32
          %parallel_loop3A_35 = tpu.memref_slice %arg9[%parallel_loop3A_33, %parallel_loop3A_34] : memref<10000x128xf32, #tpu.memory_space<vmem_shared>> -> memref<10000x128xf32, #tpu.memory_space<vmem_shared>>
          tpu.wait_indirect_dma semaphore(%parallel_loop3A_23 : memref<!tpu.dma_semaphore, #tpu.memory_space<semaphore_mem>>) src(%parallel_loop3A_20 : memref<125x128xf32, #tpu.memory_space<vmem>>) dst(%parallel_loop3A_35 : memref<10000x128xf32, #tpu.memory_space<vmem_shared>>)
          tpu.yield
        }) : () -> ()
        tpu.yield
      }) : () -> ()
    } {sc.loop_unroll_factor = 5 : i64, sc.parallel_access}
    %barrier3A_9 = arith.constant 0 : index
    tpu.barrier barrier_id(%barrier3A_9)
    %mul3A_10 = arith.constant 624 : i32
    %mul3A_11 = arith.muli %arg1, %mul3A_10 : i32
    %mul3A_12 = arith.constant 624 : i32
    %mul3A_13 = arith.muli %arg1, %mul3A_12 : i32
    "tpu.region"() ({
      %run_scoped3A = tpu.sem_alloc : memref<!tpu.dma_semaphore, #tpu.memory_space<semaphore_mem>>
      %dma_start3A = arith.constant 0 : i32
      %dma_start3A_19 = tpu.memref_slice %arg6[%arg0, %mul3A_13, %dma_start3A] : memref<2x10000x128xf32, #tpu.memory_space<hbm>> -> memref<1x624x128xf32, #tpu.memory_space<hbm>>
      %dma_start3A_20 = tpu.memref_squeeze %dma_start3A_19 : memref<1x624x128xf32, #tpu.memory_space<hbm>> -> memref<624x128xf32, #tpu.memory_space<hbm>>
      %dma_start3A_21 = arith.constant 0 : i32
      %dma_start3A_22 = tpu.memref_slice %arg9[%mul3A_11, %dma_start3A_21] : memref<10000x128xf32, #tpu.memory_space<vmem_shared>> -> memref<624x128xf32, #tpu.memory_space<vmem_shared>>
      tpu.enqueue_dma source(%dma_start3A_22 : memref<624x128xf32, #tpu.memory_space<vmem_shared>>) target(%dma_start3A_20 : memref<624x128xf32, #tpu.memory_space<hbm>>) target_semaphore(%run_scoped3A : memref<!tpu.dma_semaphore, #tpu.memory_space<semaphore_mem>>)
      %dma_wait3A = arith.constant 0 : i32
      %dma_wait3A_23 = tpu.memref_slice %arg6[%arg0, %mul3A_13, %dma_wait3A] : memref<2x10000x128xf32, #tpu.memory_space<hbm>> -> memref<1x624x128xf32, #tpu.memory_space<hbm>>
      %dma_wait3A_24 = tpu.memref_squeeze %dma_wait3A_23 : memref<1x624x128xf32, #tpu.memory_space<hbm>> -> memref<624x128xf32, #tpu.memory_space<hbm>>
      %dma_wait3A_25 = arith.constant 0 : i32
      %dma_wait3A_26 = tpu.memref_slice %arg9[%mul3A_11, %dma_wait3A_25] : memref<10000x128xf32, #tpu.memory_space<vmem_shared>> -> memref<624x128xf32, #tpu.memory_space<vmem_shared>>
      tpu.wait_dma2 semaphore(%run_scoped3A : memref<!tpu.dma_semaphore, #tpu.memory_space<semaphore_mem>>) src(%dma_wait3A_26 : memref<624x128xf32, #tpu.memory_space<vmem_shared>>) dst(%dma_wait3A_24 : memref<624x128xf32, #tpu.memory_space<hbm>>)
      tpu.yield
    }) : () -> ()
    %eq3A_14 = arith.constant 15 : i32
    %eq3A_15 = arith.cmpi eq, %arg1, %eq3A_14 : i32
    %convert_element_type3A_16 = arith.extui %eq3A_15 : i1 to i32
    %cond3A_17 = arith.constant 0 : i32
    %cond3A_18 = arith.cmpi ne, %convert_element_type3A_16, %cond3A_17 : i32
    scf.if %cond3A_18 {
      "tpu.region"() ({
        %run_scoped3A = tpu.sem_alloc : memref<!tpu.dma_semaphore, #tpu.memory_space<semaphore_mem>>
        %dma_start3A = arith.constant 9984 : i32
        %dma_start3A_19 = arith.constant 0 : i32
        %dma_start3A_20 = tpu.memref_slice %arg6[%arg0, %dma_start3A, %dma_start3A_19] : memref<2x10000x128xf32, #tpu.memory_space<hbm>> -> memref<1x16x128xf32, #tpu.memory_space<hbm>>
        %dma_start3A_21 = tpu.memref_squeeze %dma_start3A_20 : memref<1x16x128xf32, #tpu.memory_space<hbm>> -> memref<16x128xf32, #tpu.memory_space<hbm>>
        %dma_start3A_22 = arith.constant 9984 : i32
        %dma_start3A_23 = arith.constant 0 : i32
        %dma_start3A_24 = tpu.memref_slice %arg9[%dma_start3A_22, %dma_start3A_23] : memref<10000x128xf32, #tpu.memory_space<vmem_shared>> -> memref<16x128xf32, #tpu.memory_space<vmem_shared>>
        tpu.enqueue_dma source(%dma_start3A_24 : memref<16x128xf32, #tpu.memory_space<vmem_shared>>) target(%dma_start3A_21 : memref<16x128xf32, #tpu.memory_space<hbm>>) target_semaphore(%run_scoped3A : memref<!tpu.dma_semaphore, #tpu.memory_space<semaphore_mem>>)
        %dma_wait3A = arith.constant 9984 : i32
        %dma_wait3A_25 = arith.constant 0 : i32
        %dma_wait3A_26 = tpu.memref_slice %arg6[%arg0, %dma_wait3A, %dma_wait3A_25] : memref<2x10000x128xf32, #tpu.memory_space<hbm>> -> memref<1x16x128xf32, #tpu.memory_space<hbm>>
        %dma_wait3A_27 = tpu.memref_squeeze %dma_wait3A_26 : memref<1x16x128xf32, #tpu.memory_space<hbm>> -> memref<16x128xf32, #tpu.memory_space<hbm>>
        %dma_wait3A_28 = arith.constant 9984 : i32
        %dma_wait3A_29 = arith.constant 0 : i32
        %dma_wait3A_30 = tpu.memref_slice %arg9[%dma_wait3A_28, %dma_wait3A_29] : memref<10000x128xf32, #tpu.memory_space<vmem_shared>> -> memref<16x128xf32, #tpu.memory_space<vmem_shared>>
        tpu.wait_dma2 semaphore(%run_scoped3A : memref<!tpu.dma_semaphore, #tpu.memory_space<semaphore_mem>>) src(%dma_wait3A_30 : memref<16x128xf32, #tpu.memory_space<vmem_shared>>) dst(%dma_wait3A_27 : memref<16x128xf32, #tpu.memory_space<hbm>>)
        tpu.yield
      }) : () -> ()
    } else {
    }
    return
  }
}

#map = affine_map<(d0, d1) -> (0, 0)>
#map1 = affine_map<(d0, d1) -> (0, 0, 0, 0)>
#map2 = affine_map<(d0, d1) -> (0, 0, 0)>
module attributes {stable_mosaic.version = 14 : i64} {
  func.func @sc_edge_scatter(%arg0: i32, %arg1: i32, %arg2: memref<10000x128xf32, #tpu.memory_space<hbm>>, %arg3: memref<32x80x1x125xi32, #tpu.memory_space<hbm>>, %arg4: memref<32x80x1x125xi32, #tpu.memory_space<hbm>>, %arg5: memref<10000x128xf32, #tpu.memory_space<hbm>>, %arg6: memref<2x10000x128xf32, #tpu.memory_space<hbm>>, %arg7: memref<80x1x125xi32, #tpu.memory_space<vmem>>, %arg8: memref<80x1x125xi32, #tpu.memory_space<vmem>>, %arg9: memref<10000x128xf32, #tpu.memory_space<vmem_shared>>) attributes {dimension_semantics = [#tpu.dimension_semantics<core_parallel>, #tpu.dimension_semantics<subcore_parallel>], iteration_bounds = array<i64: 2, 16>, scalar_prefetch = 0 : i64, scratch_operands = 3 : i64, tpu.core_type = #tpu.core_type<sc_vector_subcore>, window_params = [{transform_indices = #map}, {transform_indices = #map1}, {transform_indices = #map1}, {transform_indices = #map}, {transform_indices = #map2}]} {
    %mul3A = arith.constant 2 : i32
    %mul3A_0 = arith.muli %arg1, %mul3A : i32
    %add3A = arith.addi %mul3A_0, %arg0 : i32
    "tpu.region"() ({
      %run_scoped3A = tpu.sem_alloc : memref<!tpu.dma_semaphore, #tpu.memory_space<semaphore_mem>>
      %dma_start3A = arith.constant 0 : i32
      %dma_start3A_19 = arith.constant 0 : i32
      %dma_start3A_20 = arith.constant 0 : i32
      %dma_start3A_21 = tpu.memref_slice %arg3[%add3A, %dma_start3A, %dma_start3A_19, %dma_start3A_20] : memref<32x80x1x125xi32, #tpu.memory_space<hbm>> -> memref<1x80x1x125xi32, #tpu.memory_space<hbm>>
      %dma_start3A_22 = tpu.memref_squeeze %dma_start3A_21 : memref<1x80x1x125xi32, #tpu.memory_space<hbm>> -> memref<80x1x125xi32, #tpu.memory_space<hbm>>
      %dma_start3A_23 = arith.constant 0 : i32
      %dma_start3A_24 = arith.constant 0 : i32
      %dma_start3A_25 = arith.constant 0 : i32
      %dma_start3A_26 = tpu.memref_slice %arg3[%add3A, %dma_start3A_23, %dma_start3A_24, %dma_start3A_25] : memref<32x80x1x125xi32, #tpu.memory_space<hbm>> -> memref<1x80x1x125xi32, #tpu.memory_space<hbm>>
      %dma_start3A_27 = tpu.memref_squeeze %dma_start3A_26 : memref<1x80x1x125xi32, #tpu.memory_space<hbm>> -> memref<80x1x125xi32, #tpu.memory_space<hbm>>
      tpu.enqueue_dma source(%dma_start3A_27 : memref<80x1x125xi32, #tpu.memory_space<hbm>>) target(%arg7 : memref<80x1x125xi32, #tpu.memory_space<vmem>>) target_semaphore(%run_scoped3A : memref<!tpu.dma_semaphore, #tpu.memory_space<semaphore_mem>>)
      %dma_wait3A = arith.constant 0 : i32
      %dma_wait3A_28 = arith.constant 0 : i32
      %dma_wait3A_29 = arith.constant 0 : i32
      %dma_wait3A_30 = tpu.memref_slice %arg3[%add3A, %dma_wait3A, %dma_wait3A_28, %dma_wait3A_29] : memref<32x80x1x125xi32, #tpu.memory_space<hbm>> -> memref<1x80x1x125xi32, #tpu.memory_space<hbm>>
      %dma_wait3A_31 = tpu.memref_squeeze %dma_wait3A_30 : memref<1x80x1x125xi32, #tpu.memory_space<hbm>> -> memref<80x1x125xi32, #tpu.memory_space<hbm>>
      %dma_wait3A_32 = arith.constant 0 : i32
      %dma_wait3A_33 = arith.constant 0 : i32
      %dma_wait3A_34 = arith.constant 0 : i32
      %dma_wait3A_35 = tpu.memref_slice %arg3[%add3A, %dma_wait3A_32, %dma_wait3A_33, %dma_wait3A_34] : memref<32x80x1x125xi32, #tpu.memory_space<hbm>> -> memref<1x80x1x125xi32, #tpu.memory_space<hbm>>
      %dma_wait3A_36 = tpu.memref_squeeze %dma_wait3A_35 : memref<1x80x1x125xi32, #tpu.memory_space<hbm>> -> memref<80x1x125xi32, #tpu.memory_space<hbm>>
      tpu.wait_dma2 semaphore(%run_scoped3A : memref<!tpu.dma_semaphore, #tpu.memory_space<semaphore_mem>>) src(%dma_wait3A_36 : memref<80x1x125xi32, #tpu.memory_space<hbm>>) dst(%arg7 : memref<80x1x125xi32, #tpu.memory_space<vmem>>)
      tpu.yield
    }) : () -> ()
    "tpu.region"() ({
      %run_scoped3A = tpu.sem_alloc : memref<!tpu.dma_semaphore, #tpu.memory_space<semaphore_mem>>
      %dma_start3A = arith.constant 0 : i32
      %dma_start3A_19 = arith.constant 0 : i32
      %dma_start3A_20 = arith.constant 0 : i32
      %dma_start3A_21 = tpu.memref_slice %arg4[%add3A, %dma_start3A, %dma_start3A_19, %dma_start3A_20] : memref<32x80x1x125xi32, #tpu.memory_space<hbm>> -> memref<1x80x1x125xi32, #tpu.memory_space<hbm>>
      %dma_start3A_22 = tpu.memref_squeeze %dma_start3A_21 : memref<1x80x1x125xi32, #tpu.memory_space<hbm>> -> memref<80x1x125xi32, #tpu.memory_space<hbm>>
      %dma_start3A_23 = arith.constant 0 : i32
      %dma_start3A_24 = arith.constant 0 : i32
      %dma_start3A_25 = arith.constant 0 : i32
      %dma_start3A_26 = tpu.memref_slice %arg4[%add3A, %dma_start3A_23, %dma_start3A_24, %dma_start3A_25] : memref<32x80x1x125xi32, #tpu.memory_space<hbm>> -> memref<1x80x1x125xi32, #tpu.memory_space<hbm>>
      %dma_start3A_27 = tpu.memref_squeeze %dma_start3A_26 : memref<1x80x1x125xi32, #tpu.memory_space<hbm>> -> memref<80x1x125xi32, #tpu.memory_space<hbm>>
      tpu.enqueue_dma source(%dma_start3A_27 : memref<80x1x125xi32, #tpu.memory_space<hbm>>) target(%arg8 : memref<80x1x125xi32, #tpu.memory_space<vmem>>) target_semaphore(%run_scoped3A : memref<!tpu.dma_semaphore, #tpu.memory_space<semaphore_mem>>)
      %dma_wait3A = arith.constant 0 : i32
      %dma_wait3A_28 = arith.constant 0 : i32
      %dma_wait3A_29 = arith.constant 0 : i32
      %dma_wait3A_30 = tpu.memref_slice %arg4[%add3A, %dma_wait3A, %dma_wait3A_28, %dma_wait3A_29] : memref<32x80x1x125xi32, #tpu.memory_space<hbm>> -> memref<1x80x1x125xi32, #tpu.memory_space<hbm>>
      %dma_wait3A_31 = tpu.memref_squeeze %dma_wait3A_30 : memref<1x80x1x125xi32, #tpu.memory_space<hbm>> -> memref<80x1x125xi32, #tpu.memory_space<hbm>>
      %dma_wait3A_32 = arith.constant 0 : i32
      %dma_wait3A_33 = arith.constant 0 : i32
      %dma_wait3A_34 = arith.constant 0 : i32
      %dma_wait3A_35 = tpu.memref_slice %arg4[%add3A, %dma_wait3A_32, %dma_wait3A_33, %dma_wait3A_34] : memref<32x80x1x125xi32, #tpu.memory_space<hbm>> -> memref<1x80x1x125xi32, #tpu.memory_space<hbm>>
      %dma_wait3A_36 = tpu.memref_squeeze %dma_wait3A_35 : memref<1x80x1x125xi32, #tpu.memory_space<hbm>> -> memref<80x1x125xi32, #tpu.memory_space<hbm>>
      tpu.wait_dma2 semaphore(%run_scoped3A : memref<!tpu.dma_semaphore, #tpu.memory_space<semaphore_mem>>) src(%dma_wait3A_36 : memref<80x1x125xi32, #tpu.memory_space<hbm>>) dst(%arg8 : memref<80x1x125xi32, #tpu.memory_space<vmem>>)
      tpu.yield
    }) : () -> ()
    %mul3A_1 = arith.constant 624 : i32
    %mul3A_2 = arith.muli %arg1, %mul3A_1 : i32
    %mul3A_3 = arith.constant 624 : i32
    %mul3A_4 = arith.muli %arg1, %mul3A_3 : i32
    "tpu.region"() ({
      %run_scoped3A = tpu.sem_alloc : memref<!tpu.dma_semaphore, #tpu.memory_space<semaphore_mem>>
      %dma_start3A = arith.constant 0 : i32
      %dma_start3A_19 = tpu.memref_slice %arg9[%mul3A_4, %dma_start3A] : memref<10000x128xf32, #tpu.memory_space<vmem_shared>> -> memref<624x128xf32, #tpu.memory_space<vmem_shared>>
      %dma_start3A_20 = arith.constant 0 : i32
      %dma_start3A_21 = tpu.memref_slice %arg5[%mul3A_2, %dma_start3A_20] : memref<10000x128xf32, #tpu.memory_space<hbm>> -> memref<624x128xf32, #tpu.memory_space<hbm>>
      tpu.enqueue_dma source(%dma_start3A_21 : memref<624x128xf32, #tpu.memory_space<hbm>>) target(%dma_start3A_19 : memref<624x128xf32, #tpu.memory_space<vmem_shared>>) target_semaphore(%run_scoped3A : memref<!tpu.dma_semaphore, #tpu.memory_space<semaphore_mem>>)
      %dma_wait3A = arith.constant 0 : i32
      %dma_wait3A_22 = tpu.memref_slice %arg9[%mul3A_4, %dma_wait3A] : memref<10000x128xf32, #tpu.memory_space<vmem_shared>> -> memref<624x128xf32, #tpu.memory_space<vmem_shared>>
      %dma_wait3A_23 = arith.constant 0 : i32
      %dma_wait3A_24 = tpu.memref_slice %arg5[%mul3A_2, %dma_wait3A_23] : memref<10000x128xf32, #tpu.memory_space<hbm>> -> memref<624x128xf32, #tpu.memory_space<hbm>>
      tpu.wait_dma2 semaphore(%run_scoped3A : memref<!tpu.dma_semaphore, #tpu.memory_space<semaphore_mem>>) src(%dma_wait3A_24 : memref<624x128xf32, #tpu.memory_space<hbm>>) dst(%dma_wait3A_22 : memref<624x128xf32, #tpu.memory_space<vmem_shared>>)
      tpu.yield
    }) : () -> ()
    %eq3A = arith.constant 15 : i32
    %eq3A_5 = arith.cmpi eq, %arg1, %eq3A : i32
    %convert_element_type3A = arith.extui %eq3A_5 : i1 to i32
    %cond3A = arith.constant 0 : i32
    %cond3A_6 = arith.cmpi ne, %convert_element_type3A, %cond3A : i32
    scf.if %cond3A_6 {
      "tpu.region"() ({
        %run_scoped3A = tpu.sem_alloc : memref<!tpu.dma_semaphore, #tpu.memory_space<semaphore_mem>>
        %dma_start3A = arith.constant 9984 : i32
        %dma_start3A_19 = arith.constant 0 : i32
        %dma_start3A_20 = tpu.memref_slice %arg9[%dma_start3A, %dma_start3A_19] : memref<10000x128xf32, #tpu.memory_space<vmem_shared>> -> memref<16x128xf32, #tpu.memory_space<vmem_shared>>
        %dma_start3A_21 = arith.constant 9984 : i32
        %dma_start3A_22 = arith.constant 0 : i32
        %dma_start3A_23 = tpu.memref_slice %arg5[%dma_start3A_21, %dma_start3A_22] : memref<10000x128xf32, #tpu.memory_space<hbm>> -> memref<16x128xf32, #tpu.memory_space<hbm>>
        tpu.enqueue_dma source(%dma_start3A_23 : memref<16x128xf32, #tpu.memory_space<hbm>>) target(%dma_start3A_20 : memref<16x128xf32, #tpu.memory_space<vmem_shared>>) target_semaphore(%run_scoped3A : memref<!tpu.dma_semaphore, #tpu.memory_space<semaphore_mem>>)
        %dma_wait3A = arith.constant 9984 : i32
        %dma_wait3A_24 = arith.constant 0 : i32
        %dma_wait3A_25 = tpu.memref_slice %arg9[%dma_wait3A, %dma_wait3A_24] : memref<10000x128xf32, #tpu.memory_space<vmem_shared>> -> memref<16x128xf32, #tpu.memory_space<vmem_shared>>
        %dma_wait3A_26 = arith.constant 9984 : i32
        %dma_wait3A_27 = arith.constant 0 : i32
        %dma_wait3A_28 = tpu.memref_slice %arg5[%dma_wait3A_26, %dma_wait3A_27] : memref<10000x128xf32, #tpu.memory_space<hbm>> -> memref<16x128xf32, #tpu.memory_space<hbm>>
        tpu.wait_dma2 semaphore(%run_scoped3A : memref<!tpu.dma_semaphore, #tpu.memory_space<semaphore_mem>>) src(%dma_wait3A_28 : memref<16x128xf32, #tpu.memory_space<hbm>>) dst(%dma_wait3A_25 : memref<16x128xf32, #tpu.memory_space<vmem_shared>>)
        tpu.yield
      }) : () -> ()
    } else {
    }
    %barrier3A = arith.constant 0 : index
    tpu.barrier barrier_id(%barrier3A)
    %parallel_loop3A = arith.constant 0 : i32
    %parallel_loop3A_7 = arith.constant 80 : i32
    %parallel_loop3A_8 = arith.constant 1 : i32
    scf.for %parallel_loop3A_19 = %parallel_loop3A to %parallel_loop3A_7 step %parallel_loop3A_8  : i32 {
      "tpu.region"() ({
        %parallel_loop3A_20 = memref.alloca() : memref<125x128xf32, #tpu.memory_space<vmem>>
        %parallel_loop3A_21 = arith.constant 0 : i32
        "tpu.region"() ({
          %parallel_loop3A_23 = tpu.sem_alloc : memref<!tpu.dma_semaphore, #tpu.memory_space<semaphore_mem>>
          %parallel_loop3A_24 = arith.constant 0 : i32
          %parallel_loop3A_25 = tpu.memref_slice %arg7[%parallel_loop3A_19, %parallel_loop3A_21, %parallel_loop3A_24] : memref<80x1x125xi32, #tpu.memory_space<vmem>> -> memref<1x1x125xi32, #tpu.memory_space<vmem>>
          %parallel_loop3A_26 = tpu.memref_squeeze %parallel_loop3A_25 : memref<1x1x125xi32, #tpu.memory_space<vmem>> -> memref<125xi32, #tpu.memory_space<vmem>>
          %parallel_loop3A_27 = arith.constant 0 : i32
          %parallel_loop3A_28 = arith.constant 0 : i32
          %parallel_loop3A_29 = tpu.memref_slice %arg2[%parallel_loop3A_27, %parallel_loop3A_28] : memref<10000x128xf32, #tpu.memory_space<hbm>> -> memref<10000x128xf32, #tpu.memory_space<hbm>>
          tpu.enqueue_indirect_dma source(%parallel_loop3A_29 : memref<10000x128xf32, #tpu.memory_space<hbm>>) target(%parallel_loop3A_20 : memref<125x128xf32, #tpu.memory_space<vmem>>) offsets(%parallel_loop3A_26 : memref<125xi32, #tpu.memory_space<vmem>>) semaphore(%parallel_loop3A_23 : memref<!tpu.dma_semaphore, #tpu.memory_space<semaphore_mem>>)
          %parallel_loop3A_30 = arith.constant 0 : i32
          %parallel_loop3A_31 = tpu.memref_slice %arg7[%parallel_loop3A_19, %parallel_loop3A_21, %parallel_loop3A_30] : memref<80x1x125xi32, #tpu.memory_space<vmem>> -> memref<1x1x125xi32, #tpu.memory_space<vmem>>
          %parallel_loop3A_32 = tpu.memref_squeeze %parallel_loop3A_31 : memref<1x1x125xi32, #tpu.memory_space<vmem>> -> memref<125xi32, #tpu.memory_space<vmem>>
          %parallel_loop3A_33 = arith.constant 0 : i32
          %parallel_loop3A_34 = arith.constant 0 : i32
          %parallel_loop3A_35 = tpu.memref_slice %arg2[%parallel_loop3A_33, %parallel_loop3A_34] : memref<10000x128xf32, #tpu.memory_space<hbm>> -> memref<10000x128xf32, #tpu.memory_space<hbm>>
          tpu.wait_indirect_dma semaphore(%parallel_loop3A_23 : memref<!tpu.dma_semaphore, #tpu.memory_space<semaphore_mem>>) src(%parallel_loop3A_35 : memref<10000x128xf32, #tpu.memory_space<hbm>>) dst(%parallel_loop3A_20 : memref<125x128xf32, #tpu.memory_space<vmem>>)
          tpu.yield
        }) : () -> ()
        %parallel_loop3A_22 = arith.constant 0 : i32
        "tpu.region"() ({
          %parallel_loop3A_23 = tpu.sem_alloc : memref<!tpu.dma_semaphore, #tpu.memory_space<semaphore_mem>>
          %parallel_loop3A_24 = arith.constant 0 : i32
          %parallel_loop3A_25 = tpu.memref_slice %arg8[%parallel_loop3A_19, %parallel_loop3A_22, %parallel_loop3A_24] : memref<80x1x125xi32, #tpu.memory_space<vmem>> -> memref<1x1x125xi32, #tpu.memory_space<vmem>>
          %parallel_loop3A_26 = tpu.memref_squeeze %parallel_loop3A_25 : memref<1x1x125xi32, #tpu.memory_space<vmem>> -> memref<125xi32, #tpu.memory_space<vmem>>
          %parallel_loop3A_27 = arith.constant 0 : i32
          %parallel_loop3A_28 = arith.constant 0 : i32
          %parallel_loop3A_29 = tpu.memref_slice %arg9[%parallel_loop3A_27, %parallel_loop3A_28] : memref<10000x128xf32, #tpu.memory_space<vmem_shared>> -> memref<10000x128xf32, #tpu.memory_space<vmem_shared>>
          tpu.enqueue_indirect_dma source(%parallel_loop3A_20 : memref<125x128xf32, #tpu.memory_space<vmem>>) target(%parallel_loop3A_29 : memref<10000x128xf32, #tpu.memory_space<vmem_shared>>) offsets(%parallel_loop3A_26 : memref<125xi32, #tpu.memory_space<vmem>>) semaphore(%parallel_loop3A_23 : memref<!tpu.dma_semaphore, #tpu.memory_space<semaphore_mem>>) {add = true}
          %parallel_loop3A_30 = arith.constant 0 : i32
          %parallel_loop3A_31 = tpu.memref_slice %arg8[%parallel_loop3A_19, %parallel_loop3A_22, %parallel_loop3A_30] : memref<80x1x125xi32, #tpu.memory_space<vmem>> -> memref<1x1x125xi32, #tpu.memory_space<vmem>>
          %parallel_loop3A_32 = tpu.memref_squeeze %parallel_loop3A_31 : memref<1x1x125xi32, #tpu.memory_space<vmem>> -> memref<125xi32, #tpu.memory_space<vmem>>
          %parallel_loop3A_33 = arith.constant 0 : i32
          %parallel_loop3A_34 = arith.constant 0 : i32
          %parallel_loop3A_35 = tpu.memref_slice %arg9[%parallel_loop3A_33, %parallel_loop3A_34] : memref<10000x128xf32, #tpu.memory_space<vmem_shared>> -> memref<10000x128xf32, #tpu.memory_space<vmem_shared>>
          tpu.wait_indirect_dma semaphore(%parallel_loop3A_23 : memref<!tpu.dma_semaphore, #tpu.memory_space<semaphore_mem>>) src(%parallel_loop3A_20 : memref<125x128xf32, #tpu.memory_space<vmem>>) dst(%parallel_loop3A_35 : memref<10000x128xf32, #tpu.memory_space<vmem_shared>>)
          tpu.yield
        }) : () -> ()
        tpu.yield
      }) : () -> ()
    } {sc.loop_unroll_factor = 5 : i64, sc.parallel_access}
    %barrier3A_9 = arith.constant 0 : index
    tpu.barrier barrier_id(%barrier3A_9)
    %mul3A_10 = arith.constant 624 : i32
    %mul3A_11 = arith.muli %arg1, %mul3A_10 : i32
    %mul3A_12 = arith.constant 624 : i32
    %mul3A_13 = arith.muli %arg1, %mul3A_12 : i32
    "tpu.region"() ({
      %run_scoped3A = tpu.sem_alloc : memref<!tpu.dma_semaphore, #tpu.memory_space<semaphore_mem>>
      %dma_start3A = arith.constant 0 : i32
      %dma_start3A_19 = tpu.memref_slice %arg6[%arg0, %mul3A_13, %dma_start3A] : memref<2x10000x128xf32, #tpu.memory_space<hbm>> -> memref<1x624x128xf32, #tpu.memory_space<hbm>>
      %dma_start3A_20 = tpu.memref_squeeze %dma_start3A_19 : memref<1x624x128xf32, #tpu.memory_space<hbm>> -> memref<624x128xf32, #tpu.memory_space<hbm>>
      %dma_start3A_21 = arith.constant 0 : i32
      %dma_start3A_22 = tpu.memref_slice %arg9[%mul3A_11, %dma_start3A_21] : memref<10000x128xf32, #tpu.memory_space<vmem_shared>> -> memref<624x128xf32, #tpu.memory_space<vmem_shared>>
      tpu.enqueue_dma source(%dma_start3A_22 : memref<624x128xf32, #tpu.memory_space<vmem_shared>>) target(%dma_start3A_20 : memref<624x128xf32, #tpu.memory_space<hbm>>) target_semaphore(%run_scoped3A : memref<!tpu.dma_semaphore, #tpu.memory_space<semaphore_mem>>)
      %dma_wait3A = arith.constant 0 : i32
      %dma_wait3A_23 = tpu.memref_slice %arg6[%arg0, %mul3A_13, %dma_wait3A] : memref<2x10000x128xf32, #tpu.memory_space<hbm>> -> memref<1x624x128xf32, #tpu.memory_space<hbm>>
      %dma_wait3A_24 = tpu.memref_squeeze %dma_wait3A_23 : memref<1x624x128xf32, #tpu.memory_space<hbm>> -> memref<624x128xf32, #tpu.memory_space<hbm>>
      %dma_wait3A_25 = arith.constant 0 : i32
      %dma_wait3A_26 = tpu.memref_slice %arg9[%mul3A_11, %dma_wait3A_25] : memref<10000x128xf32, #tpu.memory_space<vmem_shared>> -> memref<624x128xf32, #tpu.memory_space<vmem_shared>>
      tpu.wait_dma2 semaphore(%run_scoped3A : memref<!tpu.dma_semaphore, #tpu.memory_space<semaphore_mem>>) src(%dma_wait3A_26 : memref<624x128xf32, #tpu.memory_space<vmem_shared>>) dst(%dma_wait3A_24 : memref<624x128xf32, #tpu.memory_space<hbm>>)
      tpu.yield
    }) : () -> ()
    %eq3A_14 = arith.constant 15 : i32
    %eq3A_15 = arith.cmpi eq, %arg1, %eq3A_14 : i32
    %convert_element_type3A_16 = arith.extui %eq3A_15 : i1 to i32
    %cond3A_17 = arith.constant 0 : i32
    %cond3A_18 = arith.cmpi ne, %convert_element_type3A_16, %cond3A_17 : i32
    scf.if %cond3A_18 {
      "tpu.region"() ({
        %run_scoped3A = tpu.sem_alloc : memref<!tpu.dma_semaphore, #tpu.memory_space<semaphore_mem>>
        %dma_start3A = arith.constant 9984 : i32
        %dma_start3A_19 = arith.constant 0 : i32
        %dma_start3A_20 = tpu.memref_slice %arg6[%arg0, %dma_start3A, %dma_start3A_19] : memref<2x10000x128xf32, #tpu.memory_space<hbm>> -> memref<1x16x128xf32, #tpu.memory_space<hbm>>
        %dma_start3A_21 = tpu.memref_squeeze %dma_start3A_20 : memref<1x16x128xf32, #tpu.memory_space<hbm>> -> memref<16x128xf32, #tpu.memory_space<hbm>>
        %dma_start3A_22 = arith.constant 9984 : i32
        %dma_start3A_23 = arith.constant 0 : i32
        %dma_start3A_24 = tpu.memref_slice %arg9[%dma_start3A_22, %dma_start3A_23] : memref<10000x128xf32, #tpu.memory_space<vmem_shared>> -> memref<16x128xf32, #tpu.memory_space<vmem_shared>>
        tpu.enqueue_dma source(%dma_start3A_24 : memref<16x128xf32, #tpu.memory_space<vmem_shared>>) target(%dma_start3A_21 : memref<16x128xf32, #tpu.memory_space<hbm>>) target_semaphore(%run_scoped3A : memref<!tpu.dma_semaphore, #tpu.memory_space<semaphore_mem>>)
        %dma_wait3A = arith.constant 9984 : i32
        %dma_wait3A_25 = arith.constant 0 : i32
        %dma_wait3A_26 = tpu.memref_slice %arg6[%arg0, %dma_wait3A, %dma_wait3A_25] : memref<2x10000x128xf32, #tpu.memory_space<hbm>> -> memref<1x16x128xf32, #tpu.memory_space<hbm>>
        %dma_wait3A_27 = tpu.memref_squeeze %dma_wait3A_26 : memref<1x16x128xf32, #tpu.memory_space<hbm>> -> memref<16x128xf32, #tpu.memory_space<hbm>>
        %dma_wait3A_28 = arith.constant 9984 : i32
        %dma_wait3A_29 = arith.constant 0 : i32
        %dma_wait3A_30 = tpu.memref_slice %arg9[%dma_wait3A_28, %dma_wait3A_29] : memref<10000x128xf32, #tpu.memory_space<vmem_shared>> -> memref<16x128xf32, #tpu.memory_space<vmem_shared>>
        tpu.wait_dma2 semaphore(%run_scoped3A : memref<!tpu.dma_semaphore, #tpu.memory_space<semaphore_mem>>) src(%dma_wait3A_30 : memref<16x128xf32, #tpu.memory_space<vmem_shared>>) dst(%dma_wait3A_27 : memref<16x128xf32, #tpu.memory_space<hbm>>)
        tpu.yield
      }) : () -> ()
    } else {
    }
    return
  }
}

module attributes {stable_mosaic.version = 14 : i64} {
  func.func @_tc_first_body(%arg0: memref<2x10000x128xf32, #tpu.memory_space<vmem>>, %arg1: memref<10000x128xf32, #tpu.memory_space<vmem>>, %arg2: memref<128x128xf32, #tpu.memory_space<vmem>>, %arg3: memref<10000x128xf32, #tpu.memory_space<vmem>>) attributes {dimension_semantics = [], scalar_prefetch = 0 : i64, scratch_operands = 0 : i64, tpu.core_type = #tpu.core_type<tc>} {
    %get3A = arith.constant 0 : index
    %get3A_0 = arith.constant 0 : index
    %get3A_1 = arith.constant 0 : index
    %get3A_2 = vector.load %arg0[%get3A, %get3A_0, %get3A_1] : memref<2x10000x128xf32, #tpu.memory_space<vmem>>, vector<1x10000x1xf32>
    %get3A_3 = vector.shape_cast %get3A_2 : vector<1x10000x1xf32> to vector<10000x1xf32>
    %get3A_4 = arith.constant 1 : index
    %get3A_5 = arith.constant 0 : index
    %get3A_6 = arith.constant 0 : index
    %get3A_7 = vector.load %arg0[%get3A_4, %get3A_5, %get3A_6] : memref<2x10000x128xf32, #tpu.memory_space<vmem>>, vector<1x10000x1xf32>
    %get3A_8 = vector.shape_cast %get3A_7 : vector<1x10000x1xf32> to vector<10000x1xf32>
    %add3A = arith.addf %get3A_3, %get3A_8 : vector<10000x1xf32>
    %add3A_9 = arith.constant 1.000000e+00 : f32
    %add3A_10 = vector.broadcast %add3A_9 : f32 to vector<10000x1xf32>
    %add3A_11 = arith.addf %add3A, %add3A_10 : vector<10000x1xf32>
    %rsqrt3A = math.rsqrt %add3A_11 : vector<10000x1xf32>
    %get3A_12 = arith.constant 0 : index
    %get3A_13 = arith.constant 0 : index
    %get3A_14 = vector.load %arg1[%get3A_12, %get3A_13] : memref<10000x128xf32, #tpu.memory_space<vmem>>, vector<10000x128xf32>
    %mul3A = vector.broadcast %rsqrt3A : vector<10000x1xf32> to vector<10000x128xf32>
    %mul3A_15 = arith.mulf %mul3A, %get3A_14 : vector<10000x128xf32>
    %get3A_16 = arith.constant 0 : index
    %get3A_17 = arith.constant 0 : index
    %get3A_18 = vector.load %arg2[%get3A_16, %get3A_17] : memref<128x128xf32, #tpu.memory_space<vmem>>, vector<128x128xf32>
    %dot_general3A = arith.constant dense<0.000000e+00> : vector<10000x128xf32>
    %dot_general3A_19 = tpu.matmul %mul3A_15, %get3A_18, %dot_general3A {dimension_numbers = #tpu.dot_dimension_numbers<[1], [0], [0], [1], [0, 0, 1, 1], [], []>, transpose_lhs_hint = false} : vector<10000x128xf32>, vector<128x128xf32>, vector<10000x128xf32> -> vector<10000x128xf32>
    %swap3A = arith.constant 0 : index
    %swap3A_20 = arith.constant 0 : index
    %swap3A_21 = vector.load %arg3[%swap3A, %swap3A_20] : memref<10000x128xf32, #tpu.memory_space<vmem>>, vector<10000x128xf32>
    tpu.vector_store %arg3[%swap3A, %swap3A_20], %dot_general3A_19 {strides = array<i32>} : memref<10000x128xf32, #tpu.memory_space<vmem>>, vector<10000x128xf32>,
    return
  }
}

module attributes {stable_mosaic.version = 14 : i64} {
  func.func @_tc_mid_body(%arg0: memref<2x10000x128xf32, #tpu.memory_space<vmem>>, %arg1: memref<10000x128xf32, #tpu.memory_space<vmem>>, %arg2: memref<2x10000x128xf32, #tpu.memory_space<vmem>>, %arg3: memref<1x128xf32, #tpu.memory_space<vmem>>, %arg4: memref<128x128xf32, #tpu.memory_space<vmem>>, %arg5: memref<10000x128xf32, #tpu.memory_space<vmem>>) attributes {dimension_semantics = [], scalar_prefetch = 0 : i64, scratch_operands = 0 : i64, tpu.core_type = #tpu.core_type<tc>} {
    %get3A = arith.constant 0 : index
    %get3A_0 = arith.constant 0 : index
    %get3A_1 = arith.constant 0 : index
    %get3A_2 = vector.load %arg0[%get3A, %get3A_0, %get3A_1] : memref<2x10000x128xf32, #tpu.memory_space<vmem>>, vector<1x10000x1xf32>
    %get3A_3 = vector.shape_cast %get3A_2 : vector<1x10000x1xf32> to vector<10000x1xf32>
    %get3A_4 = arith.constant 1 : index
    %get3A_5 = arith.constant 0 : index
    %get3A_6 = arith.constant 0 : index
    %get3A_7 = vector.load %arg0[%get3A_4, %get3A_5, %get3A_6] : memref<2x10000x128xf32, #tpu.memory_space<vmem>>, vector<1x10000x1xf32>
    %get3A_8 = vector.shape_cast %get3A_7 : vector<1x10000x1xf32> to vector<10000x1xf32>
    %add3A = arith.addf %get3A_3, %get3A_8 : vector<10000x1xf32>
    %add3A_9 = arith.constant 1.000000e+00 : f32
    %add3A_10 = vector.broadcast %add3A_9 : f32 to vector<10000x1xf32>
    %add3A_11 = arith.addf %add3A, %add3A_10 : vector<10000x1xf32>
    %rsqrt3A = math.rsqrt %add3A_11 : vector<10000x1xf32>
    %get3A_12 = arith.constant 0 : index
    %get3A_13 = arith.constant 0 : index
    %get3A_14 = vector.load %arg1[%get3A_12, %get3A_13] : memref<10000x128xf32, #tpu.memory_space<vmem>>, vector<10000x128xf32>
    %get3A_15 = arith.constant 0 : index
    %get3A_16 = arith.constant 0 : index
    %get3A_17 = arith.constant 0 : index
    %get3A_18 = vector.load %arg2[%get3A_15, %get3A_16, %get3A_17] : memref<2x10000x128xf32, #tpu.memory_space<vmem>>, vector<1x10000x128xf32>
    %get3A_19 = vector.shape_cast %get3A_18 : vector<1x10000x128xf32> to vector<10000x128xf32>
    %add3A_20 = arith.addf %get3A_14, %get3A_19 : vector<10000x128xf32>
    %get3A_21 = arith.constant 1 : index
    %get3A_22 = arith.constant 0 : index
    %get3A_23 = arith.constant 0 : index
    %get3A_24 = vector.load %arg2[%get3A_21, %get3A_22, %get3A_23] : memref<2x10000x128xf32, #tpu.memory_space<vmem>>, vector<1x10000x128xf32>
    %get3A_25 = vector.shape_cast %get3A_24 : vector<1x10000x128xf32> to vector<10000x128xf32>
    %add3A_26 = arith.addf %add3A_20, %get3A_25 : vector<10000x128xf32>
    %mul3A = vector.broadcast %rsqrt3A : vector<10000x1xf32> to vector<10000x128xf32>
    %mul3A_27 = arith.mulf %mul3A, %add3A_26 : vector<10000x128xf32>
    %get3A_28 = arith.constant 0 : index
    %get3A_29 = arith.constant 0 : index
    %get3A_30 = vector.load %arg3[%get3A_28, %get3A_29] : memref<1x128xf32, #tpu.memory_space<vmem>>, vector<1x128xf32>
    %add3A_31 = vector.broadcast %get3A_30 : vector<1x128xf32> to vector<10000x128xf32>
    %add3A_32 = arith.addf %mul3A_27, %add3A_31 : vector<10000x128xf32>
    %gt3A = arith.constant 0.000000e+00 : f32
    %gt3A_33 = vector.broadcast %gt3A : f32 to vector<10000x128xf32>
    %gt3A_34 = arith.cmpf ogt, %add3A_32, %gt3A_33 : vector<10000x128xf32>
    %mul3A_35 = arith.constant 1.000000e-01 : f32
    %mul3A_36 = vector.broadcast %mul3A_35 : f32 to vector<10000x128xf32>
    %mul3A_37 = arith.mulf %mul3A_36, %add3A_32 : vector<10000x128xf32>
    %select_n3A = arith.select %gt3A_34, %add3A_32, %mul3A_37 : vector<10000x128xi1>, vector<10000x128xf32>
    %mul3A_38 = vector.broadcast %rsqrt3A : vector<10000x1xf32> to vector<10000x128xf32>
    %mul3A_39 = arith.mulf %mul3A_38, %select_n3A : vector<10000x128xf32>
    %get3A_40 = arith.constant 0 : index
    %get3A_41 = arith.constant 0 : index
    %get3A_42 = vector.load %arg4[%get3A_40, %get3A_41] : memref<128x128xf32, #tpu.memory_space<vmem>>, vector<128x128xf32>
    %dot_general3A = arith.constant dense<0.000000e+00> : vector<10000x128xf32>
    %dot_general3A_43 = tpu.matmul %mul3A_39, %get3A_42, %dot_general3A {dimension_numbers = #tpu.dot_dimension_numbers<[1], [0], [0], [1], [0, 0, 1, 1], [], []>, transpose_lhs_hint = false} : vector<10000x128xf32>, vector<128x128xf32>, vector<10000x128xf32> -> vector<10000x128xf32>
    %swap3A = arith.constant 0 : index
    %swap3A_44 = arith.constant 0 : index
    %swap3A_45 = vector.load %arg5[%swap3A, %swap3A_44] : memref<10000x128xf32, #tpu.memory_space<vmem>>, vector<10000x128xf32>
    tpu.vector_store %arg5[%swap3A, %swap3A_44], %dot_general3A_43 {strides = array<i32>} : memref<10000x128xf32, #tpu.memory_space<vmem>>, vector<10000x128xf32>,
    return
  }
}

module attributes {stable_mosaic.version = 14 : i64} {
  func.func @_tc_final_body(%arg0: memref<2x10000x128xf32, #tpu.memory_space<vmem>>, %arg1: memref<10000x128xf32, #tpu.memory_space<vmem>>, %arg2: memref<2x10000x128xf32, #tpu.memory_space<vmem>>, %arg3: memref<1x128xf32, #tpu.memory_space<vmem>>, %arg4: memref<10000x1xf32, #tpu.memory_space<vmem>>) attributes {dimension_semantics = [], scalar_prefetch = 0 : i64, scratch_operands = 0 : i64, tpu.core_type = #tpu.core_type<tc>} {
    %get3A = arith.constant 0 : index
    %get3A_0 = arith.constant 0 : index
    %get3A_1 = arith.constant 0 : index
    %get3A_2 = vector.load %arg0[%get3A, %get3A_0, %get3A_1] : memref<2x10000x128xf32, #tpu.memory_space<vmem>>, vector<1x10000x1xf32>
    %get3A_3 = vector.shape_cast %get3A_2 : vector<1x10000x1xf32> to vector<10000x1xf32>
    %get3A_4 = arith.constant 1 : index
    %get3A_5 = arith.constant 0 : index
    %get3A_6 = arith.constant 0 : index
    %get3A_7 = vector.load %arg0[%get3A_4, %get3A_5, %get3A_6] : memref<2x10000x128xf32, #tpu.memory_space<vmem>>, vector<1x10000x1xf32>
    %get3A_8 = vector.shape_cast %get3A_7 : vector<1x10000x1xf32> to vector<10000x1xf32>
    %add3A = arith.addf %get3A_3, %get3A_8 : vector<10000x1xf32>
    %add3A_9 = arith.constant 1.000000e+00 : f32
    %add3A_10 = vector.broadcast %add3A_9 : f32 to vector<10000x1xf32>
    %add3A_11 = arith.addf %add3A, %add3A_10 : vector<10000x1xf32>
    %rsqrt3A = math.rsqrt %add3A_11 : vector<10000x1xf32>
    %get3A_12 = arith.constant 0 : index
    %get3A_13 = arith.constant 0 : index
    %get3A_14 = vector.load %arg1[%get3A_12, %get3A_13] : memref<10000x128xf32, #tpu.memory_space<vmem>>, vector<10000x128xf32>
    %get3A_15 = arith.constant 0 : index
    %get3A_16 = arith.constant 0 : index
    %get3A_17 = arith.constant 0 : index
    %get3A_18 = vector.load %arg2[%get3A_15, %get3A_16, %get3A_17] : memref<2x10000x128xf32, #tpu.memory_space<vmem>>, vector<1x10000x128xf32>
    %get3A_19 = vector.shape_cast %get3A_18 : vector<1x10000x128xf32> to vector<10000x128xf32>
    %add3A_20 = arith.addf %get3A_14, %get3A_19 : vector<10000x128xf32>
    %get3A_21 = arith.constant 1 : index
    %get3A_22 = arith.constant 0 : index
    %get3A_23 = arith.constant 0 : index
    %get3A_24 = vector.load %arg2[%get3A_21, %get3A_22, %get3A_23] : memref<2x10000x128xf32, #tpu.memory_space<vmem>>, vector<1x10000x128xf32>
    %get3A_25 = vector.shape_cast %get3A_24 : vector<1x10000x128xf32> to vector<10000x128xf32>
    %add3A_26 = arith.addf %add3A_20, %get3A_25 : vector<10000x128xf32>
    %mul3A = vector.broadcast %rsqrt3A : vector<10000x1xf32> to vector<10000x128xf32>
    %mul3A_27 = arith.mulf %mul3A, %add3A_26 : vector<10000x128xf32>
    %get3A_28 = arith.constant 0 : index
    %get3A_29 = arith.constant 0 : index
    %get3A_30 = vector.load %arg3[%get3A_28, %get3A_29] : memref<1x128xf32, #tpu.memory_space<vmem>>, vector<1x128xf32>
    %add3A_31 = vector.broadcast %get3A_30 : vector<1x128xf32> to vector<10000x128xf32>
    %add3A_32 = arith.addf %mul3A_27, %add3A_31 : vector<10000x128xf32>
    %reduce_sum3A = arith.constant dense<0.000000e+00> : vector<10000xf32>
    %reduce_sum3A_33 = vector.multi_reduction <add>, %add3A_32, %reduce_sum3A [1] : vector<10000x128xf32> to vector<10000xf32>
    %broadcast_in_dim3A = vector.shape_cast %reduce_sum3A_33 : vector<10000xf32> to vector<10000x1xf32>
    %mul3A_34 = arith.constant 7.812500e-03 : f32
    %mul3A_35 = vector.broadcast %mul3A_34 : f32 to vector<10000x1xf32>
    %mul3A_36 = arith.mulf %broadcast_in_dim3A, %mul3A_35 : vector<10000x1xf32>
    %swap3A = arith.constant 0 : index
    %swap3A_37 = arith.constant 0 : index
    %swap3A_38 = vector.load %arg4[%swap3A, %swap3A_37] : memref<10000x1xf32, #tpu.memory_space<vmem>>, vector<10000x1xf32>
    tpu.vector_store %arg4[%swap3A, %swap3A_37], %mul3A_36 {strides = array<i32>} : memref<10000x1xf32, #tpu.memory_space<vmem>>, vector<10000x1xf32>,
    return
  }
}

</mosaic_0001>

<sc_bundles>
// kernel: sc_edge_scatter.10.cloned.1.call-start
scs
__scs_entry_jumppad:
0x0: {  	(pc) =	sbr.rel $0x88, $3  }
0x1: {  	(tag) =	ssettag $0x0;
	lr =	simm.s32 $0x1  }
0x2: {  	[smem:$0x3F97] =	sst lr;
	_ =	strace $0xD0000000  }
0x3: {  	_ = 	snop  }
0x4: {  	_ = 	snop  }
0x5: {  	_ = 	snop  }
0x6: {  	_ = 	snop  }
0x7: {  	_ = 	snop  }
__scs_overlays_trampoline_lowered:
0x8: {  	[smem:$0x3FA6] =	sst s0  }
0x9: {  	[smem:$0x3FA7] =	sst s1  }
0xa: {  	[smem:$0x3FA8] =	sst s2  }
0xb: {  	[smem:$0x3FA9] =	sst s3  }
0xc: {  	[smem:$0x3FAA] =	sst s4  }
0xd: {  	[smem:$0x3FAB] =	sst s5  }
0xe: {  	[smem:$0x3FAC] =	sst s6  }
0xf: {  	[smem:$0x3FAD] =	sst s7  }
0x10: {  	[smem:$0x3FAE] =	sst s8  }
0x11: {  	[smem:$0x3FAF] =	sst s9;
	s0 =	simm.s32 @!p0 $0x0  }
0x12: {  	s1 =	sld [smem:$0x3F95];
	s0 =	simm.s32 @p0 $0x1  }
0x13: {  	[smem:$0x3FB0] =	sst s0;
	s0 =	simm.s32 @!p1 $0x0  }
0x14: {  	s2 =	sld [smem:$0x3F94];
	s0 =	simm.s32 @p1 $0x1  }
0x15: {  	[smem:$0x3FB1] =	sst s0;
	s0 =	simm.s32 @!p2 $0x0  }
0x16: {  	s3 =	sld [smem:$0x3FDB];
	s0 =	simm.s32 @p2 $0x1  }
0x17: {  	s4 =	simm.s32 $0x1BF5;
	[smem:$0x3FB3] =	sst s0  }
0x18: {  	s0 =	sld [smem:$0x3F96];
	_ =	swait.ge [sflag:s4], $0x0  }
0x19: {  	s7 =	sld [smem:$0x3F97]  }
0x1a: {  	s8 =	sadd.s32 $0xFFFFE003, lr  }
0x1b: {  	s9 =	sadd.s32 $0xFFFFFEF7, lr;
	s5 =	simm.s32 $0xFFFFFFFF;
	p2 =	slt.u32 s8, $0xFFFFF086  }
0x1c: {  	p1 =	slt.u32 s9, $0xF7A;
	s5 =	simm.s32 @!p2 $0x0  }
0x1d: {  	s5 =	simm.s32 @p1 $0x1;
	p0 =	seq.s32 s7, s2  }
0x1e: {  	s7 =	smul.u32 @!p0 $0xF7A, s2;
	p2 =	seq.s32 @!p0 s5, $0x0  }
0x1f: {  	s9 =	smul.u32 $0xF7A, s1;
	s8 =	simm.s32 @!p0 $0x1BF5;
	p2 =	por !p2, p0  }
0x20: {  	[sflag:s8] =	ssyncset.s32 @!p0 $0xFFFFF086;
	s6 =	sadd.s32 @!p0 s3, s7;
	s7 =	simm.s32 @!p0 $0x108  }
0x21: {  	s3 =	sadd.s32 s3, s9;
	s6 =	sadd.s32 @!p0 $0x88, s6;
	s7 =	simm.s32 @p2 $0x1082  }
0x22: {  	[simem:s7], [sflag:s8] =	dma.local @!p0 [hbm:s6], $0xF7A  }
0x23: {  	s9 =	sor.u32 $0xD0000000, s2;
	s6 =	simm.s32 $0x108;
	_ =	swait.ge @!p0 [sflag:s8], $0x0  }
0x24: {  	s3 =	sadd.s32 $0x88, s3;
	s6 =	simm.s32 @!p1 $0x1082;
	[sflag:s4] =	ssyncset.s32 $0xFFFFF086  }
0x25: {  	[simem:s6], [sflag:s4] =	dma.local [hbm:s3], $0xF7A  }
0x26: {  	[smem:$0x3F97] =	sst s1;
	(tag) =	ssettag s2;
	_ =	strace s9  }
0x27: {  	s1 =	sld [smem:$0x3FA7]  }
0x28: {  	s2 =	sld [smem:$0x3FA8]  }
0x29: {  	s4 =	sld [smem:$0x3FAA]  }
0x2a: {  	p0 =	seq.s32 s5, $0x0;
	s5 =	sld [smem:$0x3FAB]  }
0x2b: {  	s6 =	sld [smem:$0x3FAC]  }
0x2c: {  	s7 =	sld [smem:$0x3FAD]  }
0x2d: {  	s3 =	simm.s32 $0x108;
	s8 =	sld [smem:$0x3FAE]  }
0x2e: {  	s3 =	simm.s32 @!p0 $0x1082;
	s9 =	sld [smem:$0x3FAF]  }
0x2f: {  	lr =	sadd.s32 s0, s3;
	s0 =	sld [smem:$0x3FA6]  }
0x30: {  	s3 =	sld [smem:$0x3FA9]  }
0x31: {  	[smem:$0x3FB2] =	sst s10  }
0x32: {  	s10 =	sld [smem:$0x3FB0];
	_ =	sdelay $0x3  }
0x33: {  	p0 =	seq.s32 s10, $0x1;
	s10 =	sld [smem:$0x3FB2];
	_ =	sdelay $0x3  }
0x34: {  	[smem:$0x3FB2] =	sst s10  }
0x35: {  	s10 =	sld [smem:$0x3FB1];
	_ =	sdelay $0x3  }
0x36: {  	p1 =	seq.s32 s10, $0x1;
	s10 =	sld [smem:$0x3FB2];
	_ =	sdelay $0x3  }
0x37: {  	[smem:$0x3FB2] =	sst s10  }
0x38: {  	s10 =	sld [smem:$0x3FB3]  }
0x39: {  	_ = 	snop;
	(pc) =	sbr.ind lr, $3  }
0x3a: {  	_ = 	snop  }
0x3b: {  	_ = 	snop  }
0x3c: {  	p2 =	seq.s32 s10, $0x1;
	s10 =	sld [smem:$0x3FB2]  }
0x3d: {  	_ =	shalt  }
0x3e: {  	_ =	shalt  }
0x3f: {  	_ =	shalt  }
0x40: {  	_ =	shalt  }
0x41: {  	_ =	shalt  }
0x42: {  	_ =	shalt  }
0x43: {  	_ =	shalt  }
0x44: {  	_ =	shalt  }
0x45: {  	_ =	shalt  }
0x46: {  	_ =	shalt  }
0x47: {  	_ =	shalt  }
0x48: {  	_ =	shalt  }
0x49: {  	_ =	shalt  }
0x4a: {  	_ =	shalt  }
0x4b: {  	_ =	shalt  }
0x4c: {  	_ =	shalt  }
0x4d: {  	_ =	shalt  }
0x4e: {  	_ =	shalt  }
0x4f: {  	_ =	shalt  }
0x50: {  	_ =	shalt  }
0x51: {  	_ =	shalt  }
0x52: {  	_ =	shalt  }
0x53: {  	_ =	shalt  }
0x54: {  	_ =	shalt  }
0x55: {  	_ =	shalt  }
0x56: {  	_ =	shalt  }
0x57: {  	_ =	shalt  }
0x58: {  	_ =	shalt  }
0x59: {  	_ =	shalt  }
0x5a: {  	_ =	shalt  }
0x5b: {  	_ =	shalt  }
0x5c: {  	_ =	shalt  }
0x5d: {  	_ =	shalt  }
0x5e: {  	_ =	shalt  }
0x5f: {  	_ =	shalt  }
0x60: {  	_ =	shalt  }
0x61: {  	_ =	shalt  }
0x62: {  	_ =	shalt  }
0x63: {  	_ =	shalt  }
0x64: {  	_ =	shalt  }
0x65: {  	_ =	shalt  }
0x66: {  	_ =	shalt  }
0x67: {  	_ =	shalt  }
0x68: {  	_ =	shalt  }
0x69: {  	_ =	shalt  }
0x6a: {  	_ =	shalt  }
0x6b: {  	_ =	shalt  }
0x6c: {  	_ =	shalt  }
0x6d: {  	_ =	shalt  }
0x6e: {  	_ =	shalt  }
0x6f: {  	_ =	shalt  }
0x70: {  	_ =	shalt  }
0x71: {  	_ =	shalt  }
0x72: {  	_ =	shalt  }
0x73: {  	_ =	shalt  }
0x74: {  	_ =	shalt  }
0x75: {  	_ =	shalt  }
0x76: {  	_ =	shalt  }
0x77: {  	_ =	shalt  }
0x78: {  	_ =	shalt  }
0x79: {  	_ =	shalt  }
0x7a: {  	_ =	shalt  }
0x7b: {  	_ =	shalt  }
0x7c: {  	_ =	shalt  }
0x7d: {  	_ =	shalt  }
0x7e: {  	_ =	shalt  }
0x7f: {  	_ =	shalt  }
0x80: {  	_ =	shalt  }
0x81: {  	_ =	shalt  }
0x82: {  	_ =	shalt  }
0x83: {  	_ =	shalt  }
0x84: {  	_ =	shalt  }
0x85: {  	_ =	shalt  }
0x86: {  	_ =	shalt  }
0x87: {  	_ =	shalt  }
.Lfunc_end0:
.L_simem_size_0:
called_computation.1_lowered:
.L_overlay_start_0:
0x88: {  	s2 =	sld [smem:$0x3FD9]  }
0x89: {  	s3 =	sld [smem:$0x3FFE];
	_ =	sdelay $0x1  }
0x8a: {  	s1 =	srdreg.scid  }
0x8b: {  	s0 =	sand.u32 $0x1, s1  }
0x8c: {  	s16 =	sshll.u32 s0, $0xA;
	s2 =	sadd.s32 s3, s2  }
0x8d: {  	s2 =	sadd.s32 s2, s16  }
0x8e: {  	[smem:$0x3FBE] =	sst s2  }
0x8f: {  	_ = 	snop  }
0x90: {  	(tm) =	ssettm $0x1  }
0x91: {  	s17 =	sld [smem:$0x3FFB];
	_ =	sdelay $0x3  }
0x92: {  	_ =	strace s17  }
0x93: {  	s2 =	sld [smem:$0x3FFC];
	_ =	sdelay $0x3  }
0x94: {  	_ =	strace s2  }
0x95: {  	s2 =	sld [smem:$0x3FFD];
	_ =	sdelay $0x3  }
0x96: {  	_ =	strace s2  }
0x97: {  	_ =	strace $0x8FFFFFFF  }
0x98: {  	s18 =	sld [smem:$0x3FDB];
	_ =	sdelay $0x1  }
0x99: {  	s19 =	simm.s32 $_scs_section_size  }
0x9a: {  	s4 =	simm.s32 $_size__tile_overlayer_lowered;
	s5 =	simm.s32 $_tile_overlayer_lowered  }
0x9b: {  	s22 =	simm.s32 $0x1BFF;
	s21 =	sshll.u32 s5, $0x1;
	s2 =	sadd.s32 s19, s18  }
0x9c: {  	s6 =	simm.s32 $0x0;
	s20 =	sshll.u32 s4, $0x1;
	s4 =	sadd.s32 s21, s2  }
0x9d: {  	[timem:s6], [sflag:s22] =	dma.local [hbm:s4], s20  }
0x9e: {  	_ =	swait.ge [sflag:s22], s20  }
0x9f: {  	s3 =	ssub.s32 $0x0, s20;
	[sflag:s22] =	ssyncset.done $0x0  }
0xa0: {  	[sflag:s22] =	ssyncadd.s32 s3;
	_ =	sdelay $0x1  }
0xa1: {  	s23 =	simm.s32 $0x1B8B  }
0xa2: {  	_ =	swait.ge [sflag:s23], $0x1  }
0xa3: {  	[sflag:s23] =	ssyncset.done $0x0  }
0xa4: {  	s25 =	simm.s32 $0x1B8E;
	s24 =	sld [smem:$0x3FFE];
	[sflag:s23] =	ssyncadd.s32 $0xFFFFFFFF  }
0xa5: {  	s26 =	simm.s32 $execute0_lowered;
	[smem:$0x3FD2] =	sst s25  }
0xa6: {  	s4 =	sshll.u32 s26, $0x1;
	_ =	strace $0x80000049;
	[dreg:$0x1] =	wrdreg $0xFFFFFFFF  }
0xa7: {  	s28 =	simm.s32 $_size_execute0_lowered;
	s2 =	sadd.s32 s2, s4;
	[dreg:$0x0] =	wrdreg $0x0  }
0xa8: {  	s4 =	sshll.u32 s28, $0x1;
	[dreg:$0x2] =	wrdreg s2  }
0xa9: {  	[dreg:$0x3] =	wrdreg s4  }
0xaa: {  	[dreg:$0x4] =	wrdreg $0xC0  }
0xab: {  	_ =	task [dreg:s6], $0x5FFFF  }
0xac: {  	[dreg:$0x1] =	wrdreg $0xFFFFFFFF  }
0xad: {  	[dreg:$0x0] =	wrdreg $0x60  }
0xae: {  	[dreg:$0x2] =	wrdreg s24  }
0xaf: {  	[dreg:$0x3] =	wrdreg $0x50000  }
0xb0: {  	[dreg:$0x4] =	wrdreg $0x9  }
0xb1: {  	_ =	task.clear_ibuf [dreg:s6], $0x5FFFF;
	_ =	strace $0x90000049  }
0xb2: {  	s29 =	simm.s32 $0x9;
	_ =	strace $0x8000004B  }
0xb3: {  	_ =	swait.ge [sflag:s29], $0x1  }
0xb4: {  	[sflag:s29] =	ssyncadd.s32 $0xFFFFFFFF  }
0xb5: {  	_ =	strace $0x9000004B  }
0xb6: {  	_ =	sfence  }
0xb7: {  	s30 =	sld [smem:$0x0];
	_ =	sdelay $0x2  }
0xb8: {  	s31 =	sshll.u32 s1, $0xD;
	s1 =	sshrl.u32 s1, $0x2  }
0xb9: {  	s3 =	sand.u32 $0x4000, s31;
	s1 =	sadd.s32 s1, s30  }
0xba: {  	s0 =	sor.u32 s3, s0;
	s1 =	sshll.u32 s1, $0x11  }
0xbb: {  	s0 =	sor.u32 s1, s0  }
0xbc: {  	s0 =	sadd.s32 $0x8F2B, s0  }
0xbd: {  	[sflag:s0] =	ssyncadd.remote.s32 $0x1  }
0xbe: {  	_ =	sfence.sel $0xFFFF  }
0xbf: {  	[dreg:$0x0] =	wrdreg $0xFFFFFFFF;
	(pc) =	sbr.abs _section_cstart, $3  }
0xc0: {  	[dreg:$0x1] =	wrdreg $0xFFFFFFFF  }
0xc1: {  	_ =	task.clear_ibuf [dreg:s6], $0x2FFFF;
	_ =	strace $0x9FFFFFFF  }
0xc2: {  	(tm) =	ssettm $0x7FFFFFFF  }
0xc3: {  	_ =	shalt  }
tec
execute0_lowered:
.L_overlay_start_1:
0x0: {  	(tag) =	ssettag $0x1  }
0x1: {  	s1 =	srdreg.scid;
	s8 =	rddreg [dreg:$0x0]  }
0x2: {  	s0 =	stileid.u32;
	s2 =	rddreg [dreg:$0x1];
	s3 =	simm.s32 $0x0  }
0x3: {  	s17 =	simm.s32 $0x7D;
	s18 =	simm.s32 $0x18880;
	s19 =	simm.s32 $0x0  }
0x4: {  	s5 =	sand.u32 $0x1, s1;
	s1 =	rddreg [dreg:$0x2];
	s9 =	smul.u32 $0x13800, s0  }
0x5: {  	s30 =	sshll.u32 s0, $0x1;
	[smem:$0x7FF] =	sst s3;
	s12 =	smul.u32 $0x4E000, s0  }
0x6: {  	s13 =	sadd.s32 $0x65000, s8;
	s16 =	sadd.s32 $0x138000, s2;
	p0 =	sne.s32 s0, $0xF  }
0x7: {  	s14 =	sshll.u32 s0, $0x6;
	s4 =	sor.u32 s5, s30;
	_ =	strace $0x8000004A  }
0x8: {  	s10 =	ssub.s32 $0x2, s5;
	s31 =	smul.u32 $0x138800, s5;
	s14 =	sor.u32 $0x1C01, s14  }
0x9: {  	s16 =	sshrl.u32 @!p0 s16, $0x3;
	s6 =	smul.u32 $0x500, s4;
	s4 =	sadd.s32 $0x16C00, s8  }
0xa: {  	s7 =	sshrl.u32 s9, $0x3;
	s11 =	sshrl.u32 s10, $0x1;
	s12 =	sshrl.u32 s12, $0x2  }
0xb: {  	s7 =	sadd.s32 s7, s8;
	s11 =	ssub.s32 s10, s11;
	s15 =	sadd.s32 s12, s2  }
0xc: {  	s9 =	sadd.s32 s9, s31;
	s10 =	sshrl.u32 s31, $0x3;
	s12 =	simm.s32 $0x1  }
0xd: {  	s6 =	sadd.s32 s6, s8;
	s7 =	sadd.s32 $0x3DE00, s7;
	s9 =	sshrl.u32 s9, $0x3  }
0xe: {  	s8 =	sadd.s32 $0x64E00, s8;
	s10 =	sadd.s32 s13, s10;
	s11 =	smax.u32 s11, $0x1  }
0xf: {  	s15 =	sshrl.u32 s15, $0x3;
	s5 =	sadd.s32 $0xCC00, s6;
	s6 =	sadd.s32 $0x2C00, s6  }
0x10: {  	s9 =	sadd.s32 s13, s9;
	s10 =	sadd.s32 $0x27000, s10;
	s13 =	simm.s32 $0x2800  }
.LBB2_1:
0x11: {  	[tilespmem:s3], [sflag:$0x1] =	stream.linear.gather [hbm4b:s5+s3], $0x2800, $0x38;
	[tilespmem:$0x1C700] =	vst v63  }
0x12: {  	_ =	swait.ge [sflag:s12], $0x2800  }
0x13: {  	[sflag:s12] =	ssyncset.done $0x0  }
0x14: {  	[sflag:s12] =	ssyncadd.s32 $0xFFFFD800  }
0x15: {  	[tilespmem:s13], [sflag:$0x1] =	stream.linear.gather [hbm4b:s6+s3], $0x2800, $0x38;
	[tilespmem:$0x1C700] =	vst v63  }
0x16: {  	_ =	swait.ge [sflag:s12], $0x2800  }
0x17: {  	[sflag:s12] =	ssyncset.done $0x0  }
0x18: {  	[sflag:s12] =	ssyncadd.s32 $0xFFFFD800  }
0x19: {  	[spmem:s15], [sflag:s14] =	dma.local [hbm:s7], $0x2700  }
0x1a: {  	_ =	swait.ge [sflag:s12], $0x2700  }
0x1b: {  	[sflag:s12] =	ssyncset.done $0x0  }
0x1c: {  	s20 =	simm.s32 @!p0 $0x1;
	[sflag:s12] =	ssyncadd.s32 $0xFFFFD900  }
0x1d: {  	[spmem:s16], [sflag:s14] =	dma.local @!p0 [hbm:s8], $0x100  }
0x1e: {  	_ =	swait.ge @!p0 [sflag:s20], $0x100  }
0x1f: {  	[sflag:s20] =	ssyncset.done @!p0 $0x0  }
0x20: {  	[sflag:s20] =	ssyncadd.s32 @!p0 $0xFFFFFF00  }
0x21: {  	s21 =	simm.s32 $0x0;
	[bflag:$0x0] =	sbarrier.arrive $0xFFFF  }
0x22: {  	[tilespmem:s18], [sflag:$0x1] =	stream.indirect.gather [hbm4b:s4+s17], $0x80, s21, s17, $0xb8;
	[tilespmem:$0x1C700] =	vst v63  }
0x23: {  	_ =	swait.ge [sflag:s12], $0x3E80  }
0x24: {  	[sflag:s12] =	ssyncset.done $0x0  }
0x25: {  	s22 =	simm.s32 $0x2800;
	[sflag:s12] =	ssyncadd.s32 $0xFFFFC180  }
0x26: {  	[spmem:s2] =	stream.indirect.scatter.add.f32 [tilespmem:s18], [sflag:$0x1], $0x80, s22, s17, $0xb8;
	[tilespmem:$0x1C700] =	vst v63  }
0x27: {  	_ =	swait.ge [sflag:s12], $0x3E80  }
0x28: {  	[sflag:s12] =	ssyncset.done $0x0  }
0x29: {  	s23 =	simm.s32 $0x80;
	[sflag:s12] =	ssyncadd.s32 $0xFFFFC180  }
0x2a: {  	[tilespmem:s18], [sflag:$0x1] =	stream.indirect.gather [hbm4b:s4+s17], $0x80, s23, s17, $0xb8;
	[tilespmem:$0x1C700] =	vst v63  }
0x2b: {  	_ =	swait.ge [sflag:s12], $0x3E80  }
0x2c: {  	[sflag:s12] =	ssyncset.done $0x0  }
0x2d: {  	s24 =	simm.s32 $0x2880;
	[sflag:s12] =	ssyncadd.s32 $0xFFFFC180  }
0x2e: {  	[spmem:s2] =	stream.indirect.scatter.add.f32 [tilespmem:s18], [sflag:$0x1], $0x80, s24, s17, $0xb8;
	[tilespmem:$0x1C700] =	vst v63  }
0x2f: {  	_ =	swait.ge [sflag:s12], $0x3E80  }
0x30: {  	[sflag:s12] =	ssyncset.done $0x0  }
0x31: {  	s25 =	simm.s32 $0x100;
	[sflag:s12] =	ssyncadd.s32 $0xFFFFC180  }
0x32: {  	[tilespmem:s18], [sflag:$0x1] =	stream.indirect.gather [hbm4b:s4+s17], $0x80, s25, s17, $0xb8;
	[tilespmem:$0x1C700] =	vst v63  }
0x33: {  	_ =	swait.ge [sflag:s12], $0x3E80  }
0x34: {  	[sflag:s12] =	ssyncset.done $0x0  }
0x35: {  	s26 =	simm.s32 $0x2900;
	[sflag:s12] =	ssyncadd.s32 $0xFFFFC180  }
0x36: {  	[spmem:s2] =	stream.indirect.scatter.add.f32 [tilespmem:s18], [sflag:$0x1], $0x80, s26, s17, $0xb8;
	[tilespmem:$0x1C700] =	vst v63  }
0x37: {  	_ =	swait.ge [sflag:s12], $0x3E80  }
0x38: {  	[sflag:s12] =	ssyncset.done $0x0  }
0x39: {  	s28 =	simm.s32 $0x180;
	[sflag:s12] =	ssyncadd.s32 $0xFFFFC180  }
0x3a: {  	[tilespmem:s18], [sflag:$0x1] =	stream.indirect.gather [hbm4b:s4+s17], $0x80, s28, s17, $0xb8;
	[tilespmem:$0x1C700] =	vst v63  }
0x3b: {  	_ =	swait.ge [sflag:s12], $0x3E80  }
0x3c: {  	[sflag:s12] =	ssyncset.done $0x0  }
0x3d: {  	s29 =	simm.s32 $0x2980;
	[sflag:s12] =	ssyncadd.s32 $0xFFFFC180  }
0x3e: {  	[spmem:s2] =	stream.indirect.scatter.add.f32 [tilespmem:s18], [sflag:$0x1], $0x80, s29, s17, $0xb8;
	[tilespmem:$0x1C700] =	vst v63  }
0x3f: {  	_ =	swait.ge [sflag:s12], $0x3E80  }
0x40: {  	[sflag:s12] =	ssyncset.done $0x0  }
0x41: {  	s30 =	simm.s32 $0x200;
	[sflag:s12] =	ssyncadd.s32 $0xFFFFC180  }
0x42: {  	[tilespmem:s18], [sflag:$0x1] =	stream.indirect.gather [hbm4b:s4+s17], $0x80, s30, s17, $0xb8;
	[tilespmem:$0x1C700] =	vst v63  }
0x43: {  	_ =	swait.ge [sflag:s12], $0x3E80  }
0x44: {  	[sflag:s12] =	ssyncset.done $0x0  }
0x45: {  	s31 =	simm.s32 $0x2A00;
	[sflag:s12] =	ssyncadd.s32 $0xFFFFC180  }
0x46: {  	[spmem:s2] =	stream.indirect.scatter.add.f32 [tilespmem:s18], [sflag:$0x1], $0x80, s31, s17, $0xb8;
	[tilespmem:$0x1C700] =	vst v63  }
0x47: {  	_ =	swait.ge [sflag:s12], $0x3E80  }
0x48: {  	s20 =	simm.s32 $0x0;
	s21 =	simm.s32 $0xA00;
	[sflag:s12] =	ssyncset.done $0x0  }
.LBB2_2:
0x49: {  	s22 =	sshra.s32 s21, $0x2;
	[sflag:s12] =	ssyncadd.s32 $0xFFFFC180  }
0x4a: {  	[tilespmem:s18], [sflag:$0x1] =	stream.indirect.gather [hbm4b:s4+s17], $0x80, s22, s17, $0xb8;
	[tilespmem:$0x1C700] =	vst v63  }
0x4b: {  	_ =	swait.ge [sflag:s12], $0x3E80  }
0x4c: {  	[sflag:s12] =	ssyncset.done $0x0  }
0x4d: {  	s23 =	sadd.s32 $0x2800, s22;
	[sflag:s12] =	ssyncadd.s32 $0xFFFFC180  }
0x4e: {  	[spmem:s2] =	stream.indirect.scatter.add.f32 [tilespmem:s18], [sflag:$0x1], $0x80, s23, s17, $0xb8;
	[tilespmem:$0x1C700] =	vst v63  }
0x4f: {  	_ =	swait.ge [sflag:s12], $0x3E80  }
0x50: {  	[sflag:s12] =	ssyncset.done $0x0  }
0x51: {  	s23 =	sadd.s32 $0x80, s22;
	[sflag:s12] =	ssyncadd.s32 $0xFFFFC180  }
0x52: {  	[tilespmem:s18], [sflag:$0x1] =	stream.indirect.gather [hbm4b:s4+s17], $0x80, s23, s17, $0xb8;
	[tilespmem:$0x1C700] =	vst v63  }
0x53: {  	_ =	swait.ge [sflag:s12], $0x3E80  }
0x54: {  	[sflag:s12] =	ssyncset.done $0x0  }
0x55: {  	s23 =	sadd.s32 $0x2880, s22;
	[sflag:s12] =	ssyncadd.s32 $0xFFFFC180  }
0x56: {  	[spmem:s2] =	stream.indirect.scatter.add.f32 [tilespmem:s18], [sflag:$0x1], $0x80, s23, s17, $0xb8;
	[tilespmem:$0x1C700] =	vst v63  }
0x57: {  	_ =	swait.ge [sflag:s12], $0x3E80  }
0x58: {  	[sflag:s12] =	ssyncset.done $0x0  }
0x59: {  	s23 =	sadd.s32 $0x100, s22;
	[sflag:s12] =	ssyncadd.s32 $0xFFFFC180  }
0x5a: {  	[tilespmem:s18], [sflag:$0x1] =	stream.indirect.gather [hbm4b:s4+s17], $0x80, s23, s17, $0xb8;
	[tilespmem:$0x1C700] =	vst v63  }
0x5b: {  	_ =	swait.ge [sflag:s12], $0x3E80  }
0x5c: {  	s20 =	sadd.s32 $0x5, s20;
	[sflag:s12] =	ssyncset.done $0x0  }
0x5d: {  	p1 =	slt.u32 s20, $0x4B;
	s23 =	sadd.s32 $0x2900, s22;
	[sflag:s12] =	ssyncadd.s32 $0xFFFFC180  }
0x5e: {  	[spmem:s2] =	stream.indirect.scatter.add.f32 [tilespmem:s18], [sflag:$0x1], $0x80, s23, s17, $0xb8;
	[tilespmem:$0x1C700] =	vst v63  }
0x5f: {  	_ =	swait.ge [sflag:s12], $0x3E80  }
0x60: {  	[sflag:s12] =	ssyncset.done $0x0  }
0x61: {  	s23 =	sadd.s32 $0x180, s22;
	[sflag:s12] =	ssyncadd.s32 $0xFFFFC180  }
0x62: {  	[tilespmem:s18], [sflag:$0x1] =	stream.indirect.gather [hbm4b:s4+s17], $0x80, s23, s17, $0xb8;
	[tilespmem:$0x1C700] =	vst v63  }
0x63: {  	_ =	swait.ge [sflag:s12], $0x3E80  }
0x64: {  	[sflag:s12] =	ssyncset.done $0x0  }
0x65: {  	s23 =	sadd.s32 $0x2980, s22;
	[sflag:s12] =	ssyncadd.s32 $0xFFFFC180  }
0x66: {  	[spmem:s2] =	stream.indirect.scatter.add.f32 [tilespmem:s18], [sflag:$0x1], $0x80, s23, s17, $0xb8;
	[tilespmem:$0x1C700] =	vst v63  }
0x67: {  	_ =	swait.ge [sflag:s12], $0x3E80  }
0x68: {  	[sflag:s12] =	ssyncset.done $0x0  }
0x69: {  	s23 =	sadd.s32 $0x200, s22;
	[sflag:s12] =	ssyncadd.s32 $0xFFFFC180  }
0x6a: {  	[tilespmem:s18], [sflag:$0x1] =	stream.indirect.gather [hbm4b:s4+s17], $0x80, s23, s17, $0xb8;
	[tilespmem:$0x1C700] =	vst v63  }
0x6b: {  	_ =	swait.ge [sflag:s12], $0x3E80  }
.Ltmp0:
0x6c: {  	[sflag:s12] =	ssyncset.done $0x0;
	(pc) =	sbr.rel @p1 .LBB2_2-.Ltmp0, $4  }
0x6d: {  	s22 =	sadd.s32 $0x2A00, s22;
	[sflag:s12] =	ssyncadd.s32 $0xFFFFC180  }
0x6e: {  	[spmem:s2] =	stream.indirect.scatter.add.f32 [tilespmem:s18], [sflag:$0x1], $0x80, s22, s17, $0xb8;
	[tilespmem:$0x1C700] =	vst v63  }
0x6f: {  	_ =	swait.ge [sflag:s12], $0x3E80  }
0x70: {  	s21 =	sadd.s32 $0xA00, s21;
	[sflag:s12] =	ssyncset.done $0x0  }
0x71: {  	[sflag:s12] =	ssyncadd.s32 $0xFFFFC180  }
0x72: {  	[bflag:$0x0] =	sbarrier.arrive $0xFFFF  }
0x73: {  	[hbm:s9], [sflag:s14] =	dma.local [spmem:s15], $0x2700  }
0x74: {  	s19 =	sadd.s32 $0x1, s19;
	_ =	swait.ge [sflag:s12], $0x2700  }
0x75: {  	p1 =	sne.s32 s19, s11;
	[sflag:s12] =	ssyncset.done $0x0  }
.Ltmp1:
0x76: {  	s20 =	simm.s32 @!p0 $0x1;
	[sflag:s12] =	ssyncadd.s32 $0xFFFFD900;
	(pc) =	sbr.rel @p1 .LBB2_1-.Ltmp1, $4  }
0x77: {  	[hbm:s10], [sflag:s14] =	dma.local @!p0 [spmem:s16], $0x100  }
0x78: {  	_ =	swait.ge @!p0 [sflag:s20], $0x100  }
0x79: {  	[sflag:s20] =	ssyncset.done @!p0 $0x0  }
0x7a: {  	[sflag:s20] =	ssyncadd.s32 @!p0 $0xFFFFFF00  }
0x7b: {  	_ =	sfence.sel $0x180000  }
0x7c: {  	[bflag:$0x0] =	sbarrier.arrive $0xFFFF  }
0x7d: {  	p0 =	sne.s32 s0, $0x0;
	_ =	strace $0x9000004A  }
0x7e: {  	s0 =	sadd.s32 @!p0 $0x100000, s1;
	[bflag:$0x2] =	sbarrier.arrive $0xFFFF  }
0x7f: {  	[sflag:s0] =	ssyncadd.tile.s32 @!p0 $0x1;
	_ =	shalt  }
.Lfunc_end2:
_tile_overlayer_lowered:
.L_overlay_start_2:
0x80: {  	(tag) =	ssettag $0x2  }
0x81: {  	s0 =	rddreg [dreg:$0x0];
	s2 =	stileid.u32  }
0x82: {  	s1 =	rddreg [dreg:$0x1];
	p0 =	sne.s32 s2, $0x0  }
0x83: {  	s3 =	rddreg [dreg:$0x2];
	[bflag:$0x3] =	sbarrier.arrive $0xFFFF;
	s2 =	simm.s32 @!p0 $0x1C01  }
0x84: {  	[timem:s3], [sflag:s2] =	dma.local @!p0 [hbm:s0], s1  }
0x85: {  	s0 =	simm.s32 @!p0 $0x1  }
0x86: {  	_ =	swait.ge @!p0 [sflag:s0], s1  }
0x87: {  	s1 =	ssub.s32 @!p0 $0x0, s1;
	[sflag:s0] =	ssyncset.done @!p0 $0x0  }
0x88: {  	[sflag:s0] =	ssyncadd.s32 @!p0 s1  }
0x89: {  	[bflag:$0x3] =	sbarrier.arrive $0xFFFF  }
0x8a: {  	_ =	shalt  }

// kernel: sc_edge_scatter.13.cloned.1.call-start
scs
__scs_entry_jumppad:
0x0: {  	(pc) =	sbr.rel $0x88, $3  }
0x1: {  	(tag) =	ssettag $0x0;
	lr =	simm.s32 $0x1  }
0x2: {  	[smem:$0x3F97] =	sst lr;
	_ =	strace $0xD0000000  }
0x3: {  	_ = 	snop  }
0x4: {  	_ = 	snop  }
0x5: {  	_ = 	snop  }
0x6: {  	_ = 	snop  }
0x7: {  	_ = 	snop  }
__scs_overlays_trampoline_lowered:
0x8: {  	[smem:$0x3FA6] =	sst s0  }
0x9: {  	[smem:$0x3FA7] =	sst s1  }
0xa: {  	[smem:$0x3FA8] =	sst s2  }
0xb: {  	[smem:$0x3FA9] =	sst s3  }
0xc: {  	[smem:$0x3FAA] =	sst s4  }
0xd: {  	[smem:$0x3FAB] =	sst s5  }
0xe: {  	[smem:$0x3FAC] =	sst s6  }
0xf: {  	[smem:$0x3FAD] =	sst s7  }
0x10: {  	[smem:$0x3FAE] =	sst s8  }
0x11: {  	[smem:$0x3FAF] =	sst s9;
	s0 =	simm.s32 @!p0 $0x0  }
0x12: {  	s1 =	sld [smem:$0x3F95];
	s0 =	simm.s32 @p0 $0x1  }
0x13: {  	[smem:$0x3FB0] =	sst s0;
	s0 =	simm.s32 @!p1 $0x0  }
0x14: {  	s2 =	sld [smem:$0x3F94];
	s0 =	simm.s32 @p1 $0x1  }
0x15: {  	[smem:$0x3FB1] =	sst s0;
	s0 =	simm.s32 @!p2 $0x0  }
0x16: {  	s3 =	sld [smem:$0x3FDB];
	s0 =	simm.s32 @p2 $0x1  }
0x17: {  	s4 =	simm.s32 $0x1BF5;
	[smem:$0x3FB3] =	sst s0  }
0x18: {  	s0 =	sld [smem:$0x3F96];
	_ =	swait.ge [sflag:s4], $0x0  }
0x19: {  	s7 =	sld [smem:$0x3F97]  }
0x1a: {  	s8 =	sadd.s32 $0xFFFFE003, lr  }
0x1b: {  	s9 =	sadd.s32 $0xFFFFFEF7, lr;
	s5 =	simm.s32 $0xFFFFFFFF;
	p2 =	slt.u32 s8, $0xFFFFF086  }
0x1c: {  	p1 =	slt.u32 s9, $0xF7A;
	s5 =	simm.s32 @!p2 $0x0  }
0x1d: {  	s5 =	simm.s32 @p1 $0x1;
	p0 =	seq.s32 s7, s2  }
0x1e: {  	s7 =	smul.u32 @!p0 $0xF7A, s2;
	p2 =	seq.s32 @!p0 s5, $0x0  }
0x1f: {  	s9 =	smul.u32 $0xF7A, s1;
	s8 =	simm.s32 @!p0 $0x1BF5;
	p2 =	por !p2, p0  }
0x20: {  	[sflag:s8] =	ssyncset.s32 @!p0 $0xFFFFF086;
	s6 =	sadd.s32 @!p0 s3, s7;
	s7 =	simm.s32 @!p0 $0x108  }
0x21: {  	s3 =	sadd.s32 s3, s9;
	s6 =	sadd.s32 @!p0 $0x88, s6;
	s7 =	simm.s32 @p2 $0x1082  }
0x22: {  	[simem:s7], [sflag:s8] =	dma.local @!p0 [hbm:s6], $0xF7A  }
0x23: {  	s9 =	sor.u32 $0xD0000000, s2;
	s6 =	simm.s32 $0x108;
	_ =	swait.ge @!p0 [sflag:s8], $0x0  }
0x24: {  	s3 =	sadd.s32 $0x88, s3;
	s6 =	simm.s32 @!p1 $0x1082;
	[sflag:s4] =	ssyncset.s32 $0xFFFFF086  }
0x25: {  	[simem:s6], [sflag:s4] =	dma.local [hbm:s3], $0xF7A  }
0x26: {  	[smem:$0x3F97] =	sst s1;
	(tag) =	ssettag s2;
	_ =	strace s9  }
0x27: {  	s1 =	sld [smem:$0x3FA7]  }
0x28: {  	s2 =	sld [smem:$0x3FA8]  }
0x29: {  	s4 =	sld [smem:$0x3FAA]  }
0x2a: {  	p0 =	seq.s32 s5, $0x0;
	s5 =	sld [smem:$0x3FAB]  }
0x2b: {  	s6 =	sld [smem:$0x3FAC]  }
0x2c: {  	s7 =	sld [smem:$0x3FAD]  }
0x2d: {  	s3 =	simm.s32 $0x108;
	s8 =	sld [smem:$0x3FAE]  }
0x2e: {  	s3 =	simm.s32 @!p0 $0x1082;
	s9 =	sld [smem:$0x3FAF]  }
0x2f: {  	lr =	sadd.s32 s0, s3;
	s0 =	sld [smem:$0x3FA6]  }
0x30: {  	s3 =	sld [smem:$0x3FA9]  }
0x31: {  	[smem:$0x3FB2] =	sst s10  }
0x32: {  	s10 =	sld [smem:$0x3FB0];
	_ =	sdelay $0x3  }
0x33: {  	p0 =	seq.s32 s10, $0x1;
	s10 =	sld [smem:$0x3FB2];
	_ =	sdelay $0x3  }
0x34: {  	[smem:$0x3FB2] =	sst s10  }
0x35: {  	s10 =	sld [smem:$0x3FB1];
	_ =	sdelay $0x3  }
0x36: {  	p1 =	seq.s32 s10, $0x1;
	s10 =	sld [smem:$0x3FB2];
	_ =	sdelay $0x3  }
0x37: {  	[smem:$0x3FB2] =	sst s10  }
0x38: {  	s10 =	sld [smem:$0x3FB3]  }
0x39: {  	_ = 	snop;
	(pc) =	sbr.ind lr, $3  }
0x3a: {  	_ = 	snop  }
0x3b: {  	_ = 	snop  }
0x3c: {  	p2 =	seq.s32 s10, $0x1;
	s10 =	sld [smem:$0x3FB2]  }
0x3d: {  	_ =	shalt  }
0x3e: {  	_ =	shalt  }
0x3f: {  	_ =	shalt  }
0x40: {  	_ =	shalt  }
0x41: {  	_ =	shalt  }
0x42: {  	_ =	shalt  }
0x43: {  	_ =	shalt  }
0x44: {  	_ =	shalt  }
0x45: {  	_ =	shalt  }
0x46: {  	_ =	shalt  }
0x47: {  	_ =	shalt  }
0x48: {  	_ =	shalt  }
0x49: {  	_ =	shalt  }
0x4a: {  	_ =	shalt  }
0x4b: {  	_ =	shalt  }
0x4c: {  	_ =	shalt  }
0x4d: {  	_ =	shalt  }
0x4e: {  	_ =	shalt  }
0x4f: {  	_ =	shalt  }
0x50: {  	_ =	shalt  }
0x51: {  	_ =	shalt  }
0x52: {  	_ =	shalt  }
0x53: {  	_ =	shalt  }
0x54: {  	_ =	shalt  }
0x55: {  	_ =	shalt  }
0x56: {  	_ =	shalt  }
0x57: {  	_ =	shalt  }
0x58: {  	_ =	shalt  }
0x59: {  	_ =	shalt  }
0x5a: {  	_ =	shalt  }
0x5b: {  	_ =	shalt  }
0x5c: {  	_ =	shalt  }
0x5d: {  	_ =	shalt  }
0x5e: {  	_ =	shalt  }
0x5f: {  	_ =	shalt  }
0x60: {  	_ =	shalt  }
0x61: {  	_ =	shalt  }
0x62: {  	_ =	shalt  }
0x63: {  	_ =	shalt  }
0x64: {  	_ =	shalt  }
0x65: {  	_ =	shalt  }
0x66: {  	_ =	shalt  }
0x67: {  	_ =	shalt  }
0x68: {  	_ =	shalt  }
0x69: {  	_ =	shalt  }
0x6a: {  	_ =	shalt  }
0x6b: {  	_ =	shalt  }
0x6c: {  	_ =	shalt  }
0x6d: {  	_ =	shalt  }
0x6e: {  	_ =	shalt  }
0x6f: {  	_ =	shalt  }
0x70: {  	_ =	shalt  }
0x71: {  	_ =	shalt  }
0x72: {  	_ =	shalt  }
0x73: {  	_ =	shalt  }
0x74: {  	_ =	shalt  }
0x75: {  	_ =	shalt  }
0x76: {  	_ =	shalt  }
0x77: {  	_ =	shalt  }
0x78: {  	_ =	shalt  }
0x79: {  	_ =	shalt  }
0x7a: {  	_ =	shalt  }
0x7b: {  	_ =	shalt  }
0x7c: {  	_ =	shalt  }
0x7d: {  	_ =	shalt  }
0x7e: {  	_ =	shalt  }
0x7f: {  	_ =	shalt  }
0x80: {  	_ =	shalt  }
0x81: {  	_ =	shalt  }
0x82: {  	_ =	shalt  }
0x83: {  	_ =	shalt  }
0x84: {  	_ =	shalt  }
0x85: {  	_ =	shalt  }
0x86: {  	_ =	shalt  }
0x87: {  	_ =	shalt  }
.Lfunc_end0:
.L_simem_size_0:
called_computation.2_lowered:
.L_overlay_start_0:
0x88: {  	s2 =	sld [smem:$0x3FD9]  }
0x89: {  	s3 =	sld [smem:$0x3FFE];
	_ =	sdelay $0x1  }
0x8a: {  	s1 =	srdreg.scid  }
0x8b: {  	s0 =	sand.u32 $0x1, s1  }
0x8c: {  	s16 =	sshll.u32 s0, $0xA;
	s2 =	sadd.s32 s3, s2  }
0x8d: {  	s2 =	sadd.s32 s2, s16  }
0x8e: {  	[smem:$0x3FBE] =	sst s2  }
0x8f: {  	_ = 	snop  }
0x90: {  	(tm) =	ssettm $0x1  }
0x91: {  	s17 =	sld [smem:$0x3FFB];
	_ =	sdelay $0x3  }
0x92: {  	_ =	strace s17  }
0x93: {  	s2 =	sld [smem:$0x3FFC];
	_ =	sdelay $0x3  }
0x94: {  	_ =	strace s2  }
0x95: {  	s2 =	sld [smem:$0x3FFD];
	_ =	sdelay $0x3  }
0x96: {  	_ =	strace s2  }
0x97: {  	_ =	strace $0x8FFFFFFF  }
0x98: {  	s18 =	sld [smem:$0x3FDB];
	_ =	sdelay $0x1  }
0x99: {  	s19 =	simm.s32 $_scs_section_size  }
0x9a: {  	s4 =	simm.s32 $_size__tile_overlayer_lowered;
	s5 =	simm.s32 $_tile_overlayer_lowered  }
0x9b: {  	s22 =	simm.s32 $0x1BFF;
	s21 =	sshll.u32 s5, $0x1;
	s2 =	sadd.s32 s19, s18  }
0x9c: {  	s6 =	simm.s32 $0x0;
	s20 =	sshll.u32 s4, $0x1;
	s4 =	sadd.s32 s21, s2  }
0x9d: {  	[timem:s6], [sflag:s22] =	dma.local [hbm:s4], s20  }
0x9e: {  	_ =	swait.ge [sflag:s22], s20  }
0x9f: {  	s3 =	ssub.s32 $0x0, s20;
	[sflag:s22] =	ssyncset.done $0x0  }
0xa0: {  	[sflag:s22] =	ssyncadd.s32 s3;
	_ =	sdelay $0x1  }
0xa1: {  	s23 =	simm.s32 $0x1B8B  }
0xa2: {  	_ =	swait.ge [sflag:s23], $0x1  }
0xa3: {  	[sflag:s23] =	ssyncset.done $0x0  }
0xa4: {  	s25 =	simm.s32 $0x1B8E;
	s24 =	sld [smem:$0x3FFE];
	[sflag:s23] =	ssyncadd.s32 $0xFFFFFFFF  }
0xa5: {  	s26 =	simm.s32 $execute0_lowered;
	[smem:$0x3FD2] =	sst s25  }
0xa6: {  	s4 =	sshll.u32 s26, $0x1;
	_ =	strace $0x8000004C;
	[dreg:$0x1] =	wrdreg $0xFFFFFFFF  }
0xa7: {  	s28 =	simm.s32 $_size_execute0_lowered;
	s2 =	sadd.s32 s2, s4;
	[dreg:$0x0] =	wrdreg $0x0  }
0xa8: {  	s4 =	sshll.u32 s28, $0x1;
	[dreg:$0x2] =	wrdreg s2  }
0xa9: {  	[dreg:$0x3] =	wrdreg s4  }
0xaa: {  	[dreg:$0x4] =	wrdreg $0xC0  }
0xab: {  	_ =	task [dreg:s6], $0x5FFFF  }
0xac: {  	[dreg:$0x1] =	wrdreg $0xFFFFFFFF  }
0xad: {  	[dreg:$0x0] =	wrdreg $0x60  }
0xae: {  	[dreg:$0x2] =	wrdreg s24  }
0xaf: {  	[dreg:$0x3] =	wrdreg $0x50000  }
0xb0: {  	[dreg:$0x4] =	wrdreg $0x9  }
0xb1: {  	_ =	task.clear_ibuf [dreg:s6], $0x5FFFF;
	_ =	strace $0x9000004C  }
0xb2: {  	s29 =	simm.s32 $0x9;
	_ =	strace $0x8000004E  }
0xb3: {  	_ =	swait.ge [sflag:s29], $0x1  }
0xb4: {  	[sflag:s29] =	ssyncadd.s32 $0xFFFFFFFF  }
0xb5: {  	_ =	strace $0x9000004E  }
0xb6: {  	_ =	sfence  }
0xb7: {  	s30 =	sld [smem:$0x0];
	_ =	sdelay $0x2  }
0xb8: {  	s31 =	sshll.u32 s1, $0xD;
	s1 =	sshrl.u32 s1, $0x2  }
0xb9: {  	s3 =	sand.u32 $0x4000, s31;
	s1 =	sadd.s32 s1, s30  }
0xba: {  	s0 =	sor.u32 s3, s0;
	s1 =	sshll.u32 s1, $0x11  }
0xbb: {  	s0 =	sor.u32 s1, s0  }
0xbc: {  	s0 =	sadd.s32 $0x8F2B, s0  }
0xbd: {  	[sflag:s0] =	ssyncadd.remote.s32 $0x1  }
0xbe: {  	_ =	sfence.sel $0xFFFF  }
0xbf: {  	[dreg:$0x0] =	wrdreg $0xFFFFFFFF;
	(pc) =	sbr.abs _section_cstart, $3  }
0xc0: {  	[dreg:$0x1] =	wrdreg $0xFFFFFFFF  }
0xc1: {  	_ =	task.clear_ibuf [dreg:s6], $0x2FFFF;
	_ =	strace $0x9FFFFFFF  }
0xc2: {  	(tm) =	ssettm $0x7FFFFFFF  }
0xc3: {  	_ =	shalt  }
tec
execute0_lowered:
.L_overlay_start_1:
0x0: {  	(tag) =	ssettag $0x1  }
0x1: {  	s1 =	srdreg.scid;
	s8 =	rddreg [dreg:$0x0]  }
0x2: {  	s0 =	stileid.u32;
	s2 =	rddreg [dreg:$0x1];
	s3 =	simm.s32 $0x0  }
0x3: {  	s17 =	simm.s32 $0x7D;
	s18 =	simm.s32 $0x18880;
	s19 =	simm.s32 $0x0  }
0x4: {  	s5 =	sand.u32 $0x1, s1;
	s1 =	rddreg [dreg:$0x2];
	s9 =	smul.u32 $0x13800, s0  }
0x5: {  	s30 =	sshll.u32 s0, $0x1;
	[smem:$0x7FF] =	sst s3;
	s12 =	smul.u32 $0x4E000, s0  }
0x6: {  	s13 =	sadd.s32 $0x65000, s8;
	s16 =	sadd.s32 $0x138000, s2;
	p0 =	sne.s32 s0, $0xF  }
0x7: {  	s14 =	sshll.u32 s0, $0x6;
	s4 =	sor.u32 s5, s30;
	_ =	strace $0x8000004D  }
0x8: {  	s10 =	ssub.s32 $0x2, s5;
	s31 =	smul.u32 $0x138800, s5;
	s14 =	sor.u32 $0x1C01, s14  }
0x9: {  	s16 =	sshrl.u32 @!p0 s16, $0x3;
	s6 =	smul.u32 $0x500, s4;
	s4 =	sadd.s32 $0x16C00, s8  }
0xa: {  	s7 =	sshrl.u32 s9, $0x3;
	s11 =	sshrl.u32 s10, $0x1;
	s12 =	sshrl.u32 s12, $0x2  }
0xb: {  	s7 =	sadd.s32 s7, s8;
	s11 =	ssub.s32 s10, s11;
	s15 =	sadd.s32 s12, s2  }
0xc: {  	s9 =	sadd.s32 s9, s31;
	s10 =	sshrl.u32 s31, $0x3;
	s12 =	simm.s32 $0x1  }
0xd: {  	s6 =	sadd.s32 s6, s8;
	s7 =	sadd.s32 $0x3DE00, s7;
	s9 =	sshrl.u32 s9, $0x3  }
0xe: {  	s8 =	sadd.s32 $0x64E00, s8;
	s10 =	sadd.s32 s13, s10;
	s11 =	smax.u32 s11, $0x1  }
0xf: {  	s15 =	sshrl.u32 s15, $0x3;
	s5 =	sadd.s32 $0xCC00, s6;
	s6 =	sadd.s32 $0x2C00, s6  }
0x10: {  	s9 =	sadd.s32 s13, s9;
	s10 =	sadd.s32 $0x27000, s10;
	s13 =	simm.s32 $0x2800  }
.LBB2_1:
0x11: {  	[tilespmem:s3], [sflag:$0x1] =	stream.linear.gather [hbm4b:s5+s3], $0x2800, $0x38;
	[tilespmem:$0x1C700] =	vst v63  }
0x12: {  	_ =	swait.ge [sflag:s12], $0x2800  }
0x13: {  	[sflag:s12] =	ssyncset.done $0x0  }
0x14: {  	[sflag:s12] =	ssyncadd.s32 $0xFFFFD800  }
0x15: {  	[tilespmem:s13], [sflag:$0x1] =	stream.linear.gather [hbm4b:s6+s3], $0x2800, $0x38;
	[tilespmem:$0x1C700] =	vst v63  }
0x16: {  	_ =	swait.ge [sflag:s12], $0x2800  }
0x17: {  	[sflag:s12] =	ssyncset.done $0x0  }
0x18: {  	[sflag:s12] =	ssyncadd.s32 $0xFFFFD800  }
0x19: {  	[spmem:s15], [sflag:s14] =	dma.local [hbm:s7], $0x2700  }
0x1a: {  	_ =	swait.ge [sflag:s12], $0x2700  }
0x1b: {  	[sflag:s12] =	ssyncset.done $0x0  }
0x1c: {  	s20 =	simm.s32 @!p0 $0x1;
	[sflag:s12] =	ssyncadd.s32 $0xFFFFD900  }
0x1d: {  	[spmem:s16], [sflag:s14] =	dma.local @!p0 [hbm:s8], $0x100  }
0x1e: {  	_ =	swait.ge @!p0 [sflag:s20], $0x100  }
0x1f: {  	[sflag:s20] =	ssyncset.done @!p0 $0x0  }
0x20: {  	[sflag:s20] =	ssyncadd.s32 @!p0 $0xFFFFFF00  }
0x21: {  	s21 =	simm.s32 $0x0;
	[bflag:$0x0] =	sbarrier.arrive $0xFFFF  }
0x22: {  	[tilespmem:s18], [sflag:$0x1] =	stream.indirect.gather [hbm4b:s4+s17], $0x80, s21, s17, $0xb8;
	[tilespmem:$0x1C700] =	vst v63  }
0x23: {  	_ =	swait.ge [sflag:s12], $0x3E80  }
0x24: {  	[sflag:s12] =	ssyncset.done $0x0  }
0x25: {  	s22 =	simm.s32 $0x2800;
	[sflag:s12] =	ssyncadd.s32 $0xFFFFC180  }
0x26: {  	[spmem:s2] =	stream.indirect.scatter.add.f32 [tilespmem:s18], [sflag:$0x1], $0x80, s22, s17, $0xb8;
	[tilespmem:$0x1C700] =	vst v63  }
0x27: {  	_ =	swait.ge [sflag:s12], $0x3E80  }
0x28: {  	[sflag:s12] =	ssyncset.done $0x0  }
0x29: {  	s23 =	simm.s32 $0x80;
	[sflag:s12] =	ssyncadd.s32 $0xFFFFC180  }
0x2a: {  	[tilespmem:s18], [sflag:$0x1] =	stream.indirect.gather [hbm4b:s4+s17], $0x80, s23, s17, $0xb8;
	[tilespmem:$0x1C700] =	vst v63  }
0x2b: {  	_ =	swait.ge [sflag:s12], $0x3E80  }
0x2c: {  	[sflag:s12] =	ssyncset.done $0x0  }
0x2d: {  	s24 =	simm.s32 $0x2880;
	[sflag:s12] =	ssyncadd.s32 $0xFFFFC180  }
0x2e: {  	[spmem:s2] =	stream.indirect.scatter.add.f32 [tilespmem:s18], [sflag:$0x1], $0x80, s24, s17, $0xb8;
	[tilespmem:$0x1C700] =	vst v63  }
0x2f: {  	_ =	swait.ge [sflag:s12], $0x3E80  }
0x30: {  	[sflag:s12] =	ssyncset.done $0x0  }
0x31: {  	s25 =	simm.s32 $0x100;
	[sflag:s12] =	ssyncadd.s32 $0xFFFFC180  }
0x32: {  	[tilespmem:s18], [sflag:$0x1] =	stream.indirect.gather [hbm4b:s4+s17], $0x80, s25, s17, $0xb8;
	[tilespmem:$0x1C700] =	vst v63  }
0x33: {  	_ =	swait.ge [sflag:s12], $0x3E80  }
0x34: {  	[sflag:s12] =	ssyncset.done $0x0  }
0x35: {  	s26 =	simm.s32 $0x2900;
	[sflag:s12] =	ssyncadd.s32 $0xFFFFC180  }
0x36: {  	[spmem:s2] =	stream.indirect.scatter.add.f32 [tilespmem:s18], [sflag:$0x1], $0x80, s26, s17, $0xb8;
	[tilespmem:$0x1C700] =	vst v63  }
0x37: {  	_ =	swait.ge [sflag:s12], $0x3E80  }
0x38: {  	[sflag:s12] =	ssyncset.done $0x0  }
0x39: {  	s28 =	simm.s32 $0x180;
	[sflag:s12] =	ssyncadd.s32 $0xFFFFC180  }
0x3a: {  	[tilespmem:s18], [sflag:$0x1] =	stream.indirect.gather [hbm4b:s4+s17], $0x80, s28, s17, $0xb8;
	[tilespmem:$0x1C700] =	vst v63  }
0x3b: {  	_ =	swait.ge [sflag:s12], $0x3E80  }
0x3c: {  	[sflag:s12] =	ssyncset.done $0x0  }
0x3d: {  	s29 =	simm.s32 $0x2980;
	[sflag:s12] =	ssyncadd.s32 $0xFFFFC180  }
0x3e: {  	[spmem:s2] =	stream.indirect.scatter.add.f32 [tilespmem:s18], [sflag:$0x1], $0x80, s29, s17, $0xb8;
	[tilespmem:$0x1C700] =	vst v63  }
0x3f: {  	_ =	swait.ge [sflag:s12], $0x3E80  }
0x40: {  	[sflag:s12] =	ssyncset.done $0x0  }
0x41: {  	s30 =	simm.s32 $0x200;
	[sflag:s12] =	ssyncadd.s32 $0xFFFFC180  }
0x42: {  	[tilespmem:s18], [sflag:$0x1] =	stream.indirect.gather [hbm4b:s4+s17], $0x80, s30, s17, $0xb8;
	[tilespmem:$0x1C700] =	vst v63  }
0x43: {  	_ =	swait.ge [sflag:s12], $0x3E80  }
0x44: {  	[sflag:s12] =	ssyncset.done $0x0  }
0x45: {  	s31 =	simm.s32 $0x2A00;
	[sflag:s12] =	ssyncadd.s32 $0xFFFFC180  }
0x46: {  	[spmem:s2] =	stream.indirect.scatter.add.f32 [tilespmem:s18], [sflag:$0x1], $0x80, s31, s17, $0xb8;
	[tilespmem:$0x1C700] =	vst v63  }
0x47: {  	_ =	swait.ge [sflag:s12], $0x3E80  }
0x48: {  	s20 =	simm.s32 $0x0;
	s21 =	simm.s32 $0xA00;
	[sflag:s12] =	ssyncset.done $0x0  }
.LBB2_2:
0x49: {  	s22 =	sshra.s32 s21, $0x2;
	[sflag:s12] =	ssyncadd.s32 $0xFFFFC180  }
0x4a: {  	[tilespmem:s18], [sflag:$0x1] =	stream.indirect.gather [hbm4b:s4+s17], $0x80, s22, s17, $0xb8;
	[tilespmem:$0x1C700] =	vst v63  }
0x4b: {  	_ =	swait.ge [sflag:s12], $0x3E80  }
0x4c: {  	[sflag:s12] =	ssyncset.done $0x0  }
0x4d: {  	s23 =	sadd.s32 $0x2800, s22;
	[sflag:s12] =	ssyncadd.s32 $0xFFFFC180  }
0x4e: {  	[spmem:s2] =	stream.indirect.scatter.add.f32 [tilespmem:s18], [sflag:$0x1], $0x80, s23, s17, $0xb8;
	[tilespmem:$0x1C700] =	vst v63  }
0x4f: {  	_ =	swait.ge [sflag:s12], $0x3E80  }
0x50: {  	[sflag:s12] =	ssyncset.done $0x0  }
0x51: {  	s23 =	sadd.s32 $0x80, s22;
	[sflag:s12] =	ssyncadd.s32 $0xFFFFC180  }
0x52: {  	[tilespmem:s18], [sflag:$0x1] =	stream.indirect.gather [hbm4b:s4+s17], $0x80, s23, s17, $0xb8;
	[tilespmem:$0x1C700] =	vst v63  }
0x53: {  	_ =	swait.ge [sflag:s12], $0x3E80  }
0x54: {  	[sflag:s12] =	ssyncset.done $0x0  }
0x55: {  	s23 =	sadd.s32 $0x2880, s22;
	[sflag:s12] =	ssyncadd.s32 $0xFFFFC180  }
0x56: {  	[spmem:s2] =	stream.indirect.scatter.add.f32 [tilespmem:s18], [sflag:$0x1], $0x80, s23, s17, $0xb8;
	[tilespmem:$0x1C700] =	vst v63  }
0x57: {  	_ =	swait.ge [sflag:s12], $0x3E80  }
0x58: {  	[sflag:s12] =	ssyncset.done $0x0  }
0x59: {  	s23 =	sadd.s32 $0x100, s22;
	[sflag:s12] =	ssyncadd.s32 $0xFFFFC180  }
0x5a: {  	[tilespmem:s18], [sflag:$0x1] =	stream.indirect.gather [hbm4b:s4+s17], $0x80, s23, s17, $0xb8;
	[tilespmem:$0x1C700] =	vst v63  }
0x5b: {  	_ =	swait.ge [sflag:s12], $0x3E80  }
0x5c: {  	s20 =	sadd.s32 $0x5, s20;
	[sflag:s12] =	ssyncset.done $0x0  }
0x5d: {  	p1 =	slt.u32 s20, $0x4B;
	s23 =	sadd.s32 $0x2900, s22;
	[sflag:s12] =	ssyncadd.s32 $0xFFFFC180  }
0x5e: {  	[spmem:s2] =	stream.indirect.scatter.add.f32 [tilespmem:s18], [sflag:$0x1], $0x80, s23, s17, $0xb8;
	[tilespmem:$0x1C700] =	vst v63  }
0x5f: {  	_ =	swait.ge [sflag:s12], $0x3E80  }
0x60: {  	[sflag:s12] =	ssyncset.done $0x0  }
0x61: {  	s23 =	sadd.s32 $0x180, s22;
	[sflag:s12] =	ssyncadd.s32 $0xFFFFC180  }
0x62: {  	[tilespmem:s18], [sflag:$0x1] =	stream.indirect.gather [hbm4b:s4+s17], $0x80, s23, s17, $0xb8;
	[tilespmem:$0x1C700] =	vst v63  }
0x63: {  	_ =	swait.ge [sflag:s12], $0x3E80  }
0x64: {  	[sflag:s12] =	ssyncset.done $0x0  }
0x65: {  	s23 =	sadd.s32 $0x2980, s22;
	[sflag:s12] =	ssyncadd.s32 $0xFFFFC180  }
0x66: {  	[spmem:s2] =	stream.indirect.scatter.add.f32 [tilespmem:s18], [sflag:$0x1], $0x80, s23, s17, $0xb8;
	[tilespmem:$0x1C700] =	vst v63  }
0x67: {  	_ =	swait.ge [sflag:s12], $0x3E80  }
0x68: {  	[sflag:s12] =	ssyncset.done $0x0  }
0x69: {  	s23 =	sadd.s32 $0x200, s22;
	[sflag:s12] =	ssyncadd.s32 $0xFFFFC180  }
0x6a: {  	[tilespmem:s18], [sflag:$0x1] =	stream.indirect.gather [hbm4b:s4+s17], $0x80, s23, s17, $0xb8;
	[tilespmem:$0x1C700] =	vst v63  }
0x6b: {  	_ =	swait.ge [sflag:s12], $0x3E80  }
.Ltmp0:
0x6c: {  	[sflag:s12] =	ssyncset.done $0x0;
	(pc) =	sbr.rel @p1 .LBB2_2-.Ltmp0, $4  }
0x6d: {  	s22 =	sadd.s32 $0x2A00, s22;
	[sflag:s12] =	ssyncadd.s32 $0xFFFFC180  }
0x6e: {  	[spmem:s2] =	stream.indirect.scatter.add.f32 [tilespmem:s18], [sflag:$0x1], $0x80, s22, s17, $0xb8;
	[tilespmem:$0x1C700] =	vst v63  }
0x6f: {  	_ =	swait.ge [sflag:s12], $0x3E80  }
0x70: {  	s21 =	sadd.s32 $0xA00, s21;
	[sflag:s12] =	ssyncset.done $0x0  }
0x71: {  	[sflag:s12] =	ssyncadd.s32 $0xFFFFC180  }
0x72: {  	[bflag:$0x0] =	sbarrier.arrive $0xFFFF  }
0x73: {  	[hbm:s9], [sflag:s14] =	dma.local [spmem:s15], $0x2700  }
0x74: {  	s19 =	sadd.s32 $0x1, s19;
	_ =	swait.ge [sflag:s12], $0x2700  }
0x75: {  	p1 =	sne.s32 s19, s11;
	[sflag:s12] =	ssyncset.done $0x0  }
.Ltmp1:
0x76: {  	s20 =	simm.s32 @!p0 $0x1;
	[sflag:s12] =	ssyncadd.s32 $0xFFFFD900;
	(pc) =	sbr.rel @p1 .LBB2_1-.Ltmp1, $4  }
0x77: {  	[hbm:s10], [sflag:s14] =	dma.local @!p0 [spmem:s16], $0x100  }
0x78: {  	_ =	swait.ge @!p0 [sflag:s20], $0x100  }
0x79: {  	[sflag:s20] =	ssyncset.done @!p0 $0x0  }
0x7a: {  	[sflag:s20] =	ssyncadd.s32 @!p0 $0xFFFFFF00  }
0x7b: {  	_ =	sfence.sel $0x180000  }
0x7c: {  	[bflag:$0x0] =	sbarrier.arrive $0xFFFF  }
0x7d: {  	p0 =	sne.s32 s0, $0x0;
	_ =	strace $0x9000004D  }
0x7e: {  	s0 =	sadd.s32 @!p0 $0x100000, s1;
	[bflag:$0x2] =	sbarrier.arrive $0xFFFF  }
0x7f: {  	[sflag:s0] =	ssyncadd.tile.s32 @!p0 $0x1;
	_ =	shalt  }
.Lfunc_end2:
_tile_overlayer_lowered:
.L_overlay_start_2:
0x80: {  	(tag) =	ssettag $0x2  }
0x81: {  	s0 =	rddreg [dreg:$0x0];
	s2 =	stileid.u32  }
0x82: {  	s1 =	rddreg [dreg:$0x1];
	p0 =	sne.s32 s2, $0x0  }
0x83: {  	s3 =	rddreg [dreg:$0x2];
	[bflag:$0x3] =	sbarrier.arrive $0xFFFF;
	s2 =	simm.s32 @!p0 $0x1C01  }
0x84: {  	[timem:s3], [sflag:s2] =	dma.local @!p0 [hbm:s0], s1  }
0x85: {  	s0 =	simm.s32 @!p0 $0x1  }
0x86: {  	_ =	swait.ge @!p0 [sflag:s0], s1  }
0x87: {  	s1 =	ssub.s32 @!p0 $0x0, s1;
	[sflag:s0] =	ssyncset.done @!p0 $0x0  }
0x88: {  	[sflag:s0] =	ssyncadd.s32 @!p0 s1  }
0x89: {  	[bflag:$0x3] =	sbarrier.arrive $0xFFFF  }
0x8a: {  	_ =	shalt  }

// kernel: sc_edge_scatter.16.cloned.1.call-start
scs
__scs_entry_jumppad:
0x0: {  	(pc) =	sbr.rel $0x88, $3  }
0x1: {  	(tag) =	ssettag $0x0;
	lr =	simm.s32 $0x1  }
0x2: {  	[smem:$0x3F97] =	sst lr;
	_ =	strace $0xD0000000  }
0x3: {  	_ = 	snop  }
0x4: {  	_ = 	snop  }
0x5: {  	_ = 	snop  }
0x6: {  	_ = 	snop  }
0x7: {  	_ = 	snop  }
__scs_overlays_trampoline_lowered:
0x8: {  	[smem:$0x3FA6] =	sst s0  }
0x9: {  	[smem:$0x3FA7] =	sst s1  }
0xa: {  	[smem:$0x3FA8] =	sst s2  }
0xb: {  	[smem:$0x3FA9] =	sst s3  }
0xc: {  	[smem:$0x3FAA] =	sst s4  }
0xd: {  	[smem:$0x3FAB] =	sst s5  }
0xe: {  	[smem:$0x3FAC] =	sst s6  }
0xf: {  	[smem:$0x3FAD] =	sst s7  }
0x10: {  	[smem:$0x3FAE] =	sst s8  }
0x11: {  	[smem:$0x3FAF] =	sst s9;
	s0 =	simm.s32 @!p0 $0x0  }
0x12: {  	s1 =	sld [smem:$0x3F95];
	s0 =	simm.s32 @p0 $0x1  }
0x13: {  	[smem:$0x3FB0] =	sst s0;
	s0 =	simm.s32 @!p1 $0x0  }
0x14: {  	s2 =	sld [smem:$0x3F94];
	s0 =	simm.s32 @p1 $0x1  }
0x15: {  	[smem:$0x3FB1] =	sst s0;
	s0 =	simm.s32 @!p2 $0x0  }
0x16: {  	s3 =	sld [smem:$0x3FDB];
	s0 =	simm.s32 @p2 $0x1  }
0x17: {  	s4 =	simm.s32 $0x1BF5;
	[smem:$0x3FB3] =	sst s0  }
0x18: {  	s0 =	sld [smem:$0x3F96];
	_ =	swait.ge [sflag:s4], $0x0  }
0x19: {  	s7 =	sld [smem:$0x3F97]  }
0x1a: {  	s8 =	sadd.s32 $0xFFFFE003, lr  }
0x1b: {  	s9 =	sadd.s32 $0xFFFFFEF7, lr;
	s5 =	simm.s32 $0xFFFFFFFF;
	p2 =	slt.u32 s8, $0xFFFFF086  }
0x1c: {  	p1 =	slt.u32 s9, $0xF7A;
	s5 =	simm.s32 @!p2 $0x0  }
0x1d: {  	s5 =	simm.s32 @p1 $0x1;
	p0 =	seq.s32 s7, s2  }
0x1e: {  	s7 =	smul.u32 @!p0 $0xF7A, s2;
	p2 =	seq.s32 @!p0 s5, $0x0  }
0x1f: {  	s9 =	smul.u32 $0xF7A, s1;
	s8 =	simm.s32 @!p0 $0x1BF5;
	p2 =	por !p2, p0  }
0x20: {  	[sflag:s8] =	ssyncset.s32 @!p0 $0xFFFFF086;
	s6 =	sadd.s32 @!p0 s3, s7;
	s7 =	simm.s32 @!p0 $0x108  }
0x21: {  	s3 =	sadd.s32 s3, s9;
	s6 =	sadd.s32 @!p0 $0x88, s6;
	s7 =	simm.s32 @p2 $0x1082  }
0x22: {  	[simem:s7], [sflag:s8] =	dma.local @!p0 [hbm:s6], $0xF7A  }
0x23: {  	s9 =	sor.u32 $0xD0000000, s2;
	s6 =	simm.s32 $0x108;
	_ =	swait.ge @!p0 [sflag:s8], $0x0  }
0x24: {  	s3 =	sadd.s32 $0x88, s3;
	s6 =	simm.s32 @!p1 $0x1082;
	[sflag:s4] =	ssyncset.s32 $0xFFFFF086  }
0x25: {  	[simem:s6], [sflag:s4] =	dma.local [hbm:s3], $0xF7A  }
0x26: {  	[smem:$0x3F97] =	sst s1;
	(tag) =	ssettag s2;
	_ =	strace s9  }
0x27: {  	s1 =	sld [smem:$0x3FA7]  }
0x28: {  	s2 =	sld [smem:$0x3FA8]  }
0x29: {  	s4 =	sld [smem:$0x3FAA]  }
0x2a: {  	p0 =	seq.s32 s5, $0x0;
	s5 =	sld [smem:$0x3FAB]  }
0x2b: {  	s6 =	sld [smem:$0x3FAC]  }
0x2c: {  	s7 =	sld [smem:$0x3FAD]  }
0x2d: {  	s3 =	simm.s32 $0x108;
	s8 =	sld [smem:$0x3FAE]  }
0x2e: {  	s3 =	simm.s32 @!p0 $0x1082;
	s9 =	sld [smem:$0x3FAF]  }
0x2f: {  	lr =	sadd.s32 s0, s3;
	s0 =	sld [smem:$0x3FA6]  }
0x30: {  	s3 =	sld [smem:$0x3FA9]  }
0x31: {  	[smem:$0x3FB2] =	sst s10  }
0x32: {  	s10 =	sld [smem:$0x3FB0];
	_ =	sdelay $0x3  }
0x33: {  	p0 =	seq.s32 s10, $0x1;
	s10 =	sld [smem:$0x3FB2];
	_ =	sdelay $0x3  }
0x34: {  	[smem:$0x3FB2] =	sst s10  }
0x35: {  	s10 =	sld [smem:$0x3FB1];
	_ =	sdelay $0x3  }
0x36: {  	p1 =	seq.s32 s10, $0x1;
	s10 =	sld [smem:$0x3FB2];
	_ =	sdelay $0x3  }
0x37: {  	[smem:$0x3FB2] =	sst s10  }
0x38: {  	s10 =	sld [smem:$0x3FB3]  }
0x39: {  	_ = 	snop;
	(pc) =	sbr.ind lr, $3  }
0x3a: {  	_ = 	snop  }
0x3b: {  	_ = 	snop  }
0x3c: {  	p2 =	seq.s32 s10, $0x1;
	s10 =	sld [smem:$0x3FB2]  }
0x3d: {  	_ =	shalt  }
0x3e: {  	_ =	shalt  }
0x3f: {  	_ =	shalt  }
0x40: {  	_ =	shalt  }
0x41: {  	_ =	shalt  }
0x42: {  	_ =	shalt  }
0x43: {  	_ =	shalt  }
0x44: {  	_ =	shalt  }
0x45: {  	_ =	shalt  }
0x46: {  	_ =	shalt  }
0x47: {  	_ =	shalt  }
0x48: {  	_ =	shalt  }
0x49: {  	_ =	shalt  }
0x4a: {  	_ =	shalt  }
0x4b: {  	_ =	shalt  }
0x4c: {  	_ =	shalt  }
0x4d: {  	_ =	shalt  }
0x4e: {  	_ =	shalt  }
0x4f: {  	_ =	shalt  }
0x50: {  	_ =	shalt  }
0x51: {  	_ =	shalt  }
0x52: {  	_ =	shalt  }
0x53: {  	_ =	shalt  }
0x54: {  	_ =	shalt  }
0x55: {  	_ =	shalt  }
0x56: {  	_ =	shalt  }
0x57: {  	_ =	shalt  }
0x58: {  	_ =	shalt  }
0x59: {  	_ =	shalt  }
0x5a: {  	_ =	shalt  }
0x5b: {  	_ =	shalt  }
0x5c: {  	_ =	shalt  }
0x5d: {  	_ =	shalt  }
0x5e: {  	_ =	shalt  }
0x5f: {  	_ =	shalt  }
0x60: {  	_ =	shalt  }
0x61: {  	_ =	shalt  }
0x62: {  	_ =	shalt  }
0x63: {  	_ =	shalt  }
0x64: {  	_ =	shalt  }
0x65: {  	_ =	shalt  }
0x66: {  	_ =	shalt  }
0x67: {  	_ =	shalt  }
0x68: {  	_ =	shalt  }
0x69: {  	_ =	shalt  }
0x6a: {  	_ =	shalt  }
0x6b: {  	_ =	shalt  }
0x6c: {  	_ =	shalt  }
0x6d: {  	_ =	shalt  }
0x6e: {  	_ =	shalt  }
0x6f: {  	_ =	shalt  }
0x70: {  	_ =	shalt  }
0x71: {  	_ =	shalt  }
0x72: {  	_ =	shalt  }
0x73: {  	_ =	shalt  }
0x74: {  	_ =	shalt  }
0x75: {  	_ =	shalt  }
0x76: {  	_ =	shalt  }
0x77: {  	_ =	shalt  }
0x78: {  	_ =	shalt  }
0x79: {  	_ =	shalt  }
0x7a: {  	_ =	shalt  }
0x7b: {  	_ =	shalt  }
0x7c: {  	_ =	shalt  }
0x7d: {  	_ =	shalt  }
0x7e: {  	_ =	shalt  }
0x7f: {  	_ =	shalt  }
0x80: {  	_ =	shalt  }
0x81: {  	_ =	shalt  }
0x82: {  	_ =	shalt  }
0x83: {  	_ =	shalt  }
0x84: {  	_ =	shalt  }
0x85: {  	_ =	shalt  }
0x86: {  	_ =	shalt  }
0x87: {  	_ =	shalt  }
.Lfunc_end0:
.L_simem_size_0:
called_computation.3_lowered:
.L_overlay_start_0:
0x88: {  	s2 =	sld [smem:$0x3FD9]  }
0x89: {  	s3 =	sld [smem:$0x3FFE];
	_ =	sdelay $0x1  }
0x8a: {  	s1 =	srdreg.scid  }
0x8b: {  	s0 =	sand.u32 $0x1, s1  }
0x8c: {  	s16 =	sshll.u32 s0, $0xA;
	s2 =	sadd.s32 s3, s2  }
0x8d: {  	s2 =	sadd.s32 s2, s16  }
0x8e: {  	[smem:$0x3FBE] =	sst s2  }
0x8f: {  	_ = 	snop  }
0x90: {  	(tm) =	ssettm $0x1  }
0x91: {  	s17 =	sld [smem:$0x3FFB];
	_ =	sdelay $0x3  }
0x92: {  	_ =	strace s17  }
0x93: {  	s2 =	sld [smem:$0x3FFC];
	_ =	sdelay $0x3  }
0x94: {  	_ =	strace s2  }
0x95: {  	s2 =	sld [smem:$0x3FFD];
	_ =	sdelay $0x3  }
0x96: {  	_ =	strace s2  }
0x97: {  	_ =	strace $0x8FFFFFFF  }
0x98: {  	s18 =	sld [smem:$0x3FDB];
	_ =	sdelay $0x1  }
0x99: {  	s19 =	simm.s32 $_scs_section_size  }
0x9a: {  	s4 =	simm.s32 $_size__tile_overlayer_lowered;
	s5 =	simm.s32 $_tile_overlayer_lowered  }
0x9b: {  	s22 =	simm.s32 $0x1BFF;
	s21 =	sshll.u32 s5, $0x1;
	s2 =	sadd.s32 s19, s18  }
0x9c: {  	s6 =	simm.s32 $0x0;
	s20 =	sshll.u32 s4, $0x1;
	s4 =	sadd.s32 s21, s2  }
0x9d: {  	[timem:s6], [sflag:s22] =	dma.local [hbm:s4], s20  }
0x9e: {  	_ =	swait.ge [sflag:s22], s20  }
0x9f: {  	s3 =	ssub.s32 $0x0, s20;
	[sflag:s22] =	ssyncset.done $0x0  }
0xa0: {  	[sflag:s22] =	ssyncadd.s32 s3;
	_ =	sdelay $0x1  }
0xa1: {  	s23 =	simm.s32 $0x1B8B  }
0xa2: {  	_ =	swait.ge [sflag:s23], $0x1  }
0xa3: {  	[sflag:s23] =	ssyncset.done $0x0  }
0xa4: {  	s25 =	simm.s32 $0x1B8E;
	s24 =	sld [smem:$0x3FFE];
	[sflag:s23] =	ssyncadd.s32 $0xFFFFFFFF  }
0xa5: {  	s26 =	simm.s32 $execute0_lowered;
	[smem:$0x3FD2] =	sst s25  }
0xa6: {  	s4 =	sshll.u32 s26, $0x1;
	_ =	strace $0x8000004F;
	[dreg:$0x1] =	wrdreg $0xFFFFFFFF  }
0xa7: {  	s28 =	simm.s32 $_size_execute0_lowered;
	s2 =	sadd.s32 s2, s4;
	[dreg:$0x0] =	wrdreg $0x0  }
0xa8: {  	s4 =	sshll.u32 s28, $0x1;
	[dreg:$0x2] =	wrdreg s2  }
0xa9: {  	[dreg:$0x3] =	wrdreg s4  }
0xaa: {  	[dreg:$0x4] =	wrdreg $0xC0  }
0xab: {  	_ =	task [dreg:s6], $0x5FFFF  }
0xac: {  	[dreg:$0x1] =	wrdreg $0xFFFFFFFF  }
0xad: {  	[dreg:$0x0] =	wrdreg $0x60  }
0xae: {  	[dreg:$0x2] =	wrdreg s24  }
0xaf: {  	[dreg:$0x3] =	wrdreg $0x50000  }
0xb0: {  	[dreg:$0x4] =	wrdreg $0x9  }
0xb1: {  	_ =	task.clear_ibuf [dreg:s6], $0x5FFFF;
	_ =	strace $0x9000004F  }
0xb2: {  	s29 =	simm.s32 $0x9;
	_ =	strace $0x80000051  }
0xb3: {  	_ =	swait.ge [sflag:s29], $0x1  }
0xb4: {  	[sflag:s29] =	ssyncadd.s32 $0xFFFFFFFF  }
0xb5: {  	_ =	strace $0x90000051  }
0xb6: {  	_ =	sfence  }
0xb7: {  	s30 =	sld [smem:$0x0];
	_ =	sdelay $0x2  }
0xb8: {  	s31 =	sshll.u32 s1, $0xD;
	s1 =	sshrl.u32 s1, $0x2  }
0xb9: {  	s3 =	sand.u32 $0x4000, s31;
	s1 =	sadd.s32 s1, s30  }
0xba: {  	s0 =	sor.u32 s3, s0;
	s1 =	sshll.u32 s1, $0x11  }
0xbb: {  	s0 =	sor.u32 s1, s0  }
0xbc: {  	s0 =	sadd.s32 $0x8F2B, s0  }
0xbd: {  	[sflag:s0] =	ssyncadd.remote.s32 $0x1  }
0xbe: {  	_ =	sfence.sel $0xFFFF  }
0xbf: {  	[dreg:$0x0] =	wrdreg $0xFFFFFFFF;
	(pc) =	sbr.abs _section_cstart, $3  }
0xc0: {  	[dreg:$0x1] =	wrdreg $0xFFFFFFFF  }
0xc1: {  	_ =	task.clear_ibuf [dreg:s6], $0x2FFFF;
	_ =	strace $0x9FFFFFFF  }
0xc2: {  	(tm) =	ssettm $0x7FFFFFFF  }
0xc3: {  	_ =	shalt  }
tec
execute0_lowered:
.L_overlay_start_1:
0x0: {  	(tag) =	ssettag $0x1  }
0x1: {  	s1 =	srdreg.scid;
	s8 =	rddreg [dreg:$0x0]  }
0x2: {  	s0 =	stileid.u32;
	s2 =	rddreg [dreg:$0x1];
	s3 =	simm.s32 $0x0  }
0x3: {  	s17 =	simm.s32 $0x7D;
	s18 =	simm.s32 $0x18880;
	s19 =	simm.s32 $0x0  }
0x4: {  	s5 =	sand.u32 $0x1, s1;
	s1 =	rddreg [dreg:$0x2];
	s9 =	smul.u32 $0x13800, s0  }
0x5: {  	s30 =	sshll.u32 s0, $0x1;
	[smem:$0x7FF] =	sst s3;
	s12 =	smul.u32 $0x4E000, s0  }
0x6: {  	s13 =	sadd.s32 $0x65000, s8;
	s16 =	sadd.s32 $0x138000, s2;
	p0 =	sne.s32 s0, $0xF  }
0x7: {  	s14 =	sshll.u32 s0, $0x6;
	s4 =	sor.u32 s5, s30;
	_ =	strace $0x80000050  }
0x8: {  	s10 =	ssub.s32 $0x2, s5;
	s31 =	smul.u32 $0x138800, s5;
	s14 =	sor.u32 $0x1C01, s14  }
0x9: {  	s16 =	sshrl.u32 @!p0 s16, $0x3;
	s6 =	smul.u32 $0x500, s4;
	s4 =	sadd.s32 $0x16C00, s8  }
0xa: {  	s7 =	sshrl.u32 s9, $0x3;
	s11 =	sshrl.u32 s10, $0x1;
	s12 =	sshrl.u32 s12, $0x2  }
0xb: {  	s7 =	sadd.s32 s7, s8;
	s11 =	ssub.s32 s10, s11;
	s15 =	sadd.s32 s12, s2  }
0xc: {  	s9 =	sadd.s32 s9, s31;
	s10 =	sshrl.u32 s31, $0x3;
	s12 =	simm.s32 $0x1  }
0xd: {  	s6 =	sadd.s32 s6, s8;
	s7 =	sadd.s32 $0x3DE00, s7;
	s9 =	sshrl.u32 s9, $0x3  }
0xe: {  	s8 =	sadd.s32 $0x64E00, s8;
	s10 =	sadd.s32 s13, s10;
	s11 =	smax.u32 s11, $0x1  }
0xf: {  	s15 =	sshrl.u32 s15, $0x3;
	s5 =	sadd.s32 $0xCC00, s6;
	s6 =	sadd.s32 $0x2C00, s6  }
0x10: {  	s9 =	sadd.s32 s13, s9;
	s10 =	sadd.s32 $0x27000, s10;
	s13 =	simm.s32 $0x2800  }
.LBB2_1:
0x11: {  	[tilespmem:s3], [sflag:$0x1] =	stream.linear.gather [hbm4b:s5+s3], $0x2800, $0x38;
	[tilespmem:$0x1C700] =	vst v63  }
0x12: {  	_ =	swait.ge [sflag:s12], $0x2800  }
0x13: {  	[sflag:s12] =	ssyncset.done $0x0  }
0x14: {  	[sflag:s12] =	ssyncadd.s32 $0xFFFFD800  }
0x15: {  	[tilespmem:s13], [sflag:$0x1] =	stream.linear.gather [hbm4b:s6+s3], $0x2800, $0x38;
	[tilespmem:$0x1C700] =	vst v63  }
0x16: {  	_ =	swait.ge [sflag:s12], $0x2800  }
0x17: {  	[sflag:s12] =	ssyncset.done $0x0  }
0x18: {  	[sflag:s12] =	ssyncadd.s32 $0xFFFFD800  }
0x19: {  	[spmem:s15], [sflag:s14] =	dma.local [hbm:s7], $0x2700  }
0x1a: {  	_ =	swait.ge [sflag:s12], $0x2700  }
0x1b: {  	[sflag:s12] =	ssyncset.done $0x0  }
0x1c: {  	s20 =	simm.s32 @!p0 $0x1;
	[sflag:s12] =	ssyncadd.s32 $0xFFFFD900  }
0x1d: {  	[spmem:s16], [sflag:s14] =	dma.local @!p0 [hbm:s8], $0x100  }
0x1e: {  	_ =	swait.ge @!p0 [sflag:s20], $0x100  }
0x1f: {  	[sflag:s20] =	ssyncset.done @!p0 $0x0  }
0x20: {  	[sflag:s20] =	ssyncadd.s32 @!p0 $0xFFFFFF00  }
0x21: {  	s21 =	simm.s32 $0x0;
	[bflag:$0x0] =	sbarrier.arrive $0xFFFF  }
0x22: {  	[tilespmem:s18], [sflag:$0x1] =	stream.indirect.gather [hbm4b:s4+s17], $0x80, s21, s17, $0xb8;
	[tilespmem:$0x1C700] =	vst v63  }
0x23: {  	_ =	swait.ge [sflag:s12], $0x3E80  }
0x24: {  	[sflag:s12] =	ssyncset.done $0x0  }
0x25: {  	s22 =	simm.s32 $0x2800;
	[sflag:s12] =	ssyncadd.s32 $0xFFFFC180  }
0x26: {  	[spmem:s2] =	stream.indirect.scatter.add.f32 [tilespmem:s18], [sflag:$0x1], $0x80, s22, s17, $0xb8;
	[tilespmem:$0x1C700] =	vst v63  }
0x27: {  	_ =	swait.ge [sflag:s12], $0x3E80  }
0x28: {  	[sflag:s12] =	ssyncset.done $0x0  }
0x29: {  	s23 =	simm.s32 $0x80;
	[sflag:s12] =	ssyncadd.s32 $0xFFFFC180  }
0x2a: {  	[tilespmem:s18], [sflag:$0x1] =	stream.indirect.gather [hbm4b:s4+s17], $0x80, s23, s17, $0xb8;
	[tilespmem:$0x1C700] =	vst v63  }
0x2b: {  	_ =	swait.ge [sflag:s12], $0x3E80  }
0x2c: {  	[sflag:s12] =	ssyncset.done $0x0  }
0x2d: {  	s24 =	simm.s32 $0x2880;
	[sflag:s12] =	ssyncadd.s32 $0xFFFFC180  }
0x2e: {  	[spmem:s2] =	stream.indirect.scatter.add.f32 [tilespmem:s18], [sflag:$0x1], $0x80, s24, s17, $0xb8;
	[tilespmem:$0x1C700] =	vst v63  }
0x2f: {  	_ =	swait.ge [sflag:s12], $0x3E80  }
0x30: {  	[sflag:s12] =	ssyncset.done $0x0  }
0x31: {  	s25 =	simm.s32 $0x100;
	[sflag:s12] =	ssyncadd.s32 $0xFFFFC180  }
0x32: {  	[tilespmem:s18], [sflag:$0x1] =	stream.indirect.gather [hbm4b:s4+s17], $0x80, s25, s17, $0xb8;
	[tilespmem:$0x1C700] =	vst v63  }
0x33: {  	_ =	swait.ge [sflag:s12], $0x3E80  }
0x34: {  	[sflag:s12] =	ssyncset.done $0x0  }
0x35: {  	s26 =	simm.s32 $0x2900;
	[sflag:s12] =	ssyncadd.s32 $0xFFFFC180  }
0x36: {  	[spmem:s2] =	stream.indirect.scatter.add.f32 [tilespmem:s18], [sflag:$0x1], $0x80, s26, s17, $0xb8;
	[tilespmem:$0x1C700] =	vst v63  }
0x37: {  	_ =	swait.ge [sflag:s12], $0x3E80  }
0x38: {  	[sflag:s12] =	ssyncset.done $0x0  }
0x39: {  	s28 =	simm.s32 $0x180;
	[sflag:s12] =	ssyncadd.s32 $0xFFFFC180  }
0x3a: {  	[tilespmem:s18], [sflag:$0x1] =	stream.indirect.gather [hbm4b:s4+s17], $0x80, s28, s17, $0xb8;
	[tilespmem:$0x1C700] =	vst v63  }
0x3b: {  	_ =	swait.ge [sflag:s12], $0x3E80  }
0x3c: {  	[sflag:s12] =	ssyncset.done $0x0  }
0x3d: {  	s29 =	simm.s32 $0x2980;
	[sflag:s12] =	ssyncadd.s32 $0xFFFFC180  }
0x3e: {  	[spmem:s2] =	stream.indirect.scatter.add.f32 [tilespmem:s18], [sflag:$0x1], $0x80, s29, s17, $0xb8;
	[tilespmem:$0x1C700] =	vst v63  }
0x3f: {  	_ =	swait.ge [sflag:s12], $0x3E80  }
0x40: {  	[sflag:s12] =	ssyncset.done $0x0  }
0x41: {  	s30 =	simm.s32 $0x200;
	[sflag:s12] =	ssyncadd.s32 $0xFFFFC180  }
0x42: {  	[tilespmem:s18], [sflag:$0x1] =	stream.indirect.gather [hbm4b:s4+s17], $0x80, s30, s17, $0xb8;
	[tilespmem:$0x1C700] =	vst v63  }
0x43: {  	_ =	swait.ge [sflag:s12], $0x3E80  }
0x44: {  	[sflag:s12] =	ssyncset.done $0x0  }
0x45: {  	s31 =	simm.s32 $0x2A00;
	[sflag:s12] =	ssyncadd.s32 $0xFFFFC180  }
0x46: {  	[spmem:s2] =	stream.indirect.scatter.add.f32 [tilespmem:s18], [sflag:$0x1], $0x80, s31, s17, $0xb8;
	[tilespmem:$0x1C700] =	vst v63  }
0x47: {  	_ =	swait.ge [sflag:s12], $0x3E80  }
0x48: {  	s20 =	simm.s32 $0x0;
	s21 =	simm.s32 $0xA00;
	[sflag:s12] =	ssyncset.done $0x0  }
.LBB2_2:
0x49: {  	s22 =	sshra.s32 s21, $0x2;
	[sflag:s12] =	ssyncadd.s32 $0xFFFFC180  }
0x4a: {  	[tilespmem:s18], [sflag:$0x1] =	stream.indirect.gather [hbm4b:s4+s17], $0x80, s22, s17, $0xb8;
	[tilespmem:$0x1C700] =	vst v63  }
0x4b: {  	_ =	swait.ge [sflag:s12], $0x3E80  }
0x4c: {  	[sflag:s12] =	ssyncset.done $0x0  }
0x4d: {  	s23 =	sadd.s32 $0x2800, s22;
	[sflag:s12] =	ssyncadd.s32 $0xFFFFC180  }
0x4e: {  	[spmem:s2] =	stream.indirect.scatter.add.f32 [tilespmem:s18], [sflag:$0x1], $0x80, s23, s17, $0xb8;
	[tilespmem:$0x1C700] =	vst v63  }
0x4f: {  	_ =	swait.ge [sflag:s12], $0x3E80  }
0x50: {  	[sflag:s12] =	ssyncset.done $0x0  }
0x51: {  	s23 =	sadd.s32 $0x80, s22;
	[sflag:s12] =	ssyncadd.s32 $0xFFFFC180  }
0x52: {  	[tilespmem:s18], [sflag:$0x1] =	stream.indirect.gather [hbm4b:s4+s17], $0x80, s23, s17, $0xb8;
	[tilespmem:$0x1C700] =	vst v63  }
0x53: {  	_ =	swait.ge [sflag:s12], $0x3E80  }
0x54: {  	[sflag:s12] =	ssyncset.done $0x0  }
0x55: {  	s23 =	sadd.s32 $0x2880, s22;
	[sflag:s12] =	ssyncadd.s32 $0xFFFFC180  }
0x56: {  	[spmem:s2] =	stream.indirect.scatter.add.f32 [tilespmem:s18], [sflag:$0x1], $0x80, s23, s17, $0xb8;
	[tilespmem:$0x1C700] =	vst v63  }
0x57: {  	_ =	swait.ge [sflag:s12], $0x3E80  }
0x58: {  	[sflag:s12] =	ssyncset.done $0x0  }
0x59: {  	s23 =	sadd.s32 $0x100, s22;
	[sflag:s12] =	ssyncadd.s32 $0xFFFFC180  }
0x5a: {  	[tilespmem:s18], [sflag:$0x1] =	stream.indirect.gather [hbm4b:s4+s17], $0x80, s23, s17, $0xb8;
	[tilespmem:$0x1C700] =	vst v63  }
0x5b: {  	_ =	swait.ge [sflag:s12], $0x3E80  }
0x5c: {  	s20 =	sadd.s32 $0x5, s20;
	[sflag:s12] =	ssyncset.done $0x0  }
0x5d: {  	p1 =	slt.u32 s20, $0x4B;
	s23 =	sadd.s32 $0x2900, s22;
	[sflag:s12] =	ssyncadd.s32 $0xFFFFC180  }
0x5e: {  	[spmem:s2] =	stream.indirect.scatter.add.f32 [tilespmem:s18], [sflag:$0x1], $0x80, s23, s17, $0xb8;
	[tilespmem:$0x1C700] =	vst v63  }
0x5f: {  	_ =	swait.ge [sflag:s12], $0x3E80  }
0x60: {  	[sflag:s12] =	ssyncset.done $0x0  }
0x61: {  	s23 =	sadd.s32 $0x180, s22;
	[sflag:s12] =	ssyncadd.s32 $0xFFFFC180  }
0x62: {  	[tilespmem:s18], [sflag:$0x1] =	stream.indirect.gather [hbm4b:s4+s17], $0x80, s23, s17, $0xb8;
	[tilespmem:$0x1C700] =	vst v63  }
0x63: {  	_ =	swait.ge [sflag:s12], $0x3E80  }
0x64: {  	[sflag:s12] =	ssyncset.done $0x0  }
0x65: {  	s23 =	sadd.s32 $0x2980, s22;
	[sflag:s12] =	ssyncadd.s32 $0xFFFFC180  }
0x66: {  	[spmem:s2] =	stream.indirect.scatter.add.f32 [tilespmem:s18], [sflag:$0x1], $0x80, s23, s17, $0xb8;
	[tilespmem:$0x1C700] =	vst v63  }
0x67: {  	_ =	swait.ge [sflag:s12], $0x3E80  }
0x68: {  	[sflag:s12] =	ssyncset.done $0x0  }
0x69: {  	s23 =	sadd.s32 $0x200, s22;
	[sflag:s12] =	ssyncadd.s32 $0xFFFFC180  }
0x6a: {  	[tilespmem:s18], [sflag:$0x1] =	stream.indirect.gather [hbm4b:s4+s17], $0x80, s23, s17, $0xb8;
	[tilespmem:$0x1C700] =	vst v63  }
0x6b: {  	_ =	swait.ge [sflag:s12], $0x3E80  }
.Ltmp0:
0x6c: {  	[sflag:s12] =	ssyncset.done $0x0;
	(pc) =	sbr.rel @p1 .LBB2_2-.Ltmp0, $4  }
0x6d: {  	s22 =	sadd.s32 $0x2A00, s22;
	[sflag:s12] =	ssyncadd.s32 $0xFFFFC180  }
0x6e: {  	[spmem:s2] =	stream.indirect.scatter.add.f32 [tilespmem:s18], [sflag:$0x1], $0x80, s22, s17, $0xb8;
	[tilespmem:$0x1C700] =	vst v63  }
0x6f: {  	_ =	swait.ge [sflag:s12], $0x3E80  }
0x70: {  	s21 =	sadd.s32 $0xA00, s21;
	[sflag:s12] =	ssyncset.done $0x0  }
0x71: {  	[sflag:s12] =	ssyncadd.s32 $0xFFFFC180  }
0x72: {  	[bflag:$0x0] =	sbarrier.arrive $0xFFFF  }
0x73: {  	[hbm:s9], [sflag:s14] =	dma.local [spmem:s15], $0x2700  }
0x74: {  	s19 =	sadd.s32 $0x1, s19;
	_ =	swait.ge [sflag:s12], $0x2700  }
0x75: {  	p1 =	sne.s32 s19, s11;
	[sflag:s12] =	ssyncset.done $0x0  }
.Ltmp1:
0x76: {  	s20 =	simm.s32 @!p0 $0x1;
	[sflag:s12] =	ssyncadd.s32 $0xFFFFD900;
	(pc) =	sbr.rel @p1 .LBB2_1-.Ltmp1, $4  }
0x77: {  	[hbm:s10], [sflag:s14] =	dma.local @!p0 [spmem:s16], $0x100  }
0x78: {  	_ =	swait.ge @!p0 [sflag:s20], $0x100  }
0x79: {  	[sflag:s20] =	ssyncset.done @!p0 $0x0  }
0x7a: {  	[sflag:s20] =	ssyncadd.s32 @!p0 $0xFFFFFF00  }
0x7b: {  	_ =	sfence.sel $0x180000  }
0x7c: {  	[bflag:$0x0] =	sbarrier.arrive $0xFFFF  }
0x7d: {  	p0 =	sne.s32 s0, $0x0;
	_ =	strace $0x90000050  }
0x7e: {  	s0 =	sadd.s32 @!p0 $0x100000, s1;
	[bflag:$0x2] =	sbarrier.arrive $0xFFFF  }
0x7f: {  	[sflag:s0] =	ssyncadd.tile.s32 @!p0 $0x1;
	_ =	shalt  }
.Lfunc_end2:
_tile_overlayer_lowered:
.L_overlay_start_2:
0x80: {  	(tag) =	ssettag $0x2  }
0x81: {  	s0 =	rddreg [dreg:$0x0];
	s2 =	stileid.u32  }
0x82: {  	s1 =	rddreg [dreg:$0x1];
	p0 =	sne.s32 s2, $0x0  }
0x83: {  	s3 =	rddreg [dreg:$0x2];
	[bflag:$0x3] =	sbarrier.arrive $0xFFFF;
	s2 =	simm.s32 @!p0 $0x1C01  }
0x84: {  	[timem:s3], [sflag:s2] =	dma.local @!p0 [hbm:s0], s1  }
0x85: {  	s0 =	simm.s32 @!p0 $0x1  }
0x86: {  	_ =	swait.ge @!p0 [sflag:s0], s1  }
0x87: {  	s1 =	ssub.s32 @!p0 $0x0, s1;
	[sflag:s0] =	ssyncset.done @!p0 $0x0  }
0x88: {  	[sflag:s0] =	ssyncadd.s32 @!p0 s1  }
0x89: {  	[bflag:$0x3] =	sbarrier.arrive $0xFFFF  }
0x8a: {  	_ =	shalt  }

// kernel: sc_edge_scatter.19.cloned.1.call-start
scs
__scs_entry_jumppad:
0x0: {  	(pc) =	sbr.rel $0x88, $3  }
0x1: {  	(tag) =	ssettag $0x0;
	lr =	simm.s32 $0x1  }
0x2: {  	[smem:$0x3F97] =	sst lr;
	_ =	strace $0xD0000000  }
0x3: {  	_ = 	snop  }
0x4: {  	_ = 	snop  }
0x5: {  	_ = 	snop  }
0x6: {  	_ = 	snop  }
0x7: {  	_ = 	snop  }
__scs_overlays_trampoline_lowered:
0x8: {  	[smem:$0x3FA6] =	sst s0  }
0x9: {  	[smem:$0x3FA7] =	sst s1  }
0xa: {  	[smem:$0x3FA8] =	sst s2  }
0xb: {  	[smem:$0x3FA9] =	sst s3  }
0xc: {  	[smem:$0x3FAA] =	sst s4  }
0xd: {  	[smem:$0x3FAB] =	sst s5  }
0xe: {  	[smem:$0x3FAC] =	sst s6  }
0xf: {  	[smem:$0x3FAD] =	sst s7  }
0x10: {  	[smem:$0x3FAE] =	sst s8  }
0x11: {  	[smem:$0x3FAF] =	sst s9;
	s0 =	simm.s32 @!p0 $0x0  }
0x12: {  	s1 =	sld [smem:$0x3F95];
	s0 =	simm.s32 @p0 $0x1  }
0x13: {  	[smem:$0x3FB0] =	sst s0;
	s0 =	simm.s32 @!p1 $0x0  }
0x14: {  	s2 =	sld [smem:$0x3F94];
	s0 =	simm.s32 @p1 $0x1  }
0x15: {  	[smem:$0x3FB1] =	sst s0;
	s0 =	simm.s32 @!p2 $0x0  }
0x16: {  	s3 =	sld [smem:$0x3FDB];
	s0 =	simm.s32 @p2 $0x1  }
0x17: {  	s4 =	simm.s32 $0x1BF5;
	[smem:$0x3FB3] =	sst s0  }
0x18: {  	s0 =	sld [smem:$0x3F96];
	_ =	swait.ge [sflag:s4], $0x0  }
0x19: {  	s7 =	sld [smem:$0x3F97]  }
0x1a: {  	s8 =	sadd.s32 $0xFFFFE003, lr  }
0x1b: {  	s9 =	sadd.s32 $0xFFFFFEF7, lr;
	s5 =	simm.s32 $0xFFFFFFFF;
	p2 =	slt.u32 s8, $0xFFFFF086  }
0x1c: {  	p1 =	slt.u32 s9, $0xF7A;
	s5 =	simm.s32 @!p2 $0x0  }
0x1d: {  	s5 =	simm.s32 @p1 $0x1;
	p0 =	seq.s32 s7, s2  }
0x1e: {  	s7 =	smul.u32 @!p0 $0xF7A, s2;
	p2 =	seq.s32 @!p0 s5, $0x0  }
0x1f: {  	s9 =	smul.u32 $0xF7A, s1;
	s8 =	simm.s32 @!p0 $0x1BF5;
	p2 =	por !p2, p0  }
0x20: {  	[sflag:s8] =	ssyncset.s32 @!p0 $0xFFFFF086;
	s6 =	sadd.s32 @!p0 s3, s7;
	s7 =	simm.s32 @!p0 $0x108  }
0x21: {  	s3 =	sadd.s32 s3, s9;
	s6 =	sadd.s32 @!p0 $0x88, s6;
	s7 =	simm.s32 @p2 $0x1082  }
0x22: {  	[simem:s7], [sflag:s8] =	dma.local @!p0 [hbm:s6], $0xF7A  }
0x23: {  	s9 =	sor.u32 $0xD0000000, s2;
	s6 =	simm.s32 $0x108;
	_ =	swait.ge @!p0 [sflag:s8], $0x0  }
0x24: {  	s3 =	sadd.s32 $0x88, s3;
	s6 =	simm.s32 @!p1 $0x1082;
	[sflag:s4] =	ssyncset.s32 $0xFFFFF086  }
0x25: {  	[simem:s6], [sflag:s4] =	dma.local [hbm:s3], $0xF7A  }
0x26: {  	[smem:$0x3F97] =	sst s1;
	(tag) =	ssettag s2;
	_ =	strace s9  }
0x27: {  	s1 =	sld [smem:$0x3FA7]  }
0x28: {  	s2 =	sld [smem:$0x3FA8]  }
0x29: {  	s4 =	sld [smem:$0x3FAA]  }
0x2a: {  	p0 =	seq.s32 s5, $0x0;
	s5 =	sld [smem:$0x3FAB]  }
0x2b: {  	s6 =	sld [smem:$0x3FAC]  }
0x2c: {  	s7 =	sld [smem:$0x3FAD]  }
0x2d: {  	s3 =	simm.s32 $0x108;
	s8 =	sld [smem:$0x3FAE]  }
0x2e: {  	s3 =	simm.s32 @!p0 $0x1082;
	s9 =	sld [smem:$0x3FAF]  }
0x2f: {  	lr =	sadd.s32 s0, s3;
	s0 =	sld [smem:$0x3FA6]  }
0x30: {  	s3 =	sld [smem:$0x3FA9]  }
0x31: {  	[smem:$0x3FB2] =	sst s10  }
0x32: {  	s10 =	sld [smem:$0x3FB0];
	_ =	sdelay $0x3  }
0x33: {  	p0 =	seq.s32 s10, $0x1;
	s10 =	sld [smem:$0x3FB2];
	_ =	sdelay $0x3  }
0x34: {  	[smem:$0x3FB2] =	sst s10  }
0x35: {  	s10 =	sld [smem:$0x3FB1];
	_ =	sdelay $0x3  }
0x36: {  	p1 =	seq.s32 s10, $0x1;
	s10 =	sld [smem:$0x3FB2];
	_ =	sdelay $0x3  }
0x37: {  	[smem:$0x3FB2] =	sst s10  }
0x38: {  	s10 =	sld [smem:$0x3FB3]  }
0x39: {  	_ = 	snop;
	(pc) =	sbr.ind lr, $3  }
0x3a: {  	_ = 	snop  }
0x3b: {  	_ = 	snop  }
0x3c: {  	p2 =	seq.s32 s10, $0x1;
	s10 =	sld [smem:$0x3FB2]  }
0x3d: {  	_ =	shalt  }
0x3e: {  	_ =	shalt  }
0x3f: {  	_ =	shalt  }
0x40: {  	_ =	shalt  }
0x41: {  	_ =	shalt  }
0x42: {  	_ =	shalt  }
0x43: {  	_ =	shalt  }
0x44: {  	_ =	shalt  }
0x45: {  	_ =	shalt  }
0x46: {  	_ =	shalt  }
0x47: {  	_ =	shalt  }
0x48: {  	_ =	shalt  }
0x49: {  	_ =	shalt  }
0x4a: {  	_ =	shalt  }
0x4b: {  	_ =	shalt  }
0x4c: {  	_ =	shalt  }
0x4d: {  	_ =	shalt  }
0x4e: {  	_ =	shalt  }
0x4f: {  	_ =	shalt  }
0x50: {  	_ =	shalt  }
0x51: {  	_ =	shalt  }
0x52: {  	_ =	shalt  }
0x53: {  	_ =	shalt  }
0x54: {  	_ =	shalt  }
0x55: {  	_ =	shalt  }
0x56: {  	_ =	shalt  }
0x57: {  	_ =	shalt  }
0x58: {  	_ =	shalt  }
0x59: {  	_ =	shalt  }
0x5a: {  	_ =	shalt  }
0x5b: {  	_ =	shalt  }
0x5c: {  	_ =	shalt  }
0x5d: {  	_ =	shalt  }
0x5e: {  	_ =	shalt  }
0x5f: {  	_ =	shalt  }
0x60: {  	_ =	shalt  }
0x61: {  	_ =	shalt  }
0x62: {  	_ =	shalt  }
0x63: {  	_ =	shalt  }
0x64: {  	_ =	shalt  }
0x65: {  	_ =	shalt  }
0x66: {  	_ =	shalt  }
0x67: {  	_ =	shalt  }
0x68: {  	_ =	shalt  }
0x69: {  	_ =	shalt  }
0x6a: {  	_ =	shalt  }
0x6b: {  	_ =	shalt  }
0x6c: {  	_ =	shalt  }
0x6d: {  	_ =	shalt  }
0x6e: {  	_ =	shalt  }
0x6f: {  	_ =	shalt  }
0x70: {  	_ =	shalt  }
0x71: {  	_ =	shalt  }
0x72: {  	_ =	shalt  }
0x73: {  	_ =	shalt  }
0x74: {  	_ =	shalt  }
0x75: {  	_ =	shalt  }
0x76: {  	_ =	shalt  }
0x77: {  	_ =	shalt  }
0x78: {  	_ =	shalt  }
0x79: {  	_ =	shalt  }
0x7a: {  	_ =	shalt  }
0x7b: {  	_ =	shalt  }
0x7c: {  	_ =	shalt  }
0x7d: {  	_ =	shalt  }
0x7e: {  	_ =	shalt  }
0x7f: {  	_ =	shalt  }
0x80: {  	_ =	shalt  }
0x81: {  	_ =	shalt  }
0x82: {  	_ =	shalt  }
0x83: {  	_ =	shalt  }
0x84: {  	_ =	shalt  }
0x85: {  	_ =	shalt  }
0x86: {  	_ =	shalt  }
0x87: {  	_ =	shalt  }
.Lfunc_end0:
.L_simem_size_0:
called_computation.4_lowered:
.L_overlay_start_0:
0x88: {  	s2 =	sld [smem:$0x3FD9]  }
0x89: {  	s3 =	sld [smem:$0x3FFE];
	_ =	sdelay $0x1  }
0x8a: {  	s1 =	srdreg.scid  }
0x8b: {  	s0 =	sand.u32 $0x1, s1  }
0x8c: {  	s16 =	sshll.u32 s0, $0xA;
	s2 =	sadd.s32 s3, s2  }
0x8d: {  	s2 =	sadd.s32 s2, s16  }
0x8e: {  	[smem:$0x3FBE] =	sst s2  }
0x8f: {  	_ = 	snop  }
0x90: {  	(tm) =	ssettm $0x1  }
0x91: {  	s17 =	sld [smem:$0x3FFB];
	_ =	sdelay $0x3  }
0x92: {  	_ =	strace s17  }
0x93: {  	s2 =	sld [smem:$0x3FFC];
	_ =	sdelay $0x3  }
0x94: {  	_ =	strace s2  }
0x95: {  	s2 =	sld [smem:$0x3FFD];
	_ =	sdelay $0x3  }
0x96: {  	_ =	strace s2  }
0x97: {  	_ =	strace $0x8FFFFFFF  }
0x98: {  	s18 =	sld [smem:$0x3FDB];
	_ =	sdelay $0x1  }
0x99: {  	s19 =	simm.s32 $_scs_section_size  }
0x9a: {  	s4 =	simm.s32 $_size__tile_overlayer_lowered;
	s5 =	simm.s32 $_tile_overlayer_lowered  }
0x9b: {  	s22 =	simm.s32 $0x1BFF;
	s21 =	sshll.u32 s5, $0x1;
	s2 =	sadd.s32 s19, s18  }
0x9c: {  	s6 =	simm.s32 $0x0;
	s20 =	sshll.u32 s4, $0x1;
	s4 =	sadd.s32 s21, s2  }
0x9d: {  	[timem:s6], [sflag:s22] =	dma.local [hbm:s4], s20  }
0x9e: {  	_ =	swait.ge [sflag:s22], s20  }
0x9f: {  	s3 =	ssub.s32 $0x0, s20;
	[sflag:s22] =	ssyncset.done $0x0  }
0xa0: {  	[sflag:s22] =	ssyncadd.s32 s3;
	_ =	sdelay $0x1  }
0xa1: {  	s23 =	simm.s32 $0x1B8B  }
0xa2: {  	_ =	swait.ge [sflag:s23], $0x1  }
0xa3: {  	[sflag:s23] =	ssyncset.done $0x0  }
0xa4: {  	s25 =	simm.s32 $0x1B8E;
	s24 =	sld [smem:$0x3FFE];
	[sflag:s23] =	ssyncadd.s32 $0xFFFFFFFF  }
0xa5: {  	s26 =	simm.s32 $execute0_lowered;
	[smem:$0x3FD2] =	sst s25  }
0xa6: {  	s4 =	sshll.u32 s26, $0x1;
	_ =	strace $0x80000052;
	[dreg:$0x1] =	wrdreg $0xFFFFFFFF  }
0xa7: {  	s28 =	simm.s32 $_size_execute0_lowered;
	s2 =	sadd.s32 s2, s4;
	[dreg:$0x0] =	wrdreg $0x0  }
0xa8: {  	s4 =	sshll.u32 s28, $0x1;
	[dreg:$0x2] =	wrdreg s2  }
0xa9: {  	[dreg:$0x3] =	wrdreg s4  }
0xaa: {  	[dreg:$0x4] =	wrdreg $0xC0  }
0xab: {  	_ =	task [dreg:s6], $0x5FFFF  }
0xac: {  	[dreg:$0x1] =	wrdreg $0xFFFFFFFF  }
0xad: {  	[dreg:$0x0] =	wrdreg $0x60  }
0xae: {  	[dreg:$0x2] =	wrdreg s24  }
0xaf: {  	[dreg:$0x3] =	wrdreg $0x50000  }
0xb0: {  	[dreg:$0x4] =	wrdreg $0x9  }
0xb1: {  	_ =	task.clear_ibuf [dreg:s6], $0x5FFFF;
	_ =	strace $0x90000052  }
0xb2: {  	s29 =	simm.s32 $0x9;
	_ =	strace $0x80000054  }
0xb3: {  	_ =	swait.ge [sflag:s29], $0x1  }
0xb4: {  	[sflag:s29] =	ssyncadd.s32 $0xFFFFFFFF  }
0xb5: {  	_ =	strace $0x90000054  }
0xb6: {  	_ =	sfence  }
0xb7: {  	s30 =	sld [smem:$0x0];
	_ =	sdelay $0x2  }
0xb8: {  	s31 =	sshll.u32 s1, $0xD;
	s1 =	sshrl.u32 s1, $0x2  }
0xb9: {  	s3 =	sand.u32 $0x4000, s31;
	s1 =	sadd.s32 s1, s30  }
0xba: {  	s0 =	sor.u32 s3, s0;
	s1 =	sshll.u32 s1, $0x11  }
0xbb: {  	s0 =	sor.u32 s1, s0  }
0xbc: {  	s0 =	sadd.s32 $0x8F2B, s0  }
0xbd: {  	[sflag:s0] =	ssyncadd.remote.s32 $0x1  }
0xbe: {  	_ =	sfence.sel $0xFFFF  }
0xbf: {  	[dreg:$0x0] =	wrdreg $0xFFFFFFFF;
	(pc) =	sbr.abs _section_cstart, $3  }
0xc0: {  	[dreg:$0x1] =	wrdreg $0xFFFFFFFF  }
0xc1: {  	_ =	task.clear_ibuf [dreg:s6], $0x2FFFF;
	_ =	strace $0x9FFFFFFF  }
0xc2: {  	(tm) =	ssettm $0x7FFFFFFF  }
0xc3: {  	_ =	shalt  }
tec
execute0_lowered:
.L_overlay_start_1:
0x0: {  	(tag) =	ssettag $0x1  }
0x1: {  	s1 =	srdreg.scid;
	s8 =	rddreg [dreg:$0x0]  }
0x2: {  	s0 =	stileid.u32;
	s2 =	rddreg [dreg:$0x1];
	s3 =	simm.s32 $0x0  }
0x3: {  	s17 =	simm.s32 $0x7D;
	s18 =	simm.s32 $0x18880;
	s19 =	simm.s32 $0x0  }
0x4: {  	s5 =	sand.u32 $0x1, s1;
	s1 =	rddreg [dreg:$0x2];
	s9 =	smul.u32 $0x13800, s0  }
0x5: {  	s30 =	sshll.u32 s0, $0x1;
	[smem:$0x7FF] =	sst s3;
	s12 =	smul.u32 $0x4E000, s0  }
0x6: {  	s13 =	sadd.s32 $0x65000, s8;
	s16 =	sadd.s32 $0x138000, s2;
	p0 =	sne.s32 s0, $0xF  }
0x7: {  	s14 =	sshll.u32 s0, $0x6;
	s4 =	sor.u32 s5, s30;
	_ =	strace $0x80000053  }
0x8: {  	s10 =	ssub.s32 $0x2, s5;
	s31 =	smul.u32 $0x138800, s5;
	s14 =	sor.u32 $0x1C01, s14  }
0x9: {  	s16 =	sshrl.u32 @!p0 s16, $0x3;
	s6 =	smul.u32 $0x500, s4;
	s4 =	sadd.s32 $0x16C00, s8  }
0xa: {  	s7 =	sshrl.u32 s9, $0x3;
	s11 =	sshrl.u32 s10, $0x1;
	s12 =	sshrl.u32 s12, $0x2  }
0xb: {  	s7 =	sadd.s32 s7, s8;
	s11 =	ssub.s32 s10, s11;
	s15 =	sadd.s32 s12, s2  }
0xc: {  	s9 =	sadd.s32 s9, s31;
	s10 =	sshrl.u32 s31, $0x3;
	s12 =	simm.s32 $0x1  }
0xd: {  	s6 =	sadd.s32 s6, s8;
	s7 =	sadd.s32 $0x3DE00, s7;
	s9 =	sshrl.u32 s9, $0x3  }
0xe: {  	s8 =	sadd.s32 $0x64E00, s8;
	s10 =	sadd.s32 s13, s10;
	s11 =	smax.u32 s11, $0x1  }
0xf: {  	s15 =	sshrl.u32 s15, $0x3;
	s5 =	sadd.s32 $0xCC00, s6;
	s6 =	sadd.s32 $0x2C00, s6  }
0x10: {  	s9 =	sadd.s32 s13, s9;
	s10 =	sadd.s32 $0x27000, s10;
	s13 =	simm.s32 $0x2800  }
.LBB2_1:
0x11: {  	[tilespmem:s3], [sflag:$0x1] =	stream.linear.gather [hbm4b:s5+s3], $0x2800, $0x38;
	[tilespmem:$0x1C700] =	vst v63  }
0x12: {  	_ =	swait.ge [sflag:s12], $0x2800  }
0x13: {  	[sflag:s12] =	ssyncset.done $0x0  }
0x14: {  	[sflag:s12] =	ssyncadd.s32 $0xFFFFD800  }
0x15: {  	[tilespmem:s13], [sflag:$0x1] =	stream.linear.gather [hbm4b:s6+s3], $0x2800, $0x38;
	[tilespmem:$0x1C700] =	vst v63  }
0x16: {  	_ =	swait.ge [sflag:s12], $0x2800  }
0x17: {  	[sflag:s12] =	ssyncset.done $0x0  }
0x18: {  	[sflag:s12] =	ssyncadd.s32 $0xFFFFD800  }
0x19: {  	[spmem:s15], [sflag:s14] =	dma.local [hbm:s7], $0x2700  }
0x1a: {  	_ =	swait.ge [sflag:s12], $0x2700  }
0x1b: {  	[sflag:s12] =	ssyncset.done $0x0  }
0x1c: {  	s20 =	simm.s32 @!p0 $0x1;
	[sflag:s12] =	ssyncadd.s32 $0xFFFFD900  }
0x1d: {  	[spmem:s16], [sflag:s14] =	dma.local @!p0 [hbm:s8], $0x100  }
0x1e: {  	_ =	swait.ge @!p0 [sflag:s20], $0x100  }
0x1f: {  	[sflag:s20] =	ssyncset.done @!p0 $0x0  }
0x20: {  	[sflag:s20] =	ssyncadd.s32 @!p0 $0xFFFFFF00  }
0x21: {  	s21 =	simm.s32 $0x0;
	[bflag:$0x0] =	sbarrier.arrive $0xFFFF  }
0x22: {  	[tilespmem:s18], [sflag:$0x1] =	stream.indirect.gather [hbm4b:s4+s17], $0x80, s21, s17, $0xb8;
	[tilespmem:$0x1C700] =	vst v63  }
0x23: {  	_ =	swait.ge [sflag:s12], $0x3E80  }
0x24: {  	[sflag:s12] =	ssyncset.done $0x0  }
0x25: {  	s22 =	simm.s32 $0x2800;
	[sflag:s12] =	ssyncadd.s32 $0xFFFFC180  }
0x26: {  	[spmem:s2] =	stream.indirect.scatter.add.f32 [tilespmem:s18], [sflag:$0x1], $0x80, s22, s17, $0xb8;
	[tilespmem:$0x1C700] =	vst v63  }
0x27: {  	_ =	swait.ge [sflag:s12], $0x3E80  }
0x28: {  	[sflag:s12] =	ssyncset.done $0x0  }
0x29: {  	s23 =	simm.s32 $0x80;
	[sflag:s12] =	ssyncadd.s32 $0xFFFFC180  }
0x2a: {  	[tilespmem:s18], [sflag:$0x1] =	stream.indirect.gather [hbm4b:s4+s17], $0x80, s23, s17, $0xb8;
	[tilespmem:$0x1C700] =	vst v63  }
0x2b: {  	_ =	swait.ge [sflag:s12], $0x3E80  }
0x2c: {  	[sflag:s12] =	ssyncset.done $0x0  }
0x2d: {  	s24 =	simm.s32 $0x2880;
	[sflag:s12] =	ssyncadd.s32 $0xFFFFC180  }
0x2e: {  	[spmem:s2] =	stream.indirect.scatter.add.f32 [tilespmem:s18], [sflag:$0x1], $0x80, s24, s17, $0xb8;
	[tilespmem:$0x1C700] =	vst v63  }
0x2f: {  	_ =	swait.ge [sflag:s12], $0x3E80  }
0x30: {  	[sflag:s12] =	ssyncset.done $0x0  }
0x31: {  	s25 =	simm.s32 $0x100;
	[sflag:s12] =	ssyncadd.s32 $0xFFFFC180  }
0x32: {  	[tilespmem:s18], [sflag:$0x1] =	stream.indirect.gather [hbm4b:s4+s17], $0x80, s25, s17, $0xb8;
	[tilespmem:$0x1C700] =	vst v63  }
0x33: {  	_ =	swait.ge [sflag:s12], $0x3E80  }
0x34: {  	[sflag:s12] =	ssyncset.done $0x0  }
0x35: {  	s26 =	simm.s32 $0x2900;
	[sflag:s12] =	ssyncadd.s32 $0xFFFFC180  }
0x36: {  	[spmem:s2] =	stream.indirect.scatter.add.f32 [tilespmem:s18], [sflag:$0x1], $0x80, s26, s17, $0xb8;
	[tilespmem:$0x1C700] =	vst v63  }
0x37: {  	_ =	swait.ge [sflag:s12], $0x3E80  }
0x38: {  	[sflag:s12] =	ssyncset.done $0x0  }
0x39: {  	s28 =	simm.s32 $0x180;
	[sflag:s12] =	ssyncadd.s32 $0xFFFFC180  }
0x3a: {  	[tilespmem:s18], [sflag:$0x1] =	stream.indirect.gather [hbm4b:s4+s17], $0x80, s28, s17, $0xb8;
	[tilespmem:$0x1C700] =	vst v63  }
0x3b: {  	_ =	swait.ge [sflag:s12], $0x3E80  }
0x3c: {  	[sflag:s12] =	ssyncset.done $0x0  }
0x3d: {  	s29 =	simm.s32 $0x2980;
	[sflag:s12] =	ssyncadd.s32 $0xFFFFC180  }
0x3e: {  	[spmem:s2] =	stream.indirect.scatter.add.f32 [tilespmem:s18], [sflag:$0x1], $0x80, s29, s17, $0xb8;
	[tilespmem:$0x1C700] =	vst v63  }
0x3f: {  	_ =	swait.ge [sflag:s12], $0x3E80  }
0x40: {  	[sflag:s12] =	ssyncset.done $0x0  }
0x41: {  	s30 =	simm.s32 $0x200;
	[sflag:s12] =	ssyncadd.s32 $0xFFFFC180  }
0x42: {  	[tilespmem:s18], [sflag:$0x1] =	stream.indirect.gather [hbm4b:s4+s17], $0x80, s30, s17, $0xb8;
	[tilespmem:$0x1C700] =	vst v63  }
0x43: {  	_ =	swait.ge [sflag:s12], $0x3E80  }
0x44: {  	[sflag:s12] =	ssyncset.done $0x0  }
0x45: {  	s31 =	simm.s32 $0x2A00;
	[sflag:s12] =	ssyncadd.s32 $0xFFFFC180  }
0x46: {  	[spmem:s2] =	stream.indirect.scatter.add.f32 [tilespmem:s18], [sflag:$0x1], $0x80, s31, s17, $0xb8;
	[tilespmem:$0x1C700] =	vst v63  }
0x47: {  	_ =	swait.ge [sflag:s12], $0x3E80  }
0x48: {  	s20 =	simm.s32 $0x0;
	s21 =	simm.s32 $0xA00;
	[sflag:s12] =	ssyncset.done $0x0  }
.LBB2_2:
0x49: {  	s22 =	sshra.s32 s21, $0x2;
	[sflag:s12] =	ssyncadd.s32 $0xFFFFC180  }
0x4a: {  	[tilespmem:s18], [sflag:$0x1] =	stream.indirect.gather [hbm4b:s4+s17], $0x80, s22, s17, $0xb8;
	[tilespmem:$0x1C700] =	vst v63  }
0x4b: {  	_ =	swait.ge [sflag:s12], $0x3E80  }
0x4c: {  	[sflag:s12] =	ssyncset.done $0x0  }
0x4d: {  	s23 =	sadd.s32 $0x2800, s22;
	[sflag:s12] =	ssyncadd.s32 $0xFFFFC180  }
0x4e: {  	[spmem:s2] =	stream.indirect.scatter.add.f32 [tilespmem:s18], [sflag:$0x1], $0x80, s23, s17, $0xb8;
	[tilespmem:$0x1C700] =	vst v63  }
0x4f: {  	_ =	swait.ge [sflag:s12], $0x3E80  }
0x50: {  	[sflag:s12] =	ssyncset.done $0x0  }
0x51: {  	s23 =	sadd.s32 $0x80, s22;
	[sflag:s12] =	ssyncadd.s32 $0xFFFFC180  }
0x52: {  	[tilespmem:s18], [sflag:$0x1] =	stream.indirect.gather [hbm4b:s4+s17], $0x80, s23, s17, $0xb8;
	[tilespmem:$0x1C700] =	vst v63  }
0x53: {  	_ =	swait.ge [sflag:s12], $0x3E80  }
0x54: {  	[sflag:s12] =	ssyncset.done $0x0  }
0x55: {  	s23 =	sadd.s32 $0x2880, s22;
	[sflag:s12] =	ssyncadd.s32 $0xFFFFC180  }
0x56: {  	[spmem:s2] =	stream.indirect.scatter.add.f32 [tilespmem:s18], [sflag:$0x1], $0x80, s23, s17, $0xb8;
	[tilespmem:$0x1C700] =	vst v63  }
0x57: {  	_ =	swait.ge [sflag:s12], $0x3E80  }
0x58: {  	[sflag:s12] =	ssyncset.done $0x0  }
0x59: {  	s23 =	sadd.s32 $0x100, s22;
	[sflag:s12] =	ssyncadd.s32 $0xFFFFC180  }
0x5a: {  	[tilespmem:s18], [sflag:$0x1] =	stream.indirect.gather [hbm4b:s4+s17], $0x80, s23, s17, $0xb8;
	[tilespmem:$0x1C700] =	vst v63  }
0x5b: {  	_ =	swait.ge [sflag:s12], $0x3E80  }
0x5c: {  	s20 =	sadd.s32 $0x5, s20;
	[sflag:s12] =	ssyncset.done $0x0  }
0x5d: {  	p1 =	slt.u32 s20, $0x4B;
	s23 =	sadd.s32 $0x2900, s22;
	[sflag:s12] =	ssyncadd.s32 $0xFFFFC180  }
0x5e: {  	[spmem:s2] =	stream.indirect.scatter.add.f32 [tilespmem:s18], [sflag:$0x1], $0x80, s23, s17, $0xb8;
	[tilespmem:$0x1C700] =	vst v63  }
0x5f: {  	_ =	swait.ge [sflag:s12], $0x3E80  }
0x60: {  	[sflag:s12] =	ssyncset.done $0x0  }
0x61: {  	s23 =	sadd.s32 $0x180, s22;
	[sflag:s12] =	ssyncadd.s32 $0xFFFFC180  }
0x62: {  	[tilespmem:s18], [sflag:$0x1] =	stream.indirect.gather [hbm4b:s4+s17], $0x80, s23, s17, $0xb8;
	[tilespmem:$0x1C700] =	vst v63  }
0x63: {  	_ =	swait.ge [sflag:s12], $0x3E80  }
0x64: {  	[sflag:s12] =	ssyncset.done $0x0  }
0x65: {  	s23 =	sadd.s32 $0x2980, s22;
	[sflag:s12] =	ssyncadd.s32 $0xFFFFC180  }
0x66: {  	[spmem:s2] =	stream.indirect.scatter.add.f32 [tilespmem:s18], [sflag:$0x1], $0x80, s23, s17, $0xb8;
	[tilespmem:$0x1C700] =	vst v63  }
0x67: {  	_ =	swait.ge [sflag:s12], $0x3E80  }
0x68: {  	[sflag:s12] =	ssyncset.done $0x0  }
0x69: {  	s23 =	sadd.s32 $0x200, s22;
	[sflag:s12] =	ssyncadd.s32 $0xFFFFC180  }
0x6a: {  	[tilespmem:s18], [sflag:$0x1] =	stream.indirect.gather [hbm4b:s4+s17], $0x80, s23, s17, $0xb8;
	[tilespmem:$0x1C700] =	vst v63  }
0x6b: {  	_ =	swait.ge [sflag:s12], $0x3E80  }
.Ltmp0:
0x6c: {  	[sflag:s12] =	ssyncset.done $0x0;
	(pc) =	sbr.rel @p1 .LBB2_2-.Ltmp0, $4  }
0x6d: {  	s22 =	sadd.s32 $0x2A00, s22;
	[sflag:s12] =	ssyncadd.s32 $0xFFFFC180  }
0x6e: {  	[spmem:s2] =	stream.indirect.scatter.add.f32 [tilespmem:s18], [sflag:$0x1], $0x80, s22, s17, $0xb8;
	[tilespmem:$0x1C700] =	vst v63  }
0x6f: {  	_ =	swait.ge [sflag:s12], $0x3E80  }
0x70: {  	s21 =	sadd.s32 $0xA00, s21;
	[sflag:s12] =	ssyncset.done $0x0  }
0x71: {  	[sflag:s12] =	ssyncadd.s32 $0xFFFFC180  }
0x72: {  	[bflag:$0x0] =	sbarrier.arrive $0xFFFF  }
0x73: {  	[hbm:s9], [sflag:s14] =	dma.local [spmem:s15], $0x2700  }
0x74: {  	s19 =	sadd.s32 $0x1, s19;
	_ =	swait.ge [sflag:s12], $0x2700  }
0x75: {  	p1 =	sne.s32 s19, s11;
	[sflag:s12] =	ssyncset.done $0x0  }
.Ltmp1:
0x76: {  	s20 =	simm.s32 @!p0 $0x1;
	[sflag:s12] =	ssyncadd.s32 $0xFFFFD900;
	(pc) =	sbr.rel @p1 .LBB2_1-.Ltmp1, $4  }
0x77: {  	[hbm:s10], [sflag:s14] =	dma.local @!p0 [spmem:s16], $0x100  }
0x78: {  	_ =	swait.ge @!p0 [sflag:s20], $0x100  }
0x79: {  	[sflag:s20] =	ssyncset.done @!p0 $0x0  }
0x7a: {  	[sflag:s20] =	ssyncadd.s32 @!p0 $0xFFFFFF00  }
0x7b: {  	_ =	sfence.sel $0x180000  }
0x7c: {  	[bflag:$0x0] =	sbarrier.arrive $0xFFFF  }
0x7d: {  	p0 =	sne.s32 s0, $0x0;
	_ =	strace $0x90000053  }
0x7e: {  	s0 =	sadd.s32 @!p0 $0x100000, s1;
	[bflag:$0x2] =	sbarrier.arrive $0xFFFF  }
0x7f: {  	[sflag:s0] =	ssyncadd.tile.s32 @!p0 $0x1;
	_ =	shalt  }
.Lfunc_end2:
_tile_overlayer_lowered:
.L_overlay_start_2:
0x80: {  	(tag) =	ssettag $0x2  }
0x81: {  	s0 =	rddreg [dreg:$0x0];
	s2 =	stileid.u32  }
0x82: {  	s1 =	rddreg [dreg:$0x1];
	p0 =	sne.s32 s2, $0x0  }
0x83: {  	s3 =	rddreg [dreg:$0x2];
	[bflag:$0x3] =	sbarrier.arrive $0xFFFF;
	s2 =	simm.s32 @!p0 $0x1C01  }
0x84: {  	[timem:s3], [sflag:s2] =	dma.local @!p0 [hbm:s0], s1  }
0x85: {  	s0 =	simm.s32 @!p0 $0x1  }
0x86: {  	_ =	swait.ge @!p0 [sflag:s0], s1  }
0x87: {  	s1 =	ssub.s32 @!p0 $0x0, s1;
	[sflag:s0] =	ssyncset.done @!p0 $0x0  }
0x88: {  	[sflag:s0] =	ssyncadd.s32 @!p0 s1  }
0x89: {  	[bflag:$0x3] =	sbarrier.arrive $0xFFFF  }
0x8a: {  	_ =	shalt  }

// kernel: sc_edge_scatter.7.cloned.1.call-start
scs
__scs_entry_jumppad:
0x0: {  	(pc) =	sbr.rel $0x88, $3  }
0x1: {  	(tag) =	ssettag $0x0;
	lr =	simm.s32 $0x1  }
0x2: {  	[smem:$0x3F97] =	sst lr;
	_ =	strace $0xD0000000  }
0x3: {  	_ = 	snop  }
0x4: {  	_ = 	snop  }
0x5: {  	_ = 	snop  }
0x6: {  	_ = 	snop  }
0x7: {  	_ = 	snop  }
__scs_overlays_trampoline_lowered:
0x8: {  	[smem:$0x3FA6] =	sst s0  }
0x9: {  	[smem:$0x3FA7] =	sst s1  }
0xa: {  	[smem:$0x3FA8] =	sst s2  }
0xb: {  	[smem:$0x3FA9] =	sst s3  }
0xc: {  	[smem:$0x3FAA] =	sst s4  }
0xd: {  	[smem:$0x3FAB] =	sst s5  }
0xe: {  	[smem:$0x3FAC] =	sst s6  }
0xf: {  	[smem:$0x3FAD] =	sst s7  }
0x10: {  	[smem:$0x3FAE] =	sst s8  }
0x11: {  	[smem:$0x3FAF] =	sst s9;
	s0 =	simm.s32 @!p0 $0x0  }
0x12: {  	s1 =	sld [smem:$0x3F95];
	s0 =	simm.s32 @p0 $0x1  }
0x13: {  	[smem:$0x3FB0] =	sst s0;
	s0 =	simm.s32 @!p1 $0x0  }
0x14: {  	s2 =	sld [smem:$0x3F94];
	s0 =	simm.s32 @p1 $0x1  }
0x15: {  	[smem:$0x3FB1] =	sst s0;
	s0 =	simm.s32 @!p2 $0x0  }
0x16: {  	s3 =	sld [smem:$0x3FDB];
	s0 =	simm.s32 @p2 $0x1  }
0x17: {  	s4 =	simm.s32 $0x1BF5;
	[smem:$0x3FB3] =	sst s0  }
0x18: {  	s0 =	sld [smem:$0x3F96];
	_ =	swait.ge [sflag:s4], $0x0  }
0x19: {  	s7 =	sld [smem:$0x3F97]  }
0x1a: {  	s8 =	sadd.s32 $0xFFFFE003, lr  }
0x1b: {  	s9 =	sadd.s32 $0xFFFFFEF7, lr;
	s5 =	simm.s32 $0xFFFFFFFF;
	p2 =	slt.u32 s8, $0xFFFFF086  }
0x1c: {  	p1 =	slt.u32 s9, $0xF7A;
	s5 =	simm.s32 @!p2 $0x0  }
0x1d: {  	s5 =	simm.s32 @p1 $0x1;
	p0 =	seq.s32 s7, s2  }
0x1e: {  	s7 =	smul.u32 @!p0 $0xF7A, s2;
	p2 =	seq.s32 @!p0 s5, $0x0  }
0x1f: {  	s9 =	smul.u32 $0xF7A, s1;
	s8 =	simm.s32 @!p0 $0x1BF5;
	p2 =	por !p2, p0  }
0x20: {  	[sflag:s8] =	ssyncset.s32 @!p0 $0xFFFFF086;
	s6 =	sadd.s32 @!p0 s3, s7;
	s7 =	simm.s32 @!p0 $0x108  }
0x21: {  	s3 =	sadd.s32 s3, s9;
	s6 =	sadd.s32 @!p0 $0x88, s6;
	s7 =	simm.s32 @p2 $0x1082  }
0x22: {  	[simem:s7], [sflag:s8] =	dma.local @!p0 [hbm:s6], $0xF7A  }
0x23: {  	s9 =	sor.u32 $0xD0000000, s2;
	s6 =	simm.s32 $0x108;
	_ =	swait.ge @!p0 [sflag:s8], $0x0  }
0x24: {  	s3 =	sadd.s32 $0x88, s3;
	s6 =	simm.s32 @!p1 $0x1082;
	[sflag:s4] =	ssyncset.s32 $0xFFFFF086  }
0x25: {  	[simem:s6], [sflag:s4] =	dma.local [hbm:s3], $0xF7A  }
0x26: {  	[smem:$0x3F97] =	sst s1;
	(tag) =	ssettag s2;
	_ =	strace s9  }
0x27: {  	s1 =	sld [smem:$0x3FA7]  }
0x28: {  	s2 =	sld [smem:$0x3FA8]  }
0x29: {  	s4 =	sld [smem:$0x3FAA]  }
0x2a: {  	p0 =	seq.s32 s5, $0x0;
	s5 =	sld [smem:$0x3FAB]  }
0x2b: {  	s6 =	sld [smem:$0x3FAC]  }
0x2c: {  	s7 =	sld [smem:$0x3FAD]  }
0x2d: {  	s3 =	simm.s32 $0x108;
	s8 =	sld [smem:$0x3FAE]  }
0x2e: {  	s3 =	simm.s32 @!p0 $0x1082;
	s9 =	sld [smem:$0x3FAF]  }
0x2f: {  	lr =	sadd.s32 s0, s3;
	s0 =	sld [smem:$0x3FA6]  }
0x30: {  	s3 =	sld [smem:$0x3FA9]  }
0x31: {  	[smem:$0x3FB2] =	sst s10  }
0x32: {  	s10 =	sld [smem:$0x3FB0];
	_ =	sdelay $0x3  }
0x33: {  	p0 =	seq.s32 s10, $0x1;
	s10 =	sld [smem:$0x3FB2];
	_ =	sdelay $0x3  }
0x34: {  	[smem:$0x3FB2] =	sst s10  }
0x35: {  	s10 =	sld [smem:$0x3FB1];
	_ =	sdelay $0x3  }
0x36: {  	p1 =	seq.s32 s10, $0x1;
	s10 =	sld [smem:$0x3FB2];
	_ =	sdelay $0x3  }
0x37: {  	[smem:$0x3FB2] =	sst s10  }
0x38: {  	s10 =	sld [smem:$0x3FB3]  }
0x39: {  	_ = 	snop;
	(pc) =	sbr.ind lr, $3  }
0x3a: {  	_ = 	snop  }
0x3b: {  	_ = 	snop  }
0x3c: {  	p2 =	seq.s32 s10, $0x1;
	s10 =	sld [smem:$0x3FB2]  }
0x3d: {  	_ =	shalt  }
0x3e: {  	_ =	shalt  }
0x3f: {  	_ =	shalt  }
0x40: {  	_ =	shalt  }
0x41: {  	_ =	shalt  }
0x42: {  	_ =	shalt  }
0x43: {  	_ =	shalt  }
0x44: {  	_ =	shalt  }
0x45: {  	_ =	shalt  }
0x46: {  	_ =	shalt  }
0x47: {  	_ =	shalt  }
0x48: {  	_ =	shalt  }
0x49: {  	_ =	shalt  }
0x4a: {  	_ =	shalt  }
0x4b: {  	_ =	shalt  }
0x4c: {  	_ =	shalt  }
0x4d: {  	_ =	shalt  }
0x4e: {  	_ =	shalt  }
0x4f: {  	_ =	shalt  }
0x50: {  	_ =	shalt  }
0x51: {  	_ =	shalt  }
0x52: {  	_ =	shalt  }
0x53: {  	_ =	shalt  }
0x54: {  	_ =	shalt  }
0x55: {  	_ =	shalt  }
0x56: {  	_ =	shalt  }
0x57: {  	_ =	shalt  }
0x58: {  	_ =	shalt  }
0x59: {  	_ =	shalt  }
0x5a: {  	_ =	shalt  }
0x5b: {  	_ =	shalt  }
0x5c: {  	_ =	shalt  }
0x5d: {  	_ =	shalt  }
0x5e: {  	_ =	shalt  }
0x5f: {  	_ =	shalt  }
0x60: {  	_ =	shalt  }
0x61: {  	_ =	shalt  }
0x62: {  	_ =	shalt  }
0x63: {  	_ =	shalt  }
0x64: {  	_ =	shalt  }
0x65: {  	_ =	shalt  }
0x66: {  	_ =	shalt  }
0x67: {  	_ =	shalt  }
0x68: {  	_ =	shalt  }
0x69: {  	_ =	shalt  }
0x6a: {  	_ =	shalt  }
0x6b: {  	_ =	shalt  }
0x6c: {  	_ =	shalt  }
0x6d: {  	_ =	shalt  }
0x6e: {  	_ =	shalt  }
0x6f: {  	_ =	shalt  }
0x70: {  	_ =	shalt  }
0x71: {  	_ =	shalt  }
0x72: {  	_ =	shalt  }
0x73: {  	_ =	shalt  }
0x74: {  	_ =	shalt  }
0x75: {  	_ =	shalt  }
0x76: {  	_ =	shalt  }
0x77: {  	_ =	shalt  }
0x78: {  	_ =	shalt  }
0x79: {  	_ =	shalt  }
0x7a: {  	_ =	shalt  }
0x7b: {  	_ =	shalt  }
0x7c: {  	_ =	shalt  }
0x7d: {  	_ =	shalt  }
0x7e: {  	_ =	shalt  }
0x7f: {  	_ =	shalt  }
0x80: {  	_ =	shalt  }
0x81: {  	_ =	shalt  }
0x82: {  	_ =	shalt  }
0x83: {  	_ =	shalt  }
0x84: {  	_ =	shalt  }
0x85: {  	_ =	shalt  }
0x86: {  	_ =	shalt  }
0x87: {  	_ =	shalt  }
.Lfunc_end0:
.L_simem_size_0:
called_computation_lowered:
.L_overlay_start_0:
0x88: {  	s2 =	sld [smem:$0x3FD9]  }
0x89: {  	s3 =	sld [smem:$0x3FFE];
	_ =	sdelay $0x1  }
0x8a: {  	s1 =	srdreg.scid  }
0x8b: {  	s0 =	sand.u32 $0x1, s1  }
0x8c: {  	s16 =	sshll.u32 s0, $0xA;
	s2 =	sadd.s32 s3, s2  }
0x8d: {  	s2 =	sadd.s32 s2, s16  }
0x8e: {  	[smem:$0x3FBE] =	sst s2  }
0x8f: {  	_ = 	snop  }
0x90: {  	(tm) =	ssettm $0x1  }
0x91: {  	s17 =	sld [smem:$0x3FFB];
	_ =	sdelay $0x3  }
0x92: {  	_ =	strace s17  }
0x93: {  	s2 =	sld [smem:$0x3FFC];
	_ =	sdelay $0x3  }
0x94: {  	_ =	strace s2  }
0x95: {  	s2 =	sld [smem:$0x3FFD];
	_ =	sdelay $0x3  }
0x96: {  	_ =	strace s2  }
0x97: {  	_ =	strace $0x8FFFFFFF  }
0x98: {  	s18 =	sld [smem:$0x3FDB];
	_ =	sdelay $0x1  }
0x99: {  	s19 =	simm.s32 $_scs_section_size  }
0x9a: {  	s4 =	simm.s32 $_size__tile_overlayer_lowered;
	s5 =	simm.s32 $_tile_overlayer_lowered  }
0x9b: {  	s22 =	simm.s32 $0x1BFF;
	s21 =	sshll.u32 s5, $0x1;
	s2 =	sadd.s32 s19, s18  }
0x9c: {  	s6 =	simm.s32 $0x0;
	s20 =	sshll.u32 s4, $0x1;
	s4 =	sadd.s32 s21, s2  }
0x9d: {  	[timem:s6], [sflag:s22] =	dma.local [hbm:s4], s20  }
0x9e: {  	_ =	swait.ge [sflag:s22], s20  }
0x9f: {  	s3 =	ssub.s32 $0x0, s20;
	[sflag:s22] =	ssyncset.done $0x0  }
0xa0: {  	[sflag:s22] =	ssyncadd.s32 s3;
	_ =	sdelay $0x1  }
0xa1: {  	s23 =	simm.s32 $0x1B8B  }
0xa2: {  	_ =	swait.ge [sflag:s23], $0x1  }
0xa3: {  	[sflag:s23] =	ssyncset.done $0x0  }
0xa4: {  	s25 =	simm.s32 $0x1B8E;
	s24 =	sld [smem:$0x3FFE];
	[sflag:s23] =	ssyncadd.s32 $0xFFFFFFFF  }
0xa5: {  	s26 =	simm.s32 $execute0_lowered;
	[smem:$0x3FD2] =	sst s25  }
0xa6: {  	s4 =	sshll.u32 s26, $0x1;
	_ =	strace $0x80000046;
	[dreg:$0x1] =	wrdreg $0xFFFFFFFF  }
0xa7: {  	s28 =	simm.s32 $_size_execute0_lowered;
	s2 =	sadd.s32 s2, s4;
	[dreg:$0x0] =	wrdreg $0x0  }
0xa8: {  	s4 =	sshll.u32 s28, $0x1;
	[dreg:$0x2] =	wrdreg s2  }
0xa9: {  	[dreg:$0x3] =	wrdreg s4  }
0xaa: {  	[dreg:$0x4] =	wrdreg $0xC0  }
0xab: {  	_ =	task [dreg:s6], $0x5FFFF  }
0xac: {  	[dreg:$0x1] =	wrdreg $0xFFFFFFFF  }
0xad: {  	[dreg:$0x0] =	wrdreg $0x60  }
0xae: {  	[dreg:$0x2] =	wrdreg s24  }
0xaf: {  	[dreg:$0x3] =	wrdreg $0x50000  }
0xb0: {  	[dreg:$0x4] =	wrdreg $0x9  }
0xb1: {  	_ =	task.clear_ibuf [dreg:s6], $0x5FFFF;
	_ =	strace $0x90000046  }
0xb2: {  	s29 =	simm.s32 $0x9;
	_ =	strace $0x80000048  }
0xb3: {  	_ =	swait.ge [sflag:s29], $0x1  }
0xb4: {  	[sflag:s29] =	ssyncadd.s32 $0xFFFFFFFF  }
0xb5: {  	_ =	strace $0x90000048  }
0xb6: {  	_ =	sfence  }
0xb7: {  	s30 =	sld [smem:$0x0];
	_ =	sdelay $0x2  }
0xb8: {  	s31 =	sshll.u32 s1, $0xD;
	s1 =	sshrl.u32 s1, $0x2  }
0xb9: {  	s3 =	sand.u32 $0x4000, s31;
	s1 =	sadd.s32 s1, s30  }
0xba: {  	s0 =	sor.u32 s3, s0;
	s1 =	sshll.u32 s1, $0x11  }
0xbb: {  	s0 =	sor.u32 s1, s0  }
0xbc: {  	s0 =	sadd.s32 $0x8F2B, s0  }
0xbd: {  	[sflag:s0] =	ssyncadd.remote.s32 $0x1  }
0xbe: {  	_ =	sfence.sel $0xFFFF  }
0xbf: {  	[dreg:$0x0] =	wrdreg $0xFFFFFFFF;
	(pc) =	sbr.abs _section_cstart, $3  }
0xc0: {  	[dreg:$0x1] =	wrdreg $0xFFFFFFFF  }
0xc1: {  	_ =	task.clear_ibuf [dreg:s6], $0x2FFFF;
	_ =	strace $0x9FFFFFFF  }
0xc2: {  	(tm) =	ssettm $0x7FFFFFFF  }
0xc3: {  	_ =	shalt  }
tec
execute0_lowered:
.L_overlay_start_1:
0x0: {  	(tag) =	ssettag $0x1  }
0x1: {  	s1 =	srdreg.scid;
	s8 =	rddreg [dreg:$0x0]  }
0x2: {  	s0 =	stileid.u32;
	s2 =	rddreg [dreg:$0x1];
	s3 =	simm.s32 $0x0  }
0x3: {  	s17 =	simm.s32 $0x7D;
	s18 =	simm.s32 $0x18880;
	s19 =	simm.s32 $0x0  }
0x4: {  	s5 =	sand.u32 $0x1, s1;
	s1 =	rddreg [dreg:$0x2];
	s9 =	smul.u32 $0x13800, s0  }
0x5: {  	s30 =	sshll.u32 s0, $0x1;
	[smem:$0x7FF] =	sst s3;
	s12 =	smul.u32 $0x4E000, s0  }
0x6: {  	s13 =	sadd.s32 $0x65000, s8;
	s16 =	sadd.s32 $0x138000, s2;
	p0 =	sne.s32 s0, $0xF  }
0x7: {  	s14 =	sshll.u32 s0, $0x6;
	s4 =	sor.u32 s5, s30;
	_ =	strace $0x80000047  }
0x8: {  	s10 =	ssub.s32 $0x2, s5;
	s31 =	smul.u32 $0x138800, s5;
	s14 =	sor.u32 $0x1C01, s14  }
0x9: {  	s16 =	sshrl.u32 @!p0 s16, $0x3;
	s6 =	smul.u32 $0x500, s4;
	s4 =	sadd.s32 $0x16C00, s8  }
0xa: {  	s7 =	sshrl.u32 s9, $0x3;
	s11 =	sshrl.u32 s10, $0x1;
	s12 =	sshrl.u32 s12, $0x2  }
0xb: {  	s7 =	sadd.s32 s7, s8;
	s11 =	ssub.s32 s10, s11;
	s15 =	sadd.s32 s12, s2  }
0xc: {  	s9 =	sadd.s32 s9, s31;
	s10 =	sshrl.u32 s31, $0x3;
	s12 =	simm.s32 $0x1  }
0xd: {  	s6 =	sadd.s32 s6, s8;
	s7 =	sadd.s32 $0x3DE00, s7;
	s9 =	sshrl.u32 s9, $0x3  }
0xe: {  	s8 =	sadd.s32 $0x64E00, s8;
	s10 =	sadd.s32 s13, s10;
	s11 =	smax.u32 s11, $0x1  }
0xf: {  	s15 =	sshrl.u32 s15, $0x3;
	s5 =	sadd.s32 $0xCC00, s6;
	s6 =	sadd.s32 $0x2C00, s6  }
0x10: {  	s9 =	sadd.s32 s13, s9;
	s10 =	sadd.s32 $0x27000, s10;
	s13 =	simm.s32 $0x2800  }
.LBB2_1:
0x11: {  	[tilespmem:s3], [sflag:$0x1] =	stream.linear.gather [hbm4b:s5+s3], $0x2800, $0x38;
	[tilespmem:$0x1C700] =	vst v63  }
0x12: {  	_ =	swait.ge [sflag:s12], $0x2800  }
0x13: {  	[sflag:s12] =	ssyncset.done $0x0  }
0x14: {  	[sflag:s12] =	ssyncadd.s32 $0xFFFFD800  }
0x15: {  	[tilespmem:s13], [sflag:$0x1] =	stream.linear.gather [hbm4b:s6+s3], $0x2800, $0x38;
	[tilespmem:$0x1C700] =	vst v63  }
0x16: {  	_ =	swait.ge [sflag:s12], $0x2800  }
0x17: {  	[sflag:s12] =	ssyncset.done $0x0  }
0x18: {  	[sflag:s12] =	ssyncadd.s32 $0xFFFFD800  }
0x19: {  	[spmem:s15], [sflag:s14] =	dma.local [hbm:s7], $0x2700  }
0x1a: {  	_ =	swait.ge [sflag:s12], $0x2700  }
0x1b: {  	[sflag:s12] =	ssyncset.done $0x0  }
0x1c: {  	s20 =	simm.s32 @!p0 $0x1;
	[sflag:s12] =	ssyncadd.s32 $0xFFFFD900  }
0x1d: {  	[spmem:s16], [sflag:s14] =	dma.local @!p0 [hbm:s8], $0x100  }
0x1e: {  	_ =	swait.ge @!p0 [sflag:s20], $0x100  }
0x1f: {  	[sflag:s20] =	ssyncset.done @!p0 $0x0  }
0x20: {  	[sflag:s20] =	ssyncadd.s32 @!p0 $0xFFFFFF00  }
0x21: {  	s21 =	simm.s32 $0x0;
	[bflag:$0x0] =	sbarrier.arrive $0xFFFF  }
0x22: {  	[tilespmem:s18], [sflag:$0x1] =	stream.indirect.gather [hbm4b:s4+s17], $0x80, s21, s17, $0xb8;
	[tilespmem:$0x1C700] =	vst v63  }
0x23: {  	_ =	swait.ge [sflag:s12], $0x3E80  }
0x24: {  	[sflag:s12] =	ssyncset.done $0x0  }
0x25: {  	s22 =	simm.s32 $0x2800;
	[sflag:s12] =	ssyncadd.s32 $0xFFFFC180  }
0x26: {  	[spmem:s2] =	stream.indirect.scatter.add.f32 [tilespmem:s18], [sflag:$0x1], $0x80, s22, s17, $0xb8;
	[tilespmem:$0x1C700] =	vst v63  }
0x27: {  	_ =	swait.ge [sflag:s12], $0x3E80  }
0x28: {  	[sflag:s12] =	ssyncset.done $0x0  }
0x29: {  	s23 =	simm.s32 $0x80;
	[sflag:s12] =	ssyncadd.s32 $0xFFFFC180  }
0x2a: {  	[tilespmem:s18], [sflag:$0x1] =	stream.indirect.gather [hbm4b:s4+s17], $0x80, s23, s17, $0xb8;
	[tilespmem:$0x1C700] =	vst v63  }
0x2b: {  	_ =	swait.ge [sflag:s12], $0x3E80  }
0x2c: {  	[sflag:s12] =	ssyncset.done $0x0  }
0x2d: {  	s24 =	simm.s32 $0x2880;
	[sflag:s12] =	ssyncadd.s32 $0xFFFFC180  }
0x2e: {  	[spmem:s2] =	stream.indirect.scatter.add.f32 [tilespmem:s18], [sflag:$0x1], $0x80, s24, s17, $0xb8;
	[tilespmem:$0x1C700] =	vst v63  }
0x2f: {  	_ =	swait.ge [sflag:s12], $0x3E80  }
0x30: {  	[sflag:s12] =	ssyncset.done $0x0  }
0x31: {  	s25 =	simm.s32 $0x100;
	[sflag:s12] =	ssyncadd.s32 $0xFFFFC180  }
0x32: {  	[tilespmem:s18], [sflag:$0x1] =	stream.indirect.gather [hbm4b:s4+s17], $0x80, s25, s17, $0xb8;
	[tilespmem:$0x1C700] =	vst v63  }
0x33: {  	_ =	swait.ge [sflag:s12], $0x3E80  }
0x34: {  	[sflag:s12] =	ssyncset.done $0x0  }
0x35: {  	s26 =	simm.s32 $0x2900;
	[sflag:s12] =	ssyncadd.s32 $0xFFFFC180  }
0x36: {  	[spmem:s2] =	stream.indirect.scatter.add.f32 [tilespmem:s18], [sflag:$0x1], $0x80, s26, s17, $0xb8;
	[tilespmem:$0x1C700] =	vst v63  }
0x37: {  	_ =	swait.ge [sflag:s12], $0x3E80  }
0x38: {  	[sflag:s12] =	ssyncset.done $0x0  }
0x39: {  	s28 =	simm.s32 $0x180;
	[sflag:s12] =	ssyncadd.s32 $0xFFFFC180  }
0x3a: {  	[tilespmem:s18], [sflag:$0x1] =	stream.indirect.gather [hbm4b:s4+s17], $0x80, s28, s17, $0xb8;
	[tilespmem:$0x1C700] =	vst v63  }
0x3b: {  	_ =	swait.ge [sflag:s12], $0x3E80  }
0x3c: {  	[sflag:s12] =	ssyncset.done $0x0  }
0x3d: {  	s29 =	simm.s32 $0x2980;
	[sflag:s12] =	ssyncadd.s32 $0xFFFFC180  }
0x3e: {  	[spmem:s2] =	stream.indirect.scatter.add.f32 [tilespmem:s18], [sflag:$0x1], $0x80, s29, s17, $0xb8;
	[tilespmem:$0x1C700] =	vst v63  }
0x3f: {  	_ =	swait.ge [sflag:s12], $0x3E80  }
0x40: {  	[sflag:s12] =	ssyncset.done $0x0  }
0x41: {  	s30 =	simm.s32 $0x200;
	[sflag:s12] =	ssyncadd.s32 $0xFFFFC180  }
0x42: {  	[tilespmem:s18], [sflag:$0x1] =	stream.indirect.gather [hbm4b:s4+s17], $0x80, s30, s17, $0xb8;
	[tilespmem:$0x1C700] =	vst v63  }
0x43: {  	_ =	swait.ge [sflag:s12], $0x3E80  }
0x44: {  	[sflag:s12] =	ssyncset.done $0x0  }
0x45: {  	s31 =	simm.s32 $0x2A00;
	[sflag:s12] =	ssyncadd.s32 $0xFFFFC180  }
0x46: {  	[spmem:s2] =	stream.indirect.scatter.add.f32 [tilespmem:s18], [sflag:$0x1], $0x80, s31, s17, $0xb8;
	[tilespmem:$0x1C700] =	vst v63  }
0x47: {  	_ =	swait.ge [sflag:s12], $0x3E80  }
0x48: {  	s20 =	simm.s32 $0x0;
	s21 =	simm.s32 $0xA00;
	[sflag:s12] =	ssyncset.done $0x0  }
.LBB2_2:
0x49: {  	s22 =	sshra.s32 s21, $0x2;
	[sflag:s12] =	ssyncadd.s32 $0xFFFFC180  }
0x4a: {  	[tilespmem:s18], [sflag:$0x1] =	stream.indirect.gather [hbm4b:s4+s17], $0x80, s22, s17, $0xb8;
	[tilespmem:$0x1C700] =	vst v63  }
0x4b: {  	_ =	swait.ge [sflag:s12], $0x3E80  }
0x4c: {  	[sflag:s12] =	ssyncset.done $0x0  }
0x4d: {  	s23 =	sadd.s32 $0x2800, s22;
	[sflag:s12] =	ssyncadd.s32 $0xFFFFC180  }
0x4e: {  	[spmem:s2] =	stream.indirect.scatter.add.f32 [tilespmem:s18], [sflag:$0x1], $0x80, s23, s17, $0xb8;
	[tilespmem:$0x1C700] =	vst v63  }
0x4f: {  	_ =	swait.ge [sflag:s12], $0x3E80  }
0x50: {  	[sflag:s12] =	ssyncset.done $0x0  }
0x51: {  	s23 =	sadd.s32 $0x80, s22;
	[sflag:s12] =	ssyncadd.s32 $0xFFFFC180  }
0x52: {  	[tilespmem:s18], [sflag:$0x1] =	stream.indirect.gather [hbm4b:s4+s17], $0x80, s23, s17, $0xb8;
	[tilespmem:$0x1C700] =	vst v63  }
0x53: {  	_ =	swait.ge [sflag:s12], $0x3E80  }
0x54: {  	[sflag:s12] =	ssyncset.done $0x0  }
0x55: {  	s23 =	sadd.s32 $0x2880, s22;
	[sflag:s12] =	ssyncadd.s32 $0xFFFFC180  }
0x56: {  	[spmem:s2] =	stream.indirect.scatter.add.f32 [tilespmem:s18], [sflag:$0x1], $0x80, s23, s17, $0xb8;
	[tilespmem:$0x1C700] =	vst v63  }
0x57: {  	_ =	swait.ge [sflag:s12], $0x3E80  }
0x58: {  	[sflag:s12] =	ssyncset.done $0x0  }
0x59: {  	s23 =	sadd.s32 $0x100, s22;
	[sflag:s12] =	ssyncadd.s32 $0xFFFFC180  }
0x5a: {  	[tilespmem:s18], [sflag:$0x1] =	stream.indirect.gather [hbm4b:s4+s17], $0x80, s23, s17, $0xb8;
	[tilespmem:$0x1C700] =	vst v63  }
0x5b: {  	_ =	swait.ge [sflag:s12], $0x3E80  }
0x5c: {  	s20 =	sadd.s32 $0x5, s20;
	[sflag:s12] =	ssyncset.done $0x0  }
0x5d: {  	p1 =	slt.u32 s20, $0x4B;
	s23 =	sadd.s32 $0x2900, s22;
	[sflag:s12] =	ssyncadd.s32 $0xFFFFC180  }
0x5e: {  	[spmem:s2] =	stream.indirect.scatter.add.f32 [tilespmem:s18], [sflag:$0x1], $0x80, s23, s17, $0xb8;
	[tilespmem:$0x1C700] =	vst v63  }
0x5f: {  	_ =	swait.ge [sflag:s12], $0x3E80  }
0x60: {  	[sflag:s12] =	ssyncset.done $0x0  }
0x61: {  	s23 =	sadd.s32 $0x180, s22;
	[sflag:s12] =	ssyncadd.s32 $0xFFFFC180  }
0x62: {  	[tilespmem:s18], [sflag:$0x1] =	stream.indirect.gather [hbm4b:s4+s17], $0x80, s23, s17, $0xb8;
	[tilespmem:$0x1C700] =	vst v63  }
0x63: {  	_ =	swait.ge [sflag:s12], $0x3E80  }
0x64: {  	[sflag:s12] =	ssyncset.done $0x0  }
0x65: {  	s23 =	sadd.s32 $0x2980, s22;
	[sflag:s12] =	ssyncadd.s32 $0xFFFFC180  }
0x66: {  	[spmem:s2] =	stream.indirect.scatter.add.f32 [tilespmem:s18], [sflag:$0x1], $0x80, s23, s17, $0xb8;
	[tilespmem:$0x1C700] =	vst v63  }
0x67: {  	_ =	swait.ge [sflag:s12], $0x3E80  }
0x68: {  	[sflag:s12] =	ssyncset.done $0x0  }
0x69: {  	s23 =	sadd.s32 $0x200, s22;
	[sflag:s12] =	ssyncadd.s32 $0xFFFFC180  }
0x6a: {  	[tilespmem:s18], [sflag:$0x1] =	stream.indirect.gather [hbm4b:s4+s17], $0x80, s23, s17, $0xb8;
	[tilespmem:$0x1C700] =	vst v63  }
0x6b: {  	_ =	swait.ge [sflag:s12], $0x3E80  }
.Ltmp0:
0x6c: {  	[sflag:s12] =	ssyncset.done $0x0;
	(pc) =	sbr.rel @p1 .LBB2_2-.Ltmp0, $4  }
0x6d: {  	s22 =	sadd.s32 $0x2A00, s22;
	[sflag:s12] =	ssyncadd.s32 $0xFFFFC180  }
0x6e: {  	[spmem:s2] =	stream.indirect.scatter.add.f32 [tilespmem:s18], [sflag:$0x1], $0x80, s22, s17, $0xb8;
	[tilespmem:$0x1C700] =	vst v63  }
0x6f: {  	_ =	swait.ge [sflag:s12], $0x3E80  }
0x70: {  	s21 =	sadd.s32 $0xA00, s21;
	[sflag:s12] =	ssyncset.done $0x0  }
0x71: {  	[sflag:s12] =	ssyncadd.s32 $0xFFFFC180  }
0x72: {  	[bflag:$0x0] =	sbarrier.arrive $0xFFFF  }
0x73: {  	[hbm:s9], [sflag:s14] =	dma.local [spmem:s15], $0x2700  }
0x74: {  	s19 =	sadd.s32 $0x1, s19;
	_ =	swait.ge [sflag:s12], $0x2700  }
0x75: {  	p1 =	sne.s32 s19, s11;
	[sflag:s12] =	ssyncset.done $0x0  }
.Ltmp1:
0x76: {  	s20 =	simm.s32 @!p0 $0x1;
	[sflag:s12] =	ssyncadd.s32 $0xFFFFD900;
	(pc) =	sbr.rel @p1 .LBB2_1-.Ltmp1, $4  }
0x77: {  	[hbm:s10], [sflag:s14] =	dma.local @!p0 [spmem:s16], $0x100  }
0x78: {  	_ =	swait.ge @!p0 [sflag:s20], $0x100  }
0x79: {  	[sflag:s20] =	ssyncset.done @!p0 $0x0  }
0x7a: {  	[sflag:s20] =	ssyncadd.s32 @!p0 $0xFFFFFF00  }
0x7b: {  	_ =	sfence.sel $0x180000  }
0x7c: {  	[bflag:$0x0] =	sbarrier.arrive $0xFFFF  }
0x7d: {  	p0 =	sne.s32 s0, $0x0;
	_ =	strace $0x90000047  }
0x7e: {  	s0 =	sadd.s32 @!p0 $0x100000, s1;
	[bflag:$0x2] =	sbarrier.arrive $0xFFFF  }
0x7f: {  	[sflag:s0] =	ssyncadd.tile.s32 @!p0 $0x1;
	_ =	shalt  }
.Lfunc_end2:
_tile_overlayer_lowered:
.L_overlay_start_2:
0x80: {  	(tag) =	ssettag $0x2  }
0x81: {  	s0 =	rddreg [dreg:$0x0];
	s2 =	stileid.u32  }
0x82: {  	s1 =	rddreg [dreg:$0x1];
	p0 =	sne.s32 s2, $0x0  }
0x83: {  	s3 =	rddreg [dreg:$0x2];
	[bflag:$0x3] =	sbarrier.arrive $0xFFFF;
	s2 =	simm.s32 @!p0 $0x1C01  }
0x84: {  	[timem:s3], [sflag:s2] =	dma.local @!p0 [hbm:s0], s1  }
0x85: {  	s0 =	simm.s32 @!p0 $0x1  }
0x86: {  	_ =	swait.ge @!p0 [sflag:s0], s1  }
0x87: {  	s1 =	ssub.s32 @!p0 $0x0, s1;
	[sflag:s0] =	ssyncset.done @!p0 $0x0  }
0x88: {  	[sflag:s0] =	ssyncadd.s32 @!p0 s1  }
0x89: {  	[bflag:$0x3] =	sbarrier.arrive $0xFFFF  }
0x8a: {  	_ =	shalt  }

</sc_bundles>
